<compile_context>
chip_gen: v7x
topology: tpu7x:2x2x1
jax: 0.10.2.dev20260603
libtpu: 0.0.44.dev20260713+nightly
codegen_flags: <defaults>
</compile_context>

<pallas_src>
import jax
import jax.numpy as jnp
from jax import lax
from jax.experimental import pallas as pl
from jax.experimental.pallas import tpu as pltpu
from jax.experimental.pallas import tpu_sc as plsc

NC = 2
NS = 16
NW = NC * NS
DH = 64

_MESH = plsc.VectorSubcoreMesh(
    core_axis_name="c", subcore_axis_name="s", num_cores=NC, num_subcores=NS
)


def _tile_rows(n):
    base = ((n + NS - 1) // NS + 7) // 8 * 8
    last = n - base * (NS - 1)
    assert 0 < last <= base and last % 8 == 0
    return base, last


def _deg_body(dst_hbm, zeros1, out_hbm, dst_v, ones_v, deg_sh, sem):
    c = lax.axis_index("c")
    s = lax.axis_index("s")
    wid = c * NS + s
    nch = dst_v.shape[0]
    n1 = deg_sh.shape[0]

    @pl.when(s == 0)
    def _():
        pltpu.sync_copy(zeros1, deg_sh)

    for k in range(ones_v.shape[0] // 16):
        ones_v[pl.ds(16 * k, 16)] = jnp.ones((16,), jnp.float32)
    pltpu.sync_copy(dst_hbm.at[wid], dst_v)
    plsc.subcore_barrier()

    def fire(j, carry):
        pltpu.async_copy(ones_v, deg_sh.at[dst_v.at[j]], sem, add=True)
        return carry

    lax.fori_loop(0, nch, fire, 0)

    def drain(j, carry):
        pltpu.make_async_copy(ones_v, deg_sh.at[dst_v.at[j]], sem).wait()
        return carry

    lax.fori_loop(0, nch, drain, 0)
    plsc.subcore_barrier()

    @pl.when(s == 0)
    def _():
        pltpu.sync_copy(deg_sh, out_hbm.at[pl.ds(pl.multiple_of(c * n1, 128), n1)])


def _agg_body(hs2_hbm, src_hbm, dst_hbm, zeros2, out_hbm,
              src_v, dst_v, s2a_v, s2b_v, rows_0, rows_1, rows_2, rows_3,
              gsem, ssem, acc_sh):
    c = lax.axis_index("c")
    s = lax.axis_index("s")
    wid = c * NS + s
    nch = src_v.shape[0]
    ch = src_v.shape[1]
    assert nch >= 2
    n = acc_sh.shape[0]
    base, last = _tile_rows(n)
    off = pl.multiple_of(s * base, 8)
    lo_last = base * (NS - 1)
    rows = (rows_0, rows_1, rows_2, rows_3)

    pltpu.sync_copy(src_hbm.at[wid], src_v)
    pltpu.sync_copy(dst_hbm.at[wid], dst_v)

    def xform(q, carry):
        row = q // (ch // 16)
        lane = (q % (ch // 16)) * 16
        v = src_v[row, pl.ds(lane, 16)]
        s2a_v[row, pl.ds(lane, 16)] = v * 2
        s2b_v[row, pl.ds(lane, 16)] = v * 2 + 1
        return carry

    lax.fori_loop(0, nch * (ch // 16), xform, 0)

    for half, s2_v in enumerate((s2a_v, s2b_v)):
        @pl.when(s < NS - 1)
        def _():
            pltpu.sync_copy(zeros2.at[pl.ds(off, base)],
                            acc_sh.at[pl.ds(off, base)])

        @pl.when(s == NS - 1)
        def _():
            pltpu.sync_copy(zeros2.at[pl.ds(lo_last, last)],
                            acc_sh.at[pl.ds(lo_last, last)])

        pltpu.async_copy(hs2_hbm.at[s2_v.at[0]], rows[0], gsem.at[0])
        pltpu.async_copy(hs2_hbm.at[s2_v.at[1]], rows[1], gsem.at[1])
        plsc.subcore_barrier()

        def quad(g, carry, s2_v=s2_v):
            for u in range(4):
                t = 4 * g + u
                b_cur = u
                b_pre = (u + 2) % 4

                @pl.when((t >= 2) & (t < nch + 2))
                def _():
                    pltpu.make_async_copy(
                        rows[b_pre], acc_sh.at[dst_v.at[t - 2]],
                        ssem.at[b_pre]).wait()

                @pl.when(t + 2 < nch)
                def _():
                    pltpu.async_copy(hs2_hbm.at[s2_v.at[t + 2]], rows[b_pre],
                                     gsem.at[b_pre])

                @pl.when(t < nch)
                def _():
                    pltpu.make_async_copy(hs2_hbm.at[s2_v.at[t]], rows[b_cur],
                                          gsem.at[b_cur]).wait()
                    pltpu.async_copy(rows[b_cur], acc_sh.at[dst_v.at[t]],
                                     ssem.at[b_cur], add=True)

            return carry

        lax.fori_loop(0, (nch + 2 + 3) // 4, quad, 0)
        plsc.subcore_barrier()

        @pl.when(s < NS - 1)
        def _():
            pltpu.sync_copy(acc_sh.at[pl.ds(off, base)],
                            out_hbm.at[c, pl.ds(off, base),
                                       pl.ds(half * DH, DH)])

        @pl.when(s == NS - 1)
        def _():
            pltpu.sync_copy(acc_sh.at[pl.ds(lo_last, last)],
                            out_hbm.at[c, pl.ds(lo_last, last),
                                       pl.ds(half * DH, DH)])


def _make_sc_kernels(n, nch, ch):
    n1 = (n + 127) // 128 * 128
    deg_k = pl.kernel(
        _deg_body,
        out_type=jax.ShapeDtypeStruct((NC * n1,), jnp.float32),
        mesh=_MESH,
        scratch_types=[
            pltpu.VMEM((nch, ch), jnp.int32),
            pltpu.VMEM((ch,), jnp.float32),
            pltpu.VMEM_SHARED((n1,), jnp.float32),
            pltpu.SemaphoreType.DMA,
        ],
    )
    agg_k = pl.kernel(
        _agg_body,
        out_type=jax.ShapeDtypeStruct((NC, n, 2 * DH), jnp.float32),
        mesh=_MESH,
        compiler_params=pltpu.CompilerParams(use_tc_tiling_on_sc=False),
        scratch_types=[
            pltpu.VMEM((nch, ch), jnp.int32),
            pltpu.VMEM((nch, ch), jnp.int32),
            pltpu.VMEM((nch, ch), jnp.int32),
            pltpu.VMEM((nch, ch), jnp.int32),
            pltpu.VMEM((ch, DH), jnp.float32),
            pltpu.VMEM((ch, DH), jnp.float32),
            pltpu.VMEM((ch, DH), jnp.float32),
            pltpu.VMEM((ch, DH), jnp.float32),
            pltpu.SemaphoreType.DMA((4,)),
            pltpu.SemaphoreType.DMA((4,)),
            pltpu.VMEM_SHARED((n, DH), jnp.float32),
        ],
    )
    return deg_k, agg_k


def _dis_col(degp_ref, nrows):
    deg = degp_ref[0] + degp_ref[1] + 1.0
    dis = lax.rsqrt(deg)
    return jnp.transpose(dis)[:nrows, :]


def _tc1_body(x_ref, w1_ref, degp_ref, h1s_ref):
    dis = _dis_col(degp_ref, x_ref.shape[0])
    h = jnp.dot(x_ref[...], w1_ref[...], preferred_element_type=jnp.float32)
    h1s_ref[...] = h * dis


def _tc2_body(agg_ref, h1s_ref, degp_ref, b1_ref, w2_ref, h2s_ref):
    dis = _dis_col(degp_ref, h1s_ref.shape[0])
    pre = (agg_ref[0] + agg_ref[1] + h1s_ref[...]) * dis + b1_ref[...]
    h1 = jnp.maximum(pre, 0.0)
    h2 = jnp.dot(h1, w2_ref[...], preferred_element_type=jnp.float32)
    h2s_ref[...] = h2 * dis


def _tc3_body(agg_ref, h2s_ref, degp_ref, b2_ref, out_ref):
    dis = _dis_col(degp_ref, h2s_ref.shape[0])
    out_ref[...] = (agg_ref[0] + agg_ref[1] + h2s_ref[...]) * dis \
        + b2_ref[...]


def kernel(x, edge_index, W1, b1, W2, b2):
    n, _ = x.shape
    d_hid = W1.shape[1]
    d_out = W2.shape[1]
    e = edge_index.shape[1]
    assert d_hid == 2 * DH and d_out == 2 * DH

    per_w = e // NW
    ch = 80
    while per_w % ch:
        ch -= 8
    nch = per_w // ch

    ei = edge_index.astype(jnp.int32)
    src = ei[0].reshape(NW, nch, ch)
    dst = ei[1].reshape(NW, nch, ch)
    n1 = (n + 127) // 128 * 128
    zeros1 = jnp.zeros((n1,), jnp.float32)
    zeros2 = jnp.zeros((n, DH), jnp.float32)

    deg_k, agg_k = _make_sc_kernels(n, nch, ch)

    degp = deg_k(dst, zeros1)
    degp2 = degp.reshape(NC, 1, n1)

    tc1 = pl.pallas_call(
        _tc1_body,
        out_shape=jax.ShapeDtypeStruct((n, d_hid), jnp.float32),
    )
    h1s = tc1(x, W1, degp2)

    agg1 = agg_k(h1s.reshape(2 * n, DH), src, dst, zeros2)

    tc2 = pl.pallas_call(
        _tc2_body,
        out_shape=jax.ShapeDtypeStruct((n, d_hid), jnp.float32),
    )
    h2s = tc2(agg1, h1s, degp2, b1.reshape(1, d_hid), W2)

    agg2 = agg_k(h2s.reshape(2 * n, DH), src, dst, zeros2)

    tc3 = pl.pallas_call(
        _tc3_body,
        out_shape=jax.ShapeDtypeStruct((n, d_out), jnp.float32),
    )
    out = tc3(agg2, h2s, degp2, b2.reshape(1, d_out))
    return out

# --- scband reference (transcript-rebuilt; emitter-appended) ---
"""Pipeline reference for scband-gnnencoder-14388140441815 (READ-ONLY COPY).

The authoritative reference and input builder live on the scoring server;
editing this copy changes nothing except your own understanding.
"""

import jax, jax.numpy as jnp
import numpy as np

N_NODES = 10000
D_IN = 128
D_HID = 128
D_OUT = 128
N_EDGES = 320000


def _gcn_conv(x, edge_index, W, b, n_nodes):
    # PyG GCNConv semantics: add self-loops, symmetric normalization,
    # linear transform, scatter-add aggregation, then bias.
    src = edge_index[0]
    dst = edge_index[1]
    loop = jnp.arange(n_nodes, dtype=edge_index.dtype)
    src = jnp.concatenate([src, loop])
    dst = jnp.concatenate([dst, loop])
    deg = jnp.zeros((n_nodes,), dtype=x.dtype).at[dst].add(1.0)
    deg_inv_sqrt = jnp.where(deg > 0, deg ** -0.5, 0.0)
    norm = deg_inv_sqrt[src] * deg_inv_sqrt[dst]
    h = x @ W
    msg = h[src] * norm[:, None]
    out = jnp.zeros((n_nodes, h.shape[1]), dtype=h.dtype).at[dst].add(msg)
    return out + b


def setup_inputs(seed: int = 0) -> dict:
    key = jax.random.key(seed)
    k1, k2, k3, k4, k5, k6 = jax.random.split(key, 6)
    x = jax.random.normal(k1, (N_NODES, D_IN), dtype=jnp.float32)
    edge_index = jax.random.randint(k2, (2, N_EDGES), 0, N_NODES, dtype=jnp.int64)
    s1 = 1.0 / np.sqrt(D_IN)
    s2 = 1.0 / np.sqrt(D_HID)
    W1 = jax.random.uniform(k3, (D_IN, D_HID), minval=-s1, maxval=s1, dtype=jnp.float32)
    b1 = jax.random.uniform(k4, (D_HID,), minval=-s1, maxval=s1, dtype=jnp.float32)
    W2 = jax.random.uniform(k5, (D_HID, D_OUT), minval=-s2, maxval=s2, dtype=jnp.float32)
    b2 = jax.random.uniform(k6, (D_OUT,), minval=-s2, maxval=s2, dtype=jnp.float32)
    return {"x": x, "edge_index": edge_index, "W1": W1, "b1": b1, "W2": W2, "b2": b2}


def reference(x, edge_index, W1, b1, W2, b2):
    h = _gcn_conv(x, edge_index, W1, b1, N_NODES)
    h = jax.nn.relu(h)
    # dropout (p=0.2) is identity in eval mode
    out = _gcn_conv(h, edge_index, W2, b2, N_NODES)
    return out

if __name__ == "__main__":
    import jax
    _d = setup_inputs()
    print(jax.jit(kernel)(*tuple(_d.values())))

</pallas_src>

<mosaic_0001>
#map = affine_map<(d0, d1) -> (0, 0)>
#map1 = affine_map<(d0, d1) -> (0, 0, 0)>
module attributes {stable_mosaic.version = 14 : i64} {
  func.func @_agg_body(%arg0: i32, %arg1: i32, %arg2: memref<20000x64xf32, #tpu.memory_space<hbm>>, %arg3: memref<32x125x80xi32, #tpu.memory_space<hbm>>, %arg4: memref<32x125x80xi32, #tpu.memory_space<hbm>>, %arg5: memref<10000x64xf32, #tpu.memory_space<hbm>>, %arg6: memref<2x10000x128xf32, #tpu.memory_space<hbm>>, %arg7: memref<125x80xi32, #tpu.memory_space<vmem>>, %arg8: memref<125x80xi32, #tpu.memory_space<vmem>>, %arg9: memref<125x80xi32, #tpu.memory_space<vmem>>, %arg10: memref<125x80xi32, #tpu.memory_space<vmem>>, %arg11: memref<80x64xf32, #tpu.memory_space<vmem>>, %arg12: memref<80x64xf32, #tpu.memory_space<vmem>>, %arg13: memref<80x64xf32, #tpu.memory_space<vmem>>, %arg14: memref<80x64xf32, #tpu.memory_space<vmem>>, %arg15: memref<4x!tpu.dma_semaphore, #tpu.memory_space<semaphore_mem>>, %arg16: memref<4x!tpu.dma_semaphore, #tpu.memory_space<semaphore_mem>>, %arg17: memref<10000x64xf32, #tpu.memory_space<vmem_shared>>) attributes {dimension_semantics = [#tpu.dimension_semantics<core_parallel>, #tpu.dimension_semantics<subcore_parallel>], iteration_bounds = array<i64: 2, 16>, scalar_prefetch = 0 : i64, scratch_operands = 11 : i64, tpu.core_type = #tpu.core_type<sc_vector_subcore>, window_params = [{transform_indices = #map}, {transform_indices = #map1}, {transform_indices = #map1}, {transform_indices = #map}, {transform_indices = #map1}]} {
    %mul3A = arith.constant 16 : i32
    %mul3A_0 = arith.muli %arg0, %mul3A : i32
    %add3A = arith.addi %mul3A_0, %arg1 : i32
    %mul3A_1 = arith.constant 632 : i32
    %mul3A_2 = arith.muli %arg1, %mul3A_1 : i32
    %multiple_of3A = tpu.assume_multiple %mul3A_2, 8 : i32
    "tpu.region"() ({
      %run_scoped3A = tpu.sem_alloc : memref<!tpu.dma_semaphore, #tpu.memory_space<semaphore_mem>>
      %dma_start3A_98 = arith.constant 0 : i32
      %dma_start3A_99 = arith.constant 0 : i32
      %dma_start3A_100 = tpu.memref_slice %arg3[%add3A, %dma_start3A_98, %dma_start3A_99] : memref<32x125x80xi32, #tpu.memory_space<hbm>> -> memref<1x125x80xi32, #tpu.memory_space<hbm>>
      %dma_start3A_101 = tpu.memref_squeeze %dma_start3A_100 : memref<1x125x80xi32, #tpu.memory_space<hbm>> -> memref<125x80xi32, #tpu.memory_space<hbm>>
      %dma_start3A_102 = arith.constant 0 : i32
      %dma_start3A_103 = arith.constant 0 : i32
      %dma_start3A_104 = tpu.memref_slice %arg3[%add3A, %dma_start3A_102, %dma_start3A_103] : memref<32x125x80xi32, #tpu.memory_space<hbm>> -> memref<1x125x80xi32, #tpu.memory_space<hbm>>
      %dma_start3A_105 = tpu.memref_squeeze %dma_start3A_104 : memref<1x125x80xi32, #tpu.memory_space<hbm>> -> memref<125x80xi32, #tpu.memory_space<hbm>>
      tpu.enqueue_dma source(%dma_start3A_105 : memref<125x80xi32, #tpu.memory_space<hbm>>) target(%arg7 : memref<125x80xi32, #tpu.memory_space<vmem>>) target_semaphore(%run_scoped3A : memref<!tpu.dma_semaphore, #tpu.memory_space<semaphore_mem>>)
      %dma_wait3A = arith.constant 0 : i32
      %dma_wait3A_106 = arith.constant 0 : i32
      %dma_wait3A_107 = tpu.memref_slice %arg3[%add3A, %dma_wait3A, %dma_wait3A_106] : memref<32x125x80xi32, #tpu.memory_space<hbm>> -> memref<1x125x80xi32, #tpu.memory_space<hbm>>
      %dma_wait3A_108 = tpu.memref_squeeze %dma_wait3A_107 : memref<1x125x80xi32, #tpu.memory_space<hbm>> -> memref<125x80xi32, #tpu.memory_space<hbm>>
      %dma_wait3A_109 = arith.constant 0 : i32
      %dma_wait3A_110 = arith.constant 0 : i32
      %dma_wait3A_111 = tpu.memref_slice %arg3[%add3A, %dma_wait3A_109, %dma_wait3A_110] : memref<32x125x80xi32, #tpu.memory_space<hbm>> -> memref<1x125x80xi32, #tpu.memory_space<hbm>>
      %dma_wait3A_112 = tpu.memref_squeeze %dma_wait3A_111 : memref<1x125x80xi32, #tpu.memory_space<hbm>> -> memref<125x80xi32, #tpu.memory_space<hbm>>
      tpu.wait_dma2 semaphore(%run_scoped3A : memref<!tpu.dma_semaphore, #tpu.memory_space<semaphore_mem>>) src(%dma_wait3A_112 : memref<125x80xi32, #tpu.memory_space<hbm>>) dst(%arg7 : memref<125x80xi32, #tpu.memory_space<vmem>>)
      tpu.yield
    }) : () -> ()
    "tpu.region"() ({
      %run_scoped3A = tpu.sem_alloc : memref<!tpu.dma_semaphore, #tpu.memory_space<semaphore_mem>>
      %dma_start3A_98 = arith.constant 0 : i32
      %dma_start3A_99 = arith.constant 0 : i32
      %dma_start3A_100 = tpu.memref_slice %arg4[%add3A, %dma_start3A_98, %dma_start3A_99] : memref<32x125x80xi32, #tpu.memory_space<hbm>> -> memref<1x125x80xi32, #tpu.memory_space<hbm>>
      %dma_start3A_101 = tpu.memref_squeeze %dma_start3A_100 : memref<1x125x80xi32, #tpu.memory_space<hbm>> -> memref<125x80xi32, #tpu.memory_space<hbm>>
      %dma_start3A_102 = arith.constant 0 : i32
      %dma_start3A_103 = arith.constant 0 : i32
      %dma_start3A_104 = tpu.memref_slice %arg4[%add3A, %dma_start3A_102, %dma_start3A_103] : memref<32x125x80xi32, #tpu.memory_space<hbm>> -> memref<1x125x80xi32, #tpu.memory_space<hbm>>
      %dma_start3A_105 = tpu.memref_squeeze %dma_start3A_104 : memref<1x125x80xi32, #tpu.memory_space<hbm>> -> memref<125x80xi32, #tpu.memory_space<hbm>>
      tpu.enqueue_dma source(%dma_start3A_105 : memref<125x80xi32, #tpu.memory_space<hbm>>) target(%arg8 : memref<125x80xi32, #tpu.memory_space<vmem>>) target_semaphore(%run_scoped3A : memref<!tpu.dma_semaphore, #tpu.memory_space<semaphore_mem>>)
      %dma_wait3A = arith.constant 0 : i32
      %dma_wait3A_106 = arith.constant 0 : i32
      %dma_wait3A_107 = tpu.memref_slice %arg4[%add3A, %dma_wait3A, %dma_wait3A_106] : memref<32x125x80xi32, #tpu.memory_space<hbm>> -> memref<1x125x80xi32, #tpu.memory_space<hbm>>
      %dma_wait3A_108 = tpu.memref_squeeze %dma_wait3A_107 : memref<1x125x80xi32, #tpu.memory_space<hbm>> -> memref<125x80xi32, #tpu.memory_space<hbm>>
      %dma_wait3A_109 = arith.constant 0 : i32
      %dma_wait3A_110 = arith.constant 0 : i32
      %dma_wait3A_111 = tpu.memref_slice %arg4[%add3A, %dma_wait3A_109, %dma_wait3A_110] : memref<32x125x80xi32, #tpu.memory_space<hbm>> -> memref<1x125x80xi32, #tpu.memory_space<hbm>>
      %dma_wait3A_112 = tpu.memref_squeeze %dma_wait3A_111 : memref<1x125x80xi32, #tpu.memory_space<hbm>> -> memref<125x80xi32, #tpu.memory_space<hbm>>
      tpu.wait_dma2 semaphore(%run_scoped3A : memref<!tpu.dma_semaphore, #tpu.memory_space<semaphore_mem>>) src(%dma_wait3A_112 : memref<125x80xi32, #tpu.memory_space<hbm>>) dst(%arg8 : memref<125x80xi32, #tpu.memory_space<vmem>>)
      tpu.yield
    }) : () -> ()
    %scan3A = arith.constant 0 : i32
    %scan3A_3 = arith.constant 0 : i32
    %scan3A_4 = arith.constant 625 : i32
    %scan3A_5 = arith.addi %scan3A_3, %scan3A_4 : i32
    %scan3A_6 = arith.constant 1 : i32
    scf.for %scan3A_98 = %scan3A_3 to %scan3A_5 step %scan3A_6  : i32 {
      %jit3A = arith.constant 5 : i32
      %div3A = arith.divsi %scan3A_98, %jit3A : i32
      %sign3A = arith.constant 0 : i32
      %sign3A_99 = arith.cmpi sgt, %scan3A_98, %sign3A : i32
      %sign3A_100 = arith.extui %sign3A_99 : i1 to i32
      %sign3A_101 = arith.constant 0 : i32
      %sign3A_102 = arith.cmpi slt, %scan3A_98, %sign3A_101 : i32
      %sign3A_103 = arith.extui %sign3A_102 : i1 to i32
      %sign3A_104 = arith.subi %sign3A_100, %sign3A_103 : i32
      %sign3A_105 = arith.constant 0 : i32
      %sign3A_106 = arith.cmpi sgt, %jit3A, %sign3A_105 : i32
      %sign3A_107 = arith.extui %sign3A_106 : i1 to i32
      %sign3A_108 = arith.constant 0 : i32
      %sign3A_109 = arith.cmpi slt, %jit3A, %sign3A_108 : i32
      %sign3A_110 = arith.extui %sign3A_109 : i1 to i32
      %sign3A_111 = arith.subi %sign3A_107, %sign3A_110 : i32
      %ne3A = arith.cmpi ne, %sign3A_104, %sign3A_111 : i32
      %rem3A = arith.remsi %scan3A_98, %jit3A : i32
      %ne3A_112 = arith.constant 0 : i32
      %ne3A_113 = arith.cmpi ne, %rem3A, %ne3A_112 : i32
      %and3A = arith.andi %ne3A, %ne3A_113 : i1
      %sub3A = arith.constant 1 : i32
      %sub3A_114 = arith.subi %div3A, %sub3A : i32
      %select_n3A = arith.select %and3A, %sub3A_114, %div3A : i32
      %jit3A_115 = arith.constant 5 : i32
      %eq3A_116 = arith.constant 0 : i32
      %eq3A_117 = arith.cmpi eq, %jit3A_115, %eq3A_116 : i32
      %jit3A_118 = arith.constant 1 : i32
      %select_n3A_119 = arith.select %eq3A_117, %jit3A_118, %jit3A_115 : i32
      %rem3A_120 = arith.remsi %scan3A_98, %select_n3A_119 : i32
      %ne3A_121 = arith.constant 0 : i32
      %ne3A_122 = arith.cmpi ne, %rem3A_120, %ne3A_121 : i32
      %lt3A_123 = arith.constant 0 : i32
      %lt3A_124 = arith.cmpi slt, %rem3A_120, %lt3A_123 : i32
      %lt3A_125 = arith.constant 0 : i32
      %lt3A_126 = arith.cmpi slt, %select_n3A_119, %lt3A_125 : i32
      %ne3A_127 = arith.xori %lt3A_124, %lt3A_126 : i1
      %and3A_128 = arith.andi %ne3A_127, %ne3A_122 : i1
      %add3A_129 = arith.addi %rem3A_120, %select_n3A_119 : i32
      %select_n3A_130 = arith.select %and3A_128, %add3A_129, %rem3A_120 : i32
      %mul3A_131 = arith.constant 16 : i32
      %mul3A_132 = arith.muli %select_n3A_130, %mul3A_131 : i32
      %get3A = arith.index_cast %select_n3A : i32 to index
      %get3A_133 = arith.index_cast %mul3A_132 : i32 to index
      %get3A_134 = tpu.vector_load %arg7[%get3A, %get3A_133] {strides = array<i32>} : memref<125x80xi32, #tpu.memory_space<vmem>>, vector<1x16xi32>,
      %get3A_135 = vector.shape_cast %get3A_134 : vector<1x16xi32> to vector<16xi32>
      %mul3A_136 = arith.constant 2 : i32
      %mul3A_137 = vector.broadcast %mul3A_136 : i32 to vector<16xi32>
      %mul3A_138 = arith.muli %get3A_135, %mul3A_137 : vector<16xi32>
      %swap3A = arith.index_cast %select_n3A : i32 to index
      %swap3A_139 = arith.index_cast %mul3A_132 : i32 to index
      %swap3A_140 = tpu.vector_load %arg9[%swap3A, %swap3A_139] {strides = array<i32>} : memref<125x80xi32, #tpu.memory_space<vmem>>, vector<1x16xi32>,
      %swap3A_141 = vector.shape_cast %swap3A_140 : vector<1x16xi32> to vector<16xi32>
      %swap3A_142 = vector.shape_cast %mul3A_138 : vector<16xi32> to vector<1x16xi32>
      tpu.vector_store %arg9[%swap3A, %swap3A_139], %swap3A_142 {strides = array<i32>} : memref<125x80xi32, #tpu.memory_space<vmem>>, vector<1x16xi32>,
      %mul3A_143 = arith.constant 2 : i32
      %mul3A_144 = vector.broadcast %mul3A_143 : i32 to vector<16xi32>
      %mul3A_145 = arith.muli %get3A_135, %mul3A_144 : vector<16xi32>
      %add3A_146 = arith.constant 1 : i32
      %add3A_147 = vector.broadcast %add3A_146 : i32 to vector<16xi32>
      %add3A_148 = arith.addi %mul3A_145, %add3A_147 : vector<16xi32>
      %swap3A_149 = arith.index_cast %select_n3A : i32 to index
      %swap3A_150 = arith.index_cast %mul3A_132 : i32 to index
      %swap3A_151 = tpu.vector_load %arg10[%swap3A_149, %swap3A_150] {strides = array<i32>} : memref<125x80xi32, #tpu.memory_space<vmem>>, vector<1x16xi32>,
      %swap3A_152 = vector.shape_cast %swap3A_151 : vector<1x16xi32> to vector<16xi32>
      %swap3A_153 = vector.shape_cast %add3A_148 : vector<16xi32> to vector<1x16xi32>
      tpu.vector_store %arg10[%swap3A_149, %swap3A_150], %swap3A_153 {strides = array<i32>} : memref<125x80xi32, #tpu.memory_space<vmem>>, vector<1x16xi32>,
    }
    %scan3A_7 = arith.constant 625 : i32
    %lt3A = arith.constant 15 : i32
    %lt3A_8 = arith.cmpi slt, %arg1, %lt3A : i32
    %convert_element_type3A = arith.extui %lt3A_8 : i1 to i32
    %cond3A = arith.constant 0 : i32
    %cond3A_9 = arith.cmpi ne, %convert_element_type3A, %cond3A : i32
    scf.if %cond3A_9 {
      "tpu.region"() ({
        %run_scoped3A = tpu.sem_alloc : memref<!tpu.dma_semaphore, #tpu.memory_space<semaphore_mem>>
        %dma_start3A_98 = arith.constant 0 : i32
        %dma_start3A_99 = tpu.memref_slice %arg17[%multiple_of3A, %dma_start3A_98] : memref<10000x64xf32, #tpu.memory_space<vmem_shared>> -> memref<632x64xf32, #tpu.memory_space<vmem_shared>>
        %dma_start3A_100 = arith.constant 0 : i32
        %dma_start3A_101 = tpu.memref_slice %arg5[%multiple_of3A, %dma_start3A_100] : memref<10000x64xf32, #tpu.memory_space<hbm>> -> memref<632x64xf32, #tpu.memory_space<hbm>>
        tpu.enqueue_dma source(%dma_start3A_101 : memref<632x64xf32, #tpu.memory_space<hbm>>) target(%dma_start3A_99 : memref<632x64xf32, #tpu.memory_space<vmem_shared>>) target_semaphore(%run_scoped3A : memref<!tpu.dma_semaphore, #tpu.memory_space<semaphore_mem>>)
        %dma_wait3A = arith.constant 0 : i32
        %dma_wait3A_102 = tpu.memref_slice %arg17[%multiple_of3A, %dma_wait3A] : memref<10000x64xf32, #tpu.memory_space<vmem_shared>> -> memref<632x64xf32, #tpu.memory_space<vmem_shared>>
        %dma_wait3A_103 = arith.constant 0 : i32
        %dma_wait3A_104 = tpu.memref_slice %arg5[%multiple_of3A, %dma_wait3A_103] : memref<10000x64xf32, #tpu.memory_space<hbm>> -> memref<632x64xf32, #tpu.memory_space<hbm>>
        tpu.wait_dma2 semaphore(%run_scoped3A : memref<!tpu.dma_semaphore, #tpu.memory_space<semaphore_mem>>) src(%dma_wait3A_104 : memref<632x64xf32, #tpu.memory_space<hbm>>) dst(%dma_wait3A_102 : memref<632x64xf32, #tpu.memory_space<vmem_shared>>)
        tpu.yield
      }) : () -> ()
    } else {
    }
    %eq3A = arith.constant 15 : i32
    %eq3A_10 = arith.cmpi eq, %arg1, %eq3A : i32
    %convert_element_type3A_11 = arith.extui %eq3A_10 : i1 to i32
    %cond3A_12 = arith.constant 0 : i32
    %cond3A_13 = arith.cmpi ne, %convert_element_type3A_11, %cond3A_12 : i32
    scf.if %cond3A_13 {
      "tpu.region"() ({
        %run_scoped3A = tpu.sem_alloc : memref<!tpu.dma_semaphore, #tpu.memory_space<semaphore_mem>>
        %dma_start3A_98 = arith.constant 9480 : i32
        %dma_start3A_99 = arith.constant 0 : i32
        %dma_start3A_100 = tpu.memref_slice %arg17[%dma_start3A_98, %dma_start3A_99] : memref<10000x64xf32, #tpu.memory_space<vmem_shared>> -> memref<520x64xf32, #tpu.memory_space<vmem_shared>>
        %dma_start3A_101 = arith.constant 9480 : i32
        %dma_start3A_102 = arith.constant 0 : i32
        %dma_start3A_103 = tpu.memref_slice %arg5[%dma_start3A_101, %dma_start3A_102] : memref<10000x64xf32, #tpu.memory_space<hbm>> -> memref<520x64xf32, #tpu.memory_space<hbm>>
        tpu.enqueue_dma source(%dma_start3A_103 : memref<520x64xf32, #tpu.memory_space<hbm>>) target(%dma_start3A_100 : memref<520x64xf32, #tpu.memory_space<vmem_shared>>) target_semaphore(%run_scoped3A : memref<!tpu.dma_semaphore, #tpu.memory_space<semaphore_mem>>)
        %dma_wait3A = arith.constant 9480 : i32
        %dma_wait3A_104 = arith.constant 0 : i32
        %dma_wait3A_105 = tpu.memref_slice %arg17[%dma_wait3A, %dma_wait3A_104] : memref<10000x64xf32, #tpu.memory_space<vmem_shared>> -> memref<520x64xf32, #tpu.memory_space<vmem_shared>>
        %dma_wait3A_106 = arith.constant 9480 : i32
        %dma_wait3A_107 = arith.constant 0 : i32
        %dma_wait3A_108 = tpu.memref_slice %arg5[%dma_wait3A_106, %dma_wait3A_107] : memref<10000x64xf32, #tpu.memory_space<hbm>> -> memref<520x64xf32, #tpu.memory_space<hbm>>
        tpu.wait_dma2 semaphore(%run_scoped3A : memref<!tpu.dma_semaphore, #tpu.memory_space<semaphore_mem>>) src(%dma_wait3A_108 : memref<520x64xf32, #tpu.memory_space<hbm>>) dst(%dma_wait3A_105 : memref<520x64xf32, #tpu.memory_space<vmem_shared>>)
        tpu.yield
      }) : () -> ()
    } else {
    }
    %dma_start3A = arith.constant 0 : i32
    %dma_start3A_14 = arith.constant 0 : i32
    %dma_start3A_15 = arith.constant 0 : i32
    %dma_start3A_16 = tpu.memref_slice %arg9[%dma_start3A, %dma_start3A_15] : memref<125x80xi32, #tpu.memory_space<vmem>> -> memref<1x80xi32, #tpu.memory_space<vmem>>
    %dma_start3A_17 = tpu.memref_squeeze %dma_start3A_16 : memref<1x80xi32, #tpu.memory_space<vmem>> -> memref<80xi32, #tpu.memory_space<vmem>>
    %dma_start3A_18 = arith.constant 0 : i32
    %dma_start3A_19 = arith.constant 0 : i32
    %dma_start3A_20 = tpu.memref_slice %arg2[%dma_start3A_18, %dma_start3A_19] : memref<20000x64xf32, #tpu.memory_space<hbm>> -> memref<20000x64xf32, #tpu.memory_space<hbm>>
    %dma_start3A_21 = tpu.memref_slice %arg15[%dma_start3A_14] : memref<4x!tpu.dma_semaphore, #tpu.memory_space<semaphore_mem>> -> memref<1x!tpu.dma_semaphore, #tpu.memory_space<semaphore_mem>>
    %dma_start3A_22 = tpu.memref_squeeze %dma_start3A_21 : memref<1x!tpu.dma_semaphore, #tpu.memory_space<semaphore_mem>> -> memref<!tpu.dma_semaphore, #tpu.memory_space<semaphore_mem>>
    tpu.enqueue_indirect_dma source(%dma_start3A_20 : memref<20000x64xf32, #tpu.memory_space<hbm>>) target(%arg11 : memref<80x64xf32, #tpu.memory_space<vmem>>) offsets(%dma_start3A_17 : memref<80xi32, #tpu.memory_space<vmem>>) semaphore(%dma_start3A_22 : memref<!tpu.dma_semaphore, #tpu.memory_space<semaphore_mem>>)
    %dma_start3A_23 = arith.constant 1 : i32
    %dma_start3A_24 = arith.constant 1 : i32
    %dma_start3A_25 = arith.constant 0 : i32
    %dma_start3A_26 = tpu.memref_slice %arg9[%dma_start3A_23, %dma_start3A_25] : memref<125x80xi32, #tpu.memory_space<vmem>> -> memref<1x80xi32, #tpu.memory_space<vmem>>
    %dma_start3A_27 = tpu.memref_squeeze %dma_start3A_26 : memref<1x80xi32, #tpu.memory_space<vmem>> -> memref<80xi32, #tpu.memory_space<vmem>>
    %dma_start3A_28 = arith.constant 0 : i32
    %dma_start3A_29 = arith.constant 0 : i32
    %dma_start3A_30 = tpu.memref_slice %arg2[%dma_start3A_28, %dma_start3A_29] : memref<20000x64xf32, #tpu.memory_space<hbm>> -> memref<20000x64xf32, #tpu.memory_space<hbm>>
    %dma_start3A_31 = tpu.memref_slice %arg15[%dma_start3A_24] : memref<4x!tpu.dma_semaphore, #tpu.memory_space<semaphore_mem>> -> memref<1x!tpu.dma_semaphore, #tpu.memory_space<semaphore_mem>>
    %dma_start3A_32 = tpu.memref_squeeze %dma_start3A_31 : memref<1x!tpu.dma_semaphore, #tpu.memory_space<semaphore_mem>> -> memref<!tpu.dma_semaphore, #tpu.memory_space<semaphore_mem>>
    tpu.enqueue_indirect_dma source(%dma_start3A_30 : memref<20000x64xf32, #tpu.memory_space<hbm>>) target(%arg12 : memref<80x64xf32, #tpu.memory_space<vmem>>) offsets(%dma_start3A_27 : memref<80xi32, #tpu.memory_space<vmem>>) semaphore(%dma_start3A_32 : memref<!tpu.dma_semaphore, #tpu.memory_space<semaphore_mem>>)
    %barrier3A = arith.constant 0 : index
    tpu.barrier barrier_id(%barrier3A)
    %scan3A_33 = arith.constant 0 : i32
    %scan3A_34 = arith.constant 0 : i32
    %scan3A_35 = arith.constant 32 : i32
    %scan3A_36 = arith.addi %scan3A_34, %scan3A_35 : i32
    %scan3A_37 = arith.constant 1 : i32
    scf.for %scan3A_98 = %scan3A_34 to %scan3A_36 step %scan3A_37  : i32 {
      %mul3A_99 = arith.constant 4 : i32
      %mul3A_100 = arith.muli %mul3A_99, %scan3A_98 : i32
      %add3A_101 = arith.constant 0 : i32
      %add3A_102 = arith.addi %mul3A_100, %add3A_101 : i32
      %ge3A = arith.constant 2 : i32
      %ge3A_103 = arith.cmpi sge, %add3A_102, %ge3A : i32
      %lt3A_104 = arith.constant 127 : i32
      %lt3A_105 = arith.cmpi slt, %add3A_102, %lt3A_104 : i32
      %and3A = arith.andi %ge3A_103, %lt3A_105 : i1
      %convert_element_type3A_106 = arith.extui %and3A : i1 to i32
      %cond3A_107 = arith.constant 0 : i32
      %cond3A_108 = arith.cmpi ne, %convert_element_type3A_106, %cond3A_107 : i32
      scf.if %cond3A_108 {
        %sub3A = arith.constant 2 : i32
        %sub3A_193 = arith.subi %add3A_102, %sub3A : i32
        %dma_wait3A = arith.constant 2 : i32
        %dma_wait3A_194 = arith.constant 0 : i32
        %dma_wait3A_195 = tpu.memref_slice %arg8[%sub3A_193, %dma_wait3A_194] : memref<125x80xi32, #tpu.memory_space<vmem>> -> memref<1x80xi32, #tpu.memory_space<vmem>>
        %dma_wait3A_196 = tpu.memref_squeeze %dma_wait3A_195 : memref<1x80xi32, #tpu.memory_space<vmem>> -> memref<80xi32, #tpu.memory_space<vmem>>
        %dma_wait3A_197 = arith.constant 0 : i32
        %dma_wait3A_198 = arith.constant 0 : i32
        %dma_wait3A_199 = tpu.memref_slice %arg17[%dma_wait3A_197, %dma_wait3A_198] : memref<10000x64xf32, #tpu.memory_space<vmem_shared>> -> memref<10000x64xf32, #tpu.memory_space<vmem_shared>>
        %dma_wait3A_200 = tpu.memref_slice %arg16[%dma_wait3A] : memref<4x!tpu.dma_semaphore, #tpu.memory_space<semaphore_mem>> -> memref<1x!tpu.dma_semaphore, #tpu.memory_space<semaphore_mem>>
        %dma_wait3A_201 = tpu.memref_squeeze %dma_wait3A_200 : memref<1x!tpu.dma_semaphore, #tpu.memory_space<semaphore_mem>> -> memref<!tpu.dma_semaphore, #tpu.memory_space<semaphore_mem>>
        tpu.wait_indirect_dma semaphore(%dma_wait3A_201 : memref<!tpu.dma_semaphore, #tpu.memory_space<semaphore_mem>>) src(%arg13 : memref<80x64xf32, #tpu.memory_space<vmem>>) dst(%dma_wait3A_199 : memref<10000x64xf32, #tpu.memory_space<vmem_shared>>)
      } else {
      }
      %add3A_109 = arith.constant 2 : i32
      %add3A_110 = arith.addi %add3A_102, %add3A_109 : i32
      %lt3A_111 = arith.constant 125 : i32
      %lt3A_112 = arith.cmpi slt, %add3A_110, %lt3A_111 : i32
      %convert_element_type3A_113 = arith.extui %lt3A_112 : i1 to i32
      %cond3A_114 = arith.constant 0 : i32
      %cond3A_115 = arith.cmpi ne, %convert_element_type3A_113, %cond3A_114 : i32
      scf.if %cond3A_115 {
        %add3A_193 = arith.constant 2 : i32
        %add3A_194 = arith.addi %add3A_102, %add3A_193 : i32
        %dma_start3A_195 = arith.constant 2 : i32
        %dma_start3A_196 = arith.constant 0 : i32
        %dma_start3A_197 = tpu.memref_slice %arg9[%add3A_194, %dma_start3A_196] : memref<125x80xi32, #tpu.memory_space<vmem>> -> memref<1x80xi32, #tpu.memory_space<vmem>>
        %dma_start3A_198 = tpu.memref_squeeze %dma_start3A_197 : memref<1x80xi32, #tpu.memory_space<vmem>> -> memref<80xi32, #tpu.memory_space<vmem>>
        %dma_start3A_199 = arith.constant 0 : i32
        %dma_start3A_200 = arith.constant 0 : i32
        %dma_start3A_201 = tpu.memref_slice %arg2[%dma_start3A_199, %dma_start3A_200] : memref<20000x64xf32, #tpu.memory_space<hbm>> -> memref<20000x64xf32, #tpu.memory_space<hbm>>
        %dma_start3A_202 = tpu.memref_slice %arg15[%dma_start3A_195] : memref<4x!tpu.dma_semaphore, #tpu.memory_space<semaphore_mem>> -> memref<1x!tpu.dma_semaphore, #tpu.memory_space<semaphore_mem>>
        %dma_start3A_203 = tpu.memref_squeeze %dma_start3A_202 : memref<1x!tpu.dma_semaphore, #tpu.memory_space<semaphore_mem>> -> memref<!tpu.dma_semaphore, #tpu.memory_space<semaphore_mem>>
        tpu.enqueue_indirect_dma source(%dma_start3A_201 : memref<20000x64xf32, #tpu.memory_space<hbm>>) target(%arg13 : memref<80x64xf32, #tpu.memory_space<vmem>>) offsets(%dma_start3A_198 : memref<80xi32, #tpu.memory_space<vmem>>) semaphore(%dma_start3A_203 : memref<!tpu.dma_semaphore, #tpu.memory_space<semaphore_mem>>)
      } else {
      }
      %lt3A_116 = arith.constant 125 : i32
      %lt3A_117 = arith.cmpi slt, %add3A_102, %lt3A_116 : i32
      %convert_element_type3A_118 = arith.extui %lt3A_117 : i1 to i32
      %cond3A_119 = arith.constant 0 : i32
      %cond3A_120 = arith.cmpi ne, %convert_element_type3A_118, %cond3A_119 : i32
      scf.if %cond3A_120 {
        %dma_wait3A = arith.constant 0 : i32
        %dma_wait3A_193 = arith.constant 0 : i32
        %dma_wait3A_194 = tpu.memref_slice %arg9[%add3A_102, %dma_wait3A_193] : memref<125x80xi32, #tpu.memory_space<vmem>> -> memref<1x80xi32, #tpu.memory_space<vmem>>
        %dma_wait3A_195 = tpu.memref_squeeze %dma_wait3A_194 : memref<1x80xi32, #tpu.memory_space<vmem>> -> memref<80xi32, #tpu.memory_space<vmem>>
        %dma_wait3A_196 = arith.constant 0 : i32
        %dma_wait3A_197 = arith.constant 0 : i32
        %dma_wait3A_198 = tpu.memref_slice %arg2[%dma_wait3A_196, %dma_wait3A_197] : memref<20000x64xf32, #tpu.memory_space<hbm>> -> memref<20000x64xf32, #tpu.memory_space<hbm>>
        %dma_wait3A_199 = tpu.memref_slice %arg15[%dma_wait3A] : memref<4x!tpu.dma_semaphore, #tpu.memory_space<semaphore_mem>> -> memref<1x!tpu.dma_semaphore, #tpu.memory_space<semaphore_mem>>
        %dma_wait3A_200 = tpu.memref_squeeze %dma_wait3A_199 : memref<1x!tpu.dma_semaphore, #tpu.memory_space<semaphore_mem>> -> memref<!tpu.dma_semaphore, #tpu.memory_space<semaphore_mem>>
        tpu.wait_indirect_dma semaphore(%dma_wait3A_200 : memref<!tpu.dma_semaphore, #tpu.memory_space<semaphore_mem>>) src(%dma_wait3A_198 : memref<20000x64xf32, #tpu.memory_space<hbm>>) dst(%arg11 : memref<80x64xf32, #tpu.memory_space<vmem>>)
        %dma_start3A_201 = arith.constant 0 : i32
        %dma_start3A_202 = arith.constant 0 : i32
        %dma_start3A_203 = tpu.memref_slice %arg8[%add3A_102, %dma_start3A_202] : memref<125x80xi32, #tpu.memory_space<vmem>> -> memref<1x80xi32, #tpu.memory_space<vmem>>
        %dma_start3A_204 = tpu.memref_squeeze %dma_start3A_203 : memref<1x80xi32, #tpu.memory_space<vmem>> -> memref<80xi32, #tpu.memory_space<vmem>>
        %dma_start3A_205 = arith.constant 0 : i32
        %dma_start3A_206 = arith.constant 0 : i32
        %dma_start3A_207 = tpu.memref_slice %arg17[%dma_start3A_205, %dma_start3A_206] : memref<10000x64xf32, #tpu.memory_space<vmem_shared>> -> memref<10000x64xf32, #tpu.memory_space<vmem_shared>>
        %dma_start3A_208 = tpu.memref_slice %arg16[%dma_start3A_201] : memref<4x!tpu.dma_semaphore, #tpu.memory_space<semaphore_mem>> -> memref<1x!tpu.dma_semaphore, #tpu.memory_space<semaphore_mem>>
        %dma_start3A_209 = tpu.memref_squeeze %dma_start3A_208 : memref<1x!tpu.dma_semaphore, #tpu.memory_space<semaphore_mem>> -> memref<!tpu.dma_semaphore, #tpu.memory_space<semaphore_mem>>
        tpu.enqueue_indirect_dma source(%arg11 : memref<80x64xf32, #tpu.memory_space<vmem>>) target(%dma_start3A_207 : memref<10000x64xf32, #tpu.memory_space<vmem_shared>>) offsets(%dma_start3A_204 : memref<80xi32, #tpu.memory_space<vmem>>) semaphore(%dma_start3A_209 : memref<!tpu.dma_semaphore, #tpu.memory_space<semaphore_mem>>) {add = true}
      } else {
      }
      %mul3A_121 = arith.constant 4 : i32
      %mul3A_122 = arith.muli %mul3A_121, %scan3A_98 : i32
      %add3A_123 = arith.constant 1 : i32
      %add3A_124 = arith.addi %mul3A_122, %add3A_123 : i32
      %ge3A_125 = arith.constant 2 : i32
      %ge3A_126 = arith.cmpi sge, %add3A_124, %ge3A_125 : i32
      %lt3A_127 = arith.constant 127 : i32
      %lt3A_128 = arith.cmpi slt, %add3A_124, %lt3A_127 : i32
      %and3A_129 = arith.andi %ge3A_126, %lt3A_128 : i1
      %convert_element_type3A_130 = arith.extui %and3A_129 : i1 to i32
      %cond3A_131 = arith.constant 0 : i32
      %cond3A_132 = arith.cmpi ne, %convert_element_type3A_130, %cond3A_131 : i32
      scf.if %cond3A_132 {
        %sub3A = arith.constant 2 : i32
        %sub3A_193 = arith.subi %add3A_124, %sub3A : i32
        %dma_wait3A = arith.constant 3 : i32
        %dma_wait3A_194 = arith.constant 0 : i32
        %dma_wait3A_195 = tpu.memref_slice %arg8[%sub3A_193, %dma_wait3A_194] : memref<125x80xi32, #tpu.memory_space<vmem>> -> memref<1x80xi32, #tpu.memory_space<vmem>>
        %dma_wait3A_196 = tpu.memref_squeeze %dma_wait3A_195 : memref<1x80xi32, #tpu.memory_space<vmem>> -> memref<80xi32, #tpu.memory_space<vmem>>
        %dma_wait3A_197 = arith.constant 0 : i32
        %dma_wait3A_198 = arith.constant 0 : i32
        %dma_wait3A_199 = tpu.memref_slice %arg17[%dma_wait3A_197, %dma_wait3A_198] : memref<10000x64xf32, #tpu.memory_space<vmem_shared>> -> memref<10000x64xf32, #tpu.memory_space<vmem_shared>>
        %dma_wait3A_200 = tpu.memref_slice %arg16[%dma_wait3A] : memref<4x!tpu.dma_semaphore, #tpu.memory_space<semaphore_mem>> -> memref<1x!tpu.dma_semaphore, #tpu.memory_space<semaphore_mem>>
        %dma_wait3A_201 = tpu.memref_squeeze %dma_wait3A_200 : memref<1x!tpu.dma_semaphore, #tpu.memory_space<semaphore_mem>> -> memref<!tpu.dma_semaphore, #tpu.memory_space<semaphore_mem>>
        tpu.wait_indirect_dma semaphore(%dma_wait3A_201 : memref<!tpu.dma_semaphore, #tpu.memory_space<semaphore_mem>>) src(%arg14 : memref<80x64xf32, #tpu.memory_space<vmem>>) dst(%dma_wait3A_199 : memref<10000x64xf32, #tpu.memory_space<vmem_shared>>)
      } else {
      }
      %add3A_133 = arith.constant 2 : i32
      %add3A_134 = arith.addi %add3A_124, %add3A_133 : i32
      %lt3A_135 = arith.constant 125 : i32
      %lt3A_136 = arith.cmpi slt, %add3A_134, %lt3A_135 : i32
      %convert_element_type3A_137 = arith.extui %lt3A_136 : i1 to i32
      %cond3A_138 = arith.constant 0 : i32
      %cond3A_139 = arith.cmpi ne, %convert_element_type3A_137, %cond3A_138 : i32
      scf.if %cond3A_139 {
        %add3A_193 = arith.constant 2 : i32
        %add3A_194 = arith.addi %add3A_124, %add3A_193 : i32
        %dma_start3A_195 = arith.constant 3 : i32
        %dma_start3A_196 = arith.constant 0 : i32
        %dma_start3A_197 = tpu.memref_slice %arg9[%add3A_194, %dma_start3A_196] : memref<125x80xi32, #tpu.memory_space<vmem>> -> memref<1x80xi32, #tpu.memory_space<vmem>>
        %dma_start3A_198 = tpu.memref_squeeze %dma_start3A_197 : memref<1x80xi32, #tpu.memory_space<vmem>> -> memref<80xi32, #tpu.memory_space<vmem>>
        %dma_start3A_199 = arith.constant 0 : i32
        %dma_start3A_200 = arith.constant 0 : i32
        %dma_start3A_201 = tpu.memref_slice %arg2[%dma_start3A_199, %dma_start3A_200] : memref<20000x64xf32, #tpu.memory_space<hbm>> -> memref<20000x64xf32, #tpu.memory_space<hbm>>
        %dma_start3A_202 = tpu.memref_slice %arg15[%dma_start3A_195] : memref<4x!tpu.dma_semaphore, #tpu.memory_space<semaphore_mem>> -> memref<1x!tpu.dma_semaphore, #tpu.memory_space<semaphore_mem>>
        %dma_start3A_203 = tpu.memref_squeeze %dma_start3A_202 : memref<1x!tpu.dma_semaphore, #tpu.memory_space<semaphore_mem>> -> memref<!tpu.dma_semaphore, #tpu.memory_space<semaphore_mem>>
        tpu.enqueue_indirect_dma source(%dma_start3A_201 : memref<20000x64xf32, #tpu.memory_space<hbm>>) target(%arg14 : memref<80x64xf32, #tpu.memory_space<vmem>>) offsets(%dma_start3A_198 : memref<80xi32, #tpu.memory_space<vmem>>) semaphore(%dma_start3A_203 : memref<!tpu.dma_semaphore, #tpu.memory_space<semaphore_mem>>)
      } else {
      }
      %lt3A_140 = arith.constant 125 : i32
      %lt3A_141 = arith.cmpi slt, %add3A_124, %lt3A_140 : i32
      %convert_element_type3A_142 = arith.extui %lt3A_141 : i1 to i32
      %cond3A_143 = arith.constant 0 : i32
      %cond3A_144 = arith.cmpi ne, %convert_element_type3A_142, %cond3A_143 : i32
      scf.if %cond3A_144 {
        %dma_wait3A = arith.constant 1 : i32
        %dma_wait3A_193 = arith.constant 0 : i32
        %dma_wait3A_194 = tpu.memref_slice %arg9[%add3A_124, %dma_wait3A_193] : memref<125x80xi32, #tpu.memory_space<vmem>> -> memref<1x80xi32, #tpu.memory_space<vmem>>
        %dma_wait3A_195 = tpu.memref_squeeze %dma_wait3A_194 : memref<1x80xi32, #tpu.memory_space<vmem>> -> memref<80xi32, #tpu.memory_space<vmem>>
        %dma_wait3A_196 = arith.constant 0 : i32
        %dma_wait3A_197 = arith.constant 0 : i32
        %dma_wait3A_198 = tpu.memref_slice %arg2[%dma_wait3A_196, %dma_wait3A_197] : memref<20000x64xf32, #tpu.memory_space<hbm>> -> memref<20000x64xf32, #tpu.memory_space<hbm>>
        %dma_wait3A_199 = tpu.memref_slice %arg15[%dma_wait3A] : memref<4x!tpu.dma_semaphore, #tpu.memory_space<semaphore_mem>> -> memref<1x!tpu.dma_semaphore, #tpu.memory_space<semaphore_mem>>
        %dma_wait3A_200 = tpu.memref_squeeze %dma_wait3A_199 : memref<1x!tpu.dma_semaphore, #tpu.memory_space<semaphore_mem>> -> memref<!tpu.dma_semaphore, #tpu.memory_space<semaphore_mem>>
        tpu.wait_indirect_dma semaphore(%dma_wait3A_200 : memref<!tpu.dma_semaphore, #tpu.memory_space<semaphore_mem>>) src(%dma_wait3A_198 : memref<20000x64xf32, #tpu.memory_space<hbm>>) dst(%arg12 : memref<80x64xf32, #tpu.memory_space<vmem>>)
        %dma_start3A_201 = arith.constant 1 : i32
        %dma_start3A_202 = arith.constant 0 : i32
        %dma_start3A_203 = tpu.memref_slice %arg8[%add3A_124, %dma_start3A_202] : memref<125x80xi32, #tpu.memory_space<vmem>> -> memref<1x80xi32, #tpu.memory_space<vmem>>
        %dma_start3A_204 = tpu.memref_squeeze %dma_start3A_203 : memref<1x80xi32, #tpu.memory_space<vmem>> -> memref<80xi32, #tpu.memory_space<vmem>>
        %dma_start3A_205 = arith.constant 0 : i32
        %dma_start3A_206 = arith.constant 0 : i32
        %dma_start3A_207 = tpu.memref_slice %arg17[%dma_start3A_205, %dma_start3A_206] : memref<10000x64xf32, #tpu.memory_space<vmem_shared>> -> memref<10000x64xf32, #tpu.memory_space<vmem_shared>>
        %dma_start3A_208 = tpu.memref_slice %arg16[%dma_start3A_201] : memref<4x!tpu.dma_semaphore, #tpu.memory_space<semaphore_mem>> -> memref<1x!tpu.dma_semaphore, #tpu.memory_space<semaphore_mem>>
        %dma_start3A_209 = tpu.memref_squeeze %dma_start3A_208 : memref<1x!tpu.dma_semaphore, #tpu.memory_space<semaphore_mem>> -> memref<!tpu.dma_semaphore, #tpu.memory_space<semaphore_mem>>
        tpu.enqueue_indirect_dma source(%arg12 : memref<80x64xf32, #tpu.memory_space<vmem>>) target(%dma_start3A_207 : memref<10000x64xf32, #tpu.memory_space<vmem_shared>>) offsets(%dma_start3A_204 : memref<80xi32, #tpu.memory_space<vmem>>) semaphore(%dma_start3A_209 : memref<!tpu.dma_semaphore, #tpu.memory_space<semaphore_mem>>) {add = true}
      } else {
      }
      %mul3A_145 = arith.constant 4 : i32
      %mul3A_146 = arith.muli %mul3A_145, %scan3A_98 : i32
      %add3A_147 = arith.constant 2 : i32
      %add3A_148 = arith.addi %mul3A_146, %add3A_147 : i32
      %ge3A_149 = arith.constant 2 : i32
      %ge3A_150 = arith.cmpi sge, %add3A_148, %ge3A_149 : i32
      %lt3A_151 = arith.constant 127 : i32
      %lt3A_152 = arith.cmpi slt, %add3A_148, %lt3A_151 : i32
      %and3A_153 = arith.andi %ge3A_150, %lt3A_152 : i1
      %convert_element_type3A_154 = arith.extui %and3A_153 : i1 to i32
      %cond3A_155 = arith.constant 0 : i32
      %cond3A_156 = arith.cmpi ne, %convert_element_type3A_154, %cond3A_155 : i32
      scf.if %cond3A_156 {
        %sub3A = arith.constant 2 : i32
        %sub3A_193 = arith.subi %add3A_148, %sub3A : i32
        %dma_wait3A = arith.constant 0 : i32
        %dma_wait3A_194 = arith.constant 0 : i32
        %dma_wait3A_195 = tpu.memref_slice %arg8[%sub3A_193, %dma_wait3A_194] : memref<125x80xi32, #tpu.memory_space<vmem>> -> memref<1x80xi32, #tpu.memory_space<vmem>>
        %dma_wait3A_196 = tpu.memref_squeeze %dma_wait3A_195 : memref<1x80xi32, #tpu.memory_space<vmem>> -> memref<80xi32, #tpu.memory_space<vmem>>
        %dma_wait3A_197 = arith.constant 0 : i32
        %dma_wait3A_198 = arith.constant 0 : i32
        %dma_wait3A_199 = tpu.memref_slice %arg17[%dma_wait3A_197, %dma_wait3A_198] : memref<10000x64xf32, #tpu.memory_space<vmem_shared>> -> memref<10000x64xf32, #tpu.memory_space<vmem_shared>>
        %dma_wait3A_200 = tpu.memref_slice %arg16[%dma_wait3A] : memref<4x!tpu.dma_semaphore, #tpu.memory_space<semaphore_mem>> -> memref<1x!tpu.dma_semaphore, #tpu.memory_space<semaphore_mem>>
        %dma_wait3A_201 = tpu.memref_squeeze %dma_wait3A_200 : memref<1x!tpu.dma_semaphore, #tpu.memory_space<semaphore_mem>> -> memref<!tpu.dma_semaphore, #tpu.memory_space<semaphore_mem>>
        tpu.wait_indirect_dma semaphore(%dma_wait3A_201 : memref<!tpu.dma_semaphore, #tpu.memory_space<semaphore_mem>>) src(%arg11 : memref<80x64xf32, #tpu.memory_space<vmem>>) dst(%dma_wait3A_199 : memref<10000x64xf32, #tpu.memory_space<vmem_shared>>)
      } else {
      }
      %add3A_157 = arith.constant 2 : i32
      %add3A_158 = arith.addi %add3A_148, %add3A_157 : i32
      %lt3A_159 = arith.constant 125 : i32
      %lt3A_160 = arith.cmpi slt, %add3A_158, %lt3A_159 : i32
      %convert_element_type3A_161 = arith.extui %lt3A_160 : i1 to i32
      %cond3A_162 = arith.constant 0 : i32
      %cond3A_163 = arith.cmpi ne, %convert_element_type3A_161, %cond3A_162 : i32
      scf.if %cond3A_163 {
        %add3A_193 = arith.constant 2 : i32
        %add3A_194 = arith.addi %add3A_148, %add3A_193 : i32
        %dma_start3A_195 = arith.constant 0 : i32
        %dma_start3A_196 = arith.constant 0 : i32
        %dma_start3A_197 = tpu.memref_slice %arg9[%add3A_194, %dma_start3A_196] : memref<125x80xi32, #tpu.memory_space<vmem>> -> memref<1x80xi32, #tpu.memory_space<vmem>>
        %dma_start3A_198 = tpu.memref_squeeze %dma_start3A_197 : memref<1x80xi32, #tpu.memory_space<vmem>> -> memref<80xi32, #tpu.memory_space<vmem>>
        %dma_start3A_199 = arith.constant 0 : i32
        %dma_start3A_200 = arith.constant 0 : i32
        %dma_start3A_201 = tpu.memref_slice %arg2[%dma_start3A_199, %dma_start3A_200] : memref<20000x64xf32, #tpu.memory_space<hbm>> -> memref<20000x64xf32, #tpu.memory_space<hbm>>
        %dma_start3A_202 = tpu.memref_slice %arg15[%dma_start3A_195] : memref<4x!tpu.dma_semaphore, #tpu.memory_space<semaphore_mem>> -> memref<1x!tpu.dma_semaphore, #tpu.memory_space<semaphore_mem>>
        %dma_start3A_203 = tpu.memref_squeeze %dma_start3A_202 : memref<1x!tpu.dma_semaphore, #tpu.memory_space<semaphore_mem>> -> memref<!tpu.dma_semaphore, #tpu.memory_space<semaphore_mem>>
        tpu.enqueue_indirect_dma source(%dma_start3A_201 : memref<20000x64xf32, #tpu.memory_space<hbm>>) target(%arg11 : memref<80x64xf32, #tpu.memory_space<vmem>>) offsets(%dma_start3A_198 : memref<80xi32, #tpu.memory_space<vmem>>) semaphore(%dma_start3A_203 : memref<!tpu.dma_semaphore, #tpu.memory_space<semaphore_mem>>)
      } else {
      }
      %lt3A_164 = arith.constant 125 : i32
      %lt3A_165 = arith.cmpi slt, %add3A_148, %lt3A_164 : i32
      %convert_element_type3A_166 = arith.extui %lt3A_165 : i1 to i32
      %cond3A_167 = arith.constant 0 : i32
      %cond3A_168 = arith.cmpi ne, %convert_element_type3A_166, %cond3A_167 : i32
      scf.if %cond3A_168 {
        %dma_wait3A = arith.constant 2 : i32
        %dma_wait3A_193 = arith.constant 0 : i32
        %dma_wait3A_194 = tpu.memref_slice %arg9[%add3A_148, %dma_wait3A_193] : memref<125x80xi32, #tpu.memory_space<vmem>> -> memref<1x80xi32, #tpu.memory_space<vmem>>
        %dma_wait3A_195 = tpu.memref_squeeze %dma_wait3A_194 : memref<1x80xi32, #tpu.memory_space<vmem>> -> memref<80xi32, #tpu.memory_space<vmem>>
        %dma_wait3A_196 = arith.constant 0 : i32
        %dma_wait3A_197 = arith.constant 0 : i32
        %dma_wait3A_198 = tpu.memref_slice %arg2[%dma_wait3A_196, %dma_wait3A_197] : memref<20000x64xf32, #tpu.memory_space<hbm>> -> memref<20000x64xf32, #tpu.memory_space<hbm>>
        %dma_wait3A_199 = tpu.memref_slice %arg15[%dma_wait3A] : memref<4x!tpu.dma_semaphore, #tpu.memory_space<semaphore_mem>> -> memref<1x!tpu.dma_semaphore, #tpu.memory_space<semaphore_mem>>
        %dma_wait3A_200 = tpu.memref_squeeze %dma_wait3A_199 : memref<1x!tpu.dma_semaphore, #tpu.memory_space<semaphore_mem>> -> memref<!tpu.dma_semaphore, #tpu.memory_space<semaphore_mem>>
        tpu.wait_indirect_dma semaphore(%dma_wait3A_200 : memref<!tpu.dma_semaphore, #tpu.memory_space<semaphore_mem>>) src(%dma_wait3A_198 : memref<20000x64xf32, #tpu.memory_space<hbm>>) dst(%arg13 : memref<80x64xf32, #tpu.memory_space<vmem>>)
        %dma_start3A_201 = arith.constant 2 : i32
        %dma_start3A_202 = arith.constant 0 : i32
        %dma_start3A_203 = tpu.memref_slice %arg8[%add3A_148, %dma_start3A_202] : memref<125x80xi32, #tpu.memory_space<vmem>> -> memref<1x80xi32, #tpu.memory_space<vmem>>
        %dma_start3A_204 = tpu.memref_squeeze %dma_start3A_203 : memref<1x80xi32, #tpu.memory_space<vmem>> -> memref<80xi32, #tpu.memory_space<vmem>>
        %dma_start3A_205 = arith.constant 0 : i32
        %dma_start3A_206 = arith.constant 0 : i32
        %dma_start3A_207 = tpu.memref_slice %arg17[%dma_start3A_205, %dma_start3A_206] : memref<10000x64xf32, #tpu.memory_space<vmem_shared>> -> memref<10000x64xf32, #tpu.memory_space<vmem_shared>>
        %dma_start3A_208 = tpu.memref_slice %arg16[%dma_start3A_201] : memref<4x!tpu.dma_semaphore, #tpu.memory_space<semaphore_mem>> -> memref<1x!tpu.dma_semaphore, #tpu.memory_space<semaphore_mem>>
        %dma_start3A_209 = tpu.memref_squeeze %dma_start3A_208 : memref<1x!tpu.dma_semaphore, #tpu.memory_space<semaphore_mem>> -> memref<!tpu.dma_semaphore, #tpu.memory_space<semaphore_mem>>
        tpu.enqueue_indirect_dma source(%arg13 : memref<80x64xf32, #tpu.memory_space<vmem>>) target(%dma_start3A_207 : memref<10000x64xf32, #tpu.memory_space<vmem_shared>>) offsets(%dma_start3A_204 : memref<80xi32, #tpu.memory_space<vmem>>) semaphore(%dma_start3A_209 : memref<!tpu.dma_semaphore, #tpu.memory_space<semaphore_mem>>) {add = true}
      } else {
      }
      %mul3A_169 = arith.constant 4 : i32
      %mul3A_170 = arith.muli %mul3A_169, %scan3A_98 : i32
      %add3A_171 = arith.constant 3 : i32
      %add3A_172 = arith.addi %mul3A_170, %add3A_171 : i32
      %ge3A_173 = arith.constant 2 : i32
      %ge3A_174 = arith.cmpi sge, %add3A_172, %ge3A_173 : i32
      %lt3A_175 = arith.constant 127 : i32
      %lt3A_176 = arith.cmpi slt, %add3A_172, %lt3A_175 : i32
      %and3A_177 = arith.andi %ge3A_174, %lt3A_176 : i1
      %convert_element_type3A_178 = arith.extui %and3A_177 : i1 to i32
      %cond3A_179 = arith.constant 0 : i32
      %cond3A_180 = arith.cmpi ne, %convert_element_type3A_178, %cond3A_179 : i32
      scf.if %cond3A_180 {
        %sub3A = arith.constant 2 : i32
        %sub3A_193 = arith.subi %add3A_172, %sub3A : i32
        %dma_wait3A = arith.constant 1 : i32
        %dma_wait3A_194 = arith.constant 0 : i32
        %dma_wait3A_195 = tpu.memref_slice %arg8[%sub3A_193, %dma_wait3A_194] : memref<125x80xi32, #tpu.memory_space<vmem>> -> memref<1x80xi32, #tpu.memory_space<vmem>>
        %dma_wait3A_196 = tpu.memref_squeeze %dma_wait3A_195 : memref<1x80xi32, #tpu.memory_space<vmem>> -> memref<80xi32, #tpu.memory_space<vmem>>
        %dma_wait3A_197 = arith.constant 0 : i32
        %dma_wait3A_198 = arith.constant 0 : i32
        %dma_wait3A_199 = tpu.memref_slice %arg17[%dma_wait3A_197, %dma_wait3A_198] : memref<10000x64xf32, #tpu.memory_space<vmem_shared>> -> memref<10000x64xf32, #tpu.memory_space<vmem_shared>>
        %dma_wait3A_200 = tpu.memref_slice %arg16[%dma_wait3A] : memref<4x!tpu.dma_semaphore, #tpu.memory_space<semaphore_mem>> -> memref<1x!tpu.dma_semaphore, #tpu.memory_space<semaphore_mem>>
        %dma_wait3A_201 = tpu.memref_squeeze %dma_wait3A_200 : memref<1x!tpu.dma_semaphore, #tpu.memory_space<semaphore_mem>> -> memref<!tpu.dma_semaphore, #tpu.memory_space<semaphore_mem>>
        tpu.wait_indirect_dma semaphore(%dma_wait3A_201 : memref<!tpu.dma_semaphore, #tpu.memory_space<semaphore_mem>>) src(%arg12 : memref<80x64xf32, #tpu.memory_space<vmem>>) dst(%dma_wait3A_199 : memref<10000x64xf32, #tpu.memory_space<vmem_shared>>)
      } else {
      }
      %add3A_181 = arith.constant 2 : i32
      %add3A_182 = arith.addi %add3A_172, %add3A_181 : i32
      %lt3A_183 = arith.constant 125 : i32
      %lt3A_184 = arith.cmpi slt, %add3A_182, %lt3A_183 : i32
      %convert_element_type3A_185 = arith.extui %lt3A_184 : i1 to i32
      %cond3A_186 = arith.constant 0 : i32
      %cond3A_187 = arith.cmpi ne, %convert_element_type3A_185, %cond3A_186 : i32
      scf.if %cond3A_187 {
        %add3A_193 = arith.constant 2 : i32
        %add3A_194 = arith.addi %add3A_172, %add3A_193 : i32
        %dma_start3A_195 = arith.constant 1 : i32
        %dma_start3A_196 = arith.constant 0 : i32
        %dma_start3A_197 = tpu.memref_slice %arg9[%add3A_194, %dma_start3A_196] : memref<125x80xi32, #tpu.memory_space<vmem>> -> memref<1x80xi32, #tpu.memory_space<vmem>>
        %dma_start3A_198 = tpu.memref_squeeze %dma_start3A_197 : memref<1x80xi32, #tpu.memory_space<vmem>> -> memref<80xi32, #tpu.memory_space<vmem>>
        %dma_start3A_199 = arith.constant 0 : i32
        %dma_start3A_200 = arith.constant 0 : i32
        %dma_start3A_201 = tpu.memref_slice %arg2[%dma_start3A_199, %dma_start3A_200] : memref<20000x64xf32, #tpu.memory_space<hbm>> -> memref<20000x64xf32, #tpu.memory_space<hbm>>
        %dma_start3A_202 = tpu.memref_slice %arg15[%dma_start3A_195] : memref<4x!tpu.dma_semaphore, #tpu.memory_space<semaphore_mem>> -> memref<1x!tpu.dma_semaphore, #tpu.memory_space<semaphore_mem>>
        %dma_start3A_203 = tpu.memref_squeeze %dma_start3A_202 : memref<1x!tpu.dma_semaphore, #tpu.memory_space<semaphore_mem>> -> memref<!tpu.dma_semaphore, #tpu.memory_space<semaphore_mem>>
        tpu.enqueue_indirect_dma source(%dma_start3A_201 : memref<20000x64xf32, #tpu.memory_space<hbm>>) target(%arg12 : memref<80x64xf32, #tpu.memory_space<vmem>>) offsets(%dma_start3A_198 : memref<80xi32, #tpu.memory_space<vmem>>) semaphore(%dma_start3A_203 : memref<!tpu.dma_semaphore, #tpu.memory_space<semaphore_mem>>)
      } else {
      }
      %lt3A_188 = arith.constant 125 : i32
      %lt3A_189 = arith.cmpi slt, %add3A_172, %lt3A_188 : i32
      %convert_element_type3A_190 = arith.extui %lt3A_189 : i1 to i32
      %cond3A_191 = arith.constant 0 : i32
      %cond3A_192 = arith.cmpi ne, %convert_element_type3A_190, %cond3A_191 : i32
      scf.if %cond3A_192 {
        %dma_wait3A = arith.constant 3 : i32
        %dma_wait3A_193 = arith.constant 0 : i32
        %dma_wait3A_194 = tpu.memref_slice %arg9[%add3A_172, %dma_wait3A_193] : memref<125x80xi32, #tpu.memory_space<vmem>> -> memref<1x80xi32, #tpu.memory_space<vmem>>
        %dma_wait3A_195 = tpu.memref_squeeze %dma_wait3A_194 : memref<1x80xi32, #tpu.memory_space<vmem>> -> memref<80xi32, #tpu.memory_space<vmem>>
        %dma_wait3A_196 = arith.constant 0 : i32
        %dma_wait3A_197 = arith.constant 0 : i32
        %dma_wait3A_198 = tpu.memref_slice %arg2[%dma_wait3A_196, %dma_wait3A_197] : memref<20000x64xf32, #tpu.memory_space<hbm>> -> memref<20000x64xf32, #tpu.memory_space<hbm>>
        %dma_wait3A_199 = tpu.memref_slice %arg15[%dma_wait3A] : memref<4x!tpu.dma_semaphore, #tpu.memory_space<semaphore_mem>> -> memref<1x!tpu.dma_semaphore, #tpu.memory_space<semaphore_mem>>
        %dma_wait3A_200 = tpu.memref_squeeze %dma_wait3A_199 : memref<1x!tpu.dma_semaphore, #tpu.memory_space<semaphore_mem>> -> memref<!tpu.dma_semaphore, #tpu.memory_space<semaphore_mem>>
        tpu.wait_indirect_dma semaphore(%dma_wait3A_200 : memref<!tpu.dma_semaphore, #tpu.memory_space<semaphore_mem>>) src(%dma_wait3A_198 : memref<20000x64xf32, #tpu.memory_space<hbm>>) dst(%arg14 : memref<80x64xf32, #tpu.memory_space<vmem>>)
        %dma_start3A_201 = arith.constant 3 : i32
        %dma_start3A_202 = arith.constant 0 : i32
        %dma_start3A_203 = tpu.memref_slice %arg8[%add3A_172, %dma_start3A_202] : memref<125x80xi32, #tpu.memory_space<vmem>> -> memref<1x80xi32, #tpu.memory_space<vmem>>
        %dma_start3A_204 = tpu.memref_squeeze %dma_start3A_203 : memref<1x80xi32, #tpu.memory_space<vmem>> -> memref<80xi32, #tpu.memory_space<vmem>>
        %dma_start3A_205 = arith.constant 0 : i32
        %dma_start3A_206 = arith.constant 0 : i32
        %dma_start3A_207 = tpu.memref_slice %arg17[%dma_start3A_205, %dma_start3A_206] : memref<10000x64xf32, #tpu.memory_space<vmem_shared>> -> memref<10000x64xf32, #tpu.memory_space<vmem_shared>>
        %dma_start3A_208 = tpu.memref_slice %arg16[%dma_start3A_201] : memref<4x!tpu.dma_semaphore, #tpu.memory_space<semaphore_mem>> -> memref<1x!tpu.dma_semaphore, #tpu.memory_space<semaphore_mem>>
        %dma_start3A_209 = tpu.memref_squeeze %dma_start3A_208 : memref<1x!tpu.dma_semaphore, #tpu.memory_space<semaphore_mem>> -> memref<!tpu.dma_semaphore, #tpu.memory_space<semaphore_mem>>
        tpu.enqueue_indirect_dma source(%arg14 : memref<80x64xf32, #tpu.memory_space<vmem>>) target(%dma_start3A_207 : memref<10000x64xf32, #tpu.memory_space<vmem_shared>>) offsets(%dma_start3A_204 : memref<80xi32, #tpu.memory_space<vmem>>) semaphore(%dma_start3A_209 : memref<!tpu.dma_semaphore, #tpu.memory_space<semaphore_mem>>) {add = true}
      } else {
      }
    }
    %scan3A_38 = arith.constant 32 : i32
    %barrier3A_39 = arith.constant 0 : index
    tpu.barrier barrier_id(%barrier3A_39)
    %lt3A_40 = arith.constant 15 : i32
    %lt3A_41 = arith.cmpi slt, %arg1, %lt3A_40 : i32
    %convert_element_type3A_42 = arith.extui %lt3A_41 : i1 to i32
    %cond3A_43 = arith.constant 0 : i32
    %cond3A_44 = arith.cmpi ne, %convert_element_type3A_42, %cond3A_43 : i32
    scf.if %cond3A_44 {
      "tpu.region"() ({
        %run_scoped3A = tpu.sem_alloc : memref<!tpu.dma_semaphore, #tpu.memory_space<semaphore_mem>>
        %dma_start3A_98 = arith.constant 0 : i32
        %dma_start3A_99 = tpu.memref_slice %arg6[%arg0, %multiple_of3A, %dma_start3A_98] : memref<2x10000x128xf32, #tpu.memory_space<hbm>> -> memref<1x632x64xf32, #tpu.memory_space<hbm>>
        %dma_start3A_100 = tpu.memref_squeeze %dma_start3A_99 : memref<1x632x64xf32, #tpu.memory_space<hbm>> -> memref<632x64xf32, #tpu.memory_space<hbm>>
        %dma_start3A_101 = arith.constant 0 : i32
        %dma_start3A_102 = tpu.memref_slice %arg17[%multiple_of3A, %dma_start3A_101] : memref<10000x64xf32, #tpu.memory_space<vmem_shared>> -> memref<632x64xf32, #tpu.memory_space<vmem_shared>>
        tpu.enqueue_dma source(%dma_start3A_102 : memref<632x64xf32, #tpu.memory_space<vmem_shared>>) target(%dma_start3A_100 : memref<632x64xf32, #tpu.memory_space<hbm>>) target_semaphore(%run_scoped3A : memref<!tpu.dma_semaphore, #tpu.memory_space<semaphore_mem>>)
        %dma_wait3A = arith.constant 0 : i32
        %dma_wait3A_103 = tpu.memref_slice %arg6[%arg0, %multiple_of3A, %dma_wait3A] : memref<2x10000x128xf32, #tpu.memory_space<hbm>> -> memref<1x632x64xf32, #tpu.memory_space<hbm>>
        %dma_wait3A_104 = tpu.memref_squeeze %dma_wait3A_103 : memref<1x632x64xf32, #tpu.memory_space<hbm>> -> memref<632x64xf32, #tpu.memory_space<hbm>>
        %dma_wait3A_105 = arith.constant 0 : i32
        %dma_wait3A_106 = tpu.memref_slice %arg17[%multiple_of3A, %dma_wait3A_105] : memref<10000x64xf32, #tpu.memory_space<vmem_shared>> -> memref<632x64xf32, #tpu.memory_space<vmem_shared>>
        tpu.wait_dma2 semaphore(%run_scoped3A : memref<!tpu.dma_semaphore, #tpu.memory_space<semaphore_mem>>) src(%dma_wait3A_106 : memref<632x64xf32, #tpu.memory_space<vmem_shared>>) dst(%dma_wait3A_104 : memref<632x64xf32, #tpu.memory_space<hbm>>)
        tpu.yield
      }) : () -> ()
    } else {
    }
    %eq3A_45 = arith.constant 15 : i32
    %eq3A_46 = arith.cmpi eq, %arg1, %eq3A_45 : i32
    %convert_element_type3A_47 = arith.extui %eq3A_46 : i1 to i32
    %cond3A_48 = arith.constant 0 : i32
    %cond3A_49 = arith.cmpi ne, %convert_element_type3A_47, %cond3A_48 : i32
    scf.if %cond3A_49 {
      "tpu.region"() ({
        %run_scoped3A = tpu.sem_alloc : memref<!tpu.dma_semaphore, #tpu.memory_space<semaphore_mem>>
        %dma_start3A_98 = arith.constant 9480 : i32
        %dma_start3A_99 = arith.constant 0 : i32
        %dma_start3A_100 = tpu.memref_slice %arg6[%arg0, %dma_start3A_98, %dma_start3A_99] : memref<2x10000x128xf32, #tpu.memory_space<hbm>> -> memref<1x520x64xf32, #tpu.memory_space<hbm>>
        %dma_start3A_101 = tpu.memref_squeeze %dma_start3A_100 : memref<1x520x64xf32, #tpu.memory_space<hbm>> -> memref<520x64xf32, #tpu.memory_space<hbm>>
        %dma_start3A_102 = arith.constant 9480 : i32
        %dma_start3A_103 = arith.constant 0 : i32
        %dma_start3A_104 = tpu.memref_slice %arg17[%dma_start3A_102, %dma_start3A_103] : memref<10000x64xf32, #tpu.memory_space<vmem_shared>> -> memref<520x64xf32, #tpu.memory_space<vmem_shared>>
        tpu.enqueue_dma source(%dma_start3A_104 : memref<520x64xf32, #tpu.memory_space<vmem_shared>>) target(%dma_start3A_101 : memref<520x64xf32, #tpu.memory_space<hbm>>) target_semaphore(%run_scoped3A : memref<!tpu.dma_semaphore, #tpu.memory_space<semaphore_mem>>)
        %dma_wait3A = arith.constant 9480 : i32
        %dma_wait3A_105 = arith.constant 0 : i32
        %dma_wait3A_106 = tpu.memref_slice %arg6[%arg0, %dma_wait3A, %dma_wait3A_105] : memref<2x10000x128xf32, #tpu.memory_space<hbm>> -> memref<1x520x64xf32, #tpu.memory_space<hbm>>
        %dma_wait3A_107 = tpu.memref_squeeze %dma_wait3A_106 : memref<1x520x64xf32, #tpu.memory_space<hbm>> -> memref<520x64xf32, #tpu.memory_space<hbm>>
        %dma_wait3A_108 = arith.constant 9480 : i32
        %dma_wait3A_109 = arith.constant 0 : i32
        %dma_wait3A_110 = tpu.memref_slice %arg17[%dma_wait3A_108, %dma_wait3A_109] : memref<10000x64xf32, #tpu.memory_space<vmem_shared>> -> memref<520x64xf32, #tpu.memory_space<vmem_shared>>
        tpu.wait_dma2 semaphore(%run_scoped3A : memref<!tpu.dma_semaphore, #tpu.memory_space<semaphore_mem>>) src(%dma_wait3A_110 : memref<520x64xf32, #tpu.memory_space<vmem_shared>>) dst(%dma_wait3A_107 : memref<520x64xf32, #tpu.memory_space<hbm>>)
        tpu.yield
      }) : () -> ()
    } else {
    }
    %lt3A_50 = arith.constant 15 : i32
    %lt3A_51 = arith.cmpi slt, %arg1, %lt3A_50 : i32
    %convert_element_type3A_52 = arith.extui %lt3A_51 : i1 to i32
    %cond3A_53 = arith.constant 0 : i32
    %cond3A_54 = arith.cmpi ne, %convert_element_type3A_52, %cond3A_53 : i32
    scf.if %cond3A_54 {
      "tpu.region"() ({
        %run_scoped3A = tpu.sem_alloc : memref<!tpu.dma_semaphore, #tpu.memory_space<semaphore_mem>>
        %dma_start3A_98 = arith.constant 0 : i32
        %dma_start3A_99 = tpu.memref_slice %arg17[%multiple_of3A, %dma_start3A_98] : memref<10000x64xf32, #tpu.memory_space<vmem_shared>> -> memref<632x64xf32, #tpu.memory_space<vmem_shared>>
        %dma_start3A_100 = arith.constant 0 : i32
        %dma_start3A_101 = tpu.memref_slice %arg5[%multiple_of3A, %dma_start3A_100] : memref<10000x64xf32, #tpu.memory_space<hbm>> -> memref<632x64xf32, #tpu.memory_space<hbm>>
        tpu.enqueue_dma source(%dma_start3A_101 : memref<632x64xf32, #tpu.memory_space<hbm>>) target(%dma_start3A_99 : memref<632x64xf32, #tpu.memory_space<vmem_shared>>) target_semaphore(%run_scoped3A : memref<!tpu.dma_semaphore, #tpu.memory_space<semaphore_mem>>)
        %dma_wait3A = arith.constant 0 : i32
        %dma_wait3A_102 = tpu.memref_slice %arg17[%multiple_of3A, %dma_wait3A] : memref<10000x64xf32, #tpu.memory_space<vmem_shared>> -> memref<632x64xf32, #tpu.memory_space<vmem_shared>>
        %dma_wait3A_103 = arith.constant 0 : i32
        %dma_wait3A_104 = tpu.memref_slice %arg5[%multiple_of3A, %dma_wait3A_103] : memref<10000x64xf32, #tpu.memory_space<hbm>> -> memref<632x64xf32, #tpu.memory_space<hbm>>
        tpu.wait_dma2 semaphore(%run_scoped3A : memref<!tpu.dma_semaphore, #tpu.memory_space<semaphore_mem>>) src(%dma_wait3A_104 : memref<632x64xf32, #tpu.memory_space<hbm>>) dst(%dma_wait3A_102 : memref<632x64xf32, #tpu.memory_space<vmem_shared>>)
        tpu.yield
      }) : () -> ()
    } else {
    }
    %eq3A_55 = arith.constant 15 : i32
    %eq3A_56 = arith.cmpi eq, %arg1, %eq3A_55 : i32
    %convert_element_type3A_57 = arith.extui %eq3A_56 : i1 to i32
    %cond3A_58 = arith.constant 0 : i32
    %cond3A_59 = arith.cmpi ne, %convert_element_type3A_57, %cond3A_58 : i32
    scf.if %cond3A_59 {
      "tpu.region"() ({
        %run_scoped3A = tpu.sem_alloc : memref<!tpu.dma_semaphore, #tpu.memory_space<semaphore_mem>>
        %dma_start3A_98 = arith.constant 9480 : i32
        %dma_start3A_99 = arith.constant 0 : i32
        %dma_start3A_100 = tpu.memref_slice %arg17[%dma_start3A_98, %dma_start3A_99] : memref<10000x64xf32, #tpu.memory_space<vmem_shared>> -> memref<520x64xf32, #tpu.memory_space<vmem_shared>>
        %dma_start3A_101 = arith.constant 9480 : i32
        %dma_start3A_102 = arith.constant 0 : i32
        %dma_start3A_103 = tpu.memref_slice %arg5[%dma_start3A_101, %dma_start3A_102] : memref<10000x64xf32, #tpu.memory_space<hbm>> -> memref<520x64xf32, #tpu.memory_space<hbm>>
        tpu.enqueue_dma source(%dma_start3A_103 : memref<520x64xf32, #tpu.memory_space<hbm>>) target(%dma_start3A_100 : memref<520x64xf32, #tpu.memory_space<vmem_shared>>) target_semaphore(%run_scoped3A : memref<!tpu.dma_semaphore, #tpu.memory_space<semaphore_mem>>)
        %dma_wait3A = arith.constant 9480 : i32
        %dma_wait3A_104 = arith.constant 0 : i32
        %dma_wait3A_105 = tpu.memref_slice %arg17[%dma_wait3A, %dma_wait3A_104] : memref<10000x64xf32, #tpu.memory_space<vmem_shared>> -> memref<520x64xf32, #tpu.memory_space<vmem_shared>>
        %dma_wait3A_106 = arith.constant 9480 : i32
        %dma_wait3A_107 = arith.constant 0 : i32
        %dma_wait3A_108 = tpu.memref_slice %arg5[%dma_wait3A_106, %dma_wait3A_107] : memref<10000x64xf32, #tpu.memory_space<hbm>> -> memref<520x64xf32, #tpu.memory_space<hbm>>
        tpu.wait_dma2 semaphore(%run_scoped3A : memref<!tpu.dma_semaphore, #tpu.memory_space<semaphore_mem>>) src(%dma_wait3A_108 : memref<520x64xf32, #tpu.memory_space<hbm>>) dst(%dma_wait3A_105 : memref<520x64xf32, #tpu.memory_space<vmem_shared>>)
        tpu.yield
      }) : () -> ()
    } else {
    }
    %dma_start3A_60 = arith.constant 0 : i32
    %dma_start3A_61 = arith.constant 0 : i32
    %dma_start3A_62 = arith.constant 0 : i32
    %dma_start3A_63 = tpu.memref_slice %arg10[%dma_start3A_60, %dma_start3A_62] : memref<125x80xi32, #tpu.memory_space<vmem>> -> memref<1x80xi32, #tpu.memory_space<vmem>>
    %dma_start3A_64 = tpu.memref_squeeze %dma_start3A_63 : memref<1x80xi32, #tpu.memory_space<vmem>> -> memref<80xi32, #tpu.memory_space<vmem>>
    %dma_start3A_65 = arith.constant 0 : i32
    %dma_start3A_66 = arith.constant 0 : i32
    %dma_start3A_67 = tpu.memref_slice %arg2[%dma_start3A_65, %dma_start3A_66] : memref<20000x64xf32, #tpu.memory_space<hbm>> -> memref<20000x64xf32, #tpu.memory_space<hbm>>
    %dma_start3A_68 = tpu.memref_slice %arg15[%dma_start3A_61] : memref<4x!tpu.dma_semaphore, #tpu.memory_space<semaphore_mem>> -> memref<1x!tpu.dma_semaphore, #tpu.memory_space<semaphore_mem>>
    %dma_start3A_69 = tpu.memref_squeeze %dma_start3A_68 : memref<1x!tpu.dma_semaphore, #tpu.memory_space<semaphore_mem>> -> memref<!tpu.dma_semaphore, #tpu.memory_space<semaphore_mem>>
    tpu.enqueue_indirect_dma source(%dma_start3A_67 : memref<20000x64xf32, #tpu.memory_space<hbm>>) target(%arg11 : memref<80x64xf32, #tpu.memory_space<vmem>>) offsets(%dma_start3A_64 : memref<80xi32, #tpu.memory_space<vmem>>) semaphore(%dma_start3A_69 : memref<!tpu.dma_semaphore, #tpu.memory_space<semaphore_mem>>)
    %dma_start3A_70 = arith.constant 1 : i32
    %dma_start3A_71 = arith.constant 1 : i32
    %dma_start3A_72 = arith.constant 0 : i32
    %dma_start3A_73 = tpu.memref_slice %arg10[%dma_start3A_70, %dma_start3A_72] : memref<125x80xi32, #tpu.memory_space<vmem>> -> memref<1x80xi32, #tpu.memory_space<vmem>>
    %dma_start3A_74 = tpu.memref_squeeze %dma_start3A_73 : memref<1x80xi32, #tpu.memory_space<vmem>> -> memref<80xi32, #tpu.memory_space<vmem>>
    %dma_start3A_75 = arith.constant 0 : i32
    %dma_start3A_76 = arith.constant 0 : i32
    %dma_start3A_77 = tpu.memref_slice %arg2[%dma_start3A_75, %dma_start3A_76] : memref<20000x64xf32, #tpu.memory_space<hbm>> -> memref<20000x64xf32, #tpu.memory_space<hbm>>
    %dma_start3A_78 = tpu.memref_slice %arg15[%dma_start3A_71] : memref<4x!tpu.dma_semaphore, #tpu.memory_space<semaphore_mem>> -> memref<1x!tpu.dma_semaphore, #tpu.memory_space<semaphore_mem>>
    %dma_start3A_79 = tpu.memref_squeeze %dma_start3A_78 : memref<1x!tpu.dma_semaphore, #tpu.memory_space<semaphore_mem>> -> memref<!tpu.dma_semaphore, #tpu.memory_space<semaphore_mem>>
    tpu.enqueue_indirect_dma source(%dma_start3A_77 : memref<20000x64xf32, #tpu.memory_space<hbm>>) target(%arg12 : memref<80x64xf32, #tpu.memory_space<vmem>>) offsets(%dma_start3A_74 : memref<80xi32, #tpu.memory_space<vmem>>) semaphore(%dma_start3A_79 : memref<!tpu.dma_semaphore, #tpu.memory_space<semaphore_mem>>)
    %barrier3A_80 = arith.constant 0 : index
    tpu.barrier barrier_id(%barrier3A_80)
    %scan3A_81 = arith.constant 0 : i32
    %scan3A_82 = arith.constant 0 : i32
    %scan3A_83 = arith.constant 32 : i32
    %scan3A_84 = arith.addi %scan3A_82, %scan3A_83 : i32
    %scan3A_85 = arith.constant 1 : i32
    scf.for %scan3A_98 = %scan3A_82 to %scan3A_84 step %scan3A_85  : i32 {
      %mul3A_99 = arith.constant 4 : i32
      %mul3A_100 = arith.muli %mul3A_99, %scan3A_98 : i32
      %add3A_101 = arith.constant 0 : i32
      %add3A_102 = arith.addi %mul3A_100, %add3A_101 : i32
      %ge3A = arith.constant 2 : i32
      %ge3A_103 = arith.cmpi sge, %add3A_102, %ge3A : i32
      %lt3A_104 = arith.constant 127 : i32
      %lt3A_105 = arith.cmpi slt, %add3A_102, %lt3A_104 : i32
      %and3A = arith.andi %ge3A_103, %lt3A_105 : i1
      %convert_element_type3A_106 = arith.extui %and3A : i1 to i32
      %cond3A_107 = arith.constant 0 : i32
      %cond3A_108 = arith.cmpi ne, %convert_element_type3A_106, %cond3A_107 : i32
      scf.if %cond3A_108 {
        %sub3A = arith.constant 2 : i32
        %sub3A_193 = arith.subi %add3A_102, %sub3A : i32
        %dma_wait3A = arith.constant 2 : i32
        %dma_wait3A_194 = arith.constant 0 : i32
        %dma_wait3A_195 = tpu.memref_slice %arg8[%sub3A_193, %dma_wait3A_194] : memref<125x80xi32, #tpu.memory_space<vmem>> -> memref<1x80xi32, #tpu.memory_space<vmem>>
        %dma_wait3A_196 = tpu.memref_squeeze %dma_wait3A_195 : memref<1x80xi32, #tpu.memory_space<vmem>> -> memref<80xi32, #tpu.memory_space<vmem>>
        %dma_wait3A_197 = arith.constant 0 : i32
        %dma_wait3A_198 = arith.constant 0 : i32
        %dma_wait3A_199 = tpu.memref_slice %arg17[%dma_wait3A_197, %dma_wait3A_198] : memref<10000x64xf32, #tpu.memory_space<vmem_shared>> -> memref<10000x64xf32, #tpu.memory_space<vmem_shared>>
        %dma_wait3A_200 = tpu.memref_slice %arg16[%dma_wait3A] : memref<4x!tpu.dma_semaphore, #tpu.memory_space<semaphore_mem>> -> memref<1x!tpu.dma_semaphore, #tpu.memory_space<semaphore_mem>>
        %dma_wait3A_201 = tpu.memref_squeeze %dma_wait3A_200 : memref<1x!tpu.dma_semaphore, #tpu.memory_space<semaphore_mem>> -> memref<!tpu.dma_semaphore, #tpu.memory_space<semaphore_mem>>
        tpu.wait_indirect_dma semaphore(%dma_wait3A_201 : memref<!tpu.dma_semaphore, #tpu.memory_space<semaphore_mem>>) src(%arg13 : memref<80x64xf32, #tpu.memory_space<vmem>>) dst(%dma_wait3A_199 : memref<10000x64xf32, #tpu.memory_space<vmem_shared>>)
      } else {
      }
      %add3A_109 = arith.constant 2 : i32
      %add3A_110 = arith.addi %add3A_102, %add3A_109 : i32
      %lt3A_111 = arith.constant 125 : i32
      %lt3A_112 = arith.cmpi slt, %add3A_110, %lt3A_111 : i32
      %convert_element_type3A_113 = arith.extui %lt3A_112 : i1 to i32
      %cond3A_114 = arith.constant 0 : i32
      %cond3A_115 = arith.cmpi ne, %convert_element_type3A_113, %cond3A_114 : i32
      scf.if %cond3A_115 {
        %add3A_193 = arith.constant 2 : i32
        %add3A_194 = arith.addi %add3A_102, %add3A_193 : i32
        %dma_start3A_195 = arith.constant 2 : i32
        %dma_start3A_196 = arith.constant 0 : i32
        %dma_start3A_197 = tpu.memref_slice %arg10[%add3A_194, %dma_start3A_196] : memref<125x80xi32, #tpu.memory_space<vmem>> -> memref<1x80xi32, #tpu.memory_space<vmem>>
        %dma_start3A_198 = tpu.memref_squeeze %dma_start3A_197 : memref<1x80xi32, #tpu.memory_space<vmem>> -> memref<80xi32, #tpu.memory_space<vmem>>
        %dma_start3A_199 = arith.constant 0 : i32
        %dma_start3A_200 = arith.constant 0 : i32
        %dma_start3A_201 = tpu.memref_slice %arg2[%dma_start3A_199, %dma_start3A_200] : memref<20000x64xf32, #tpu.memory_space<hbm>> -> memref<20000x64xf32, #tpu.memory_space<hbm>>
        %dma_start3A_202 = tpu.memref_slice %arg15[%dma_start3A_195] : memref<4x!tpu.dma_semaphore, #tpu.memory_space<semaphore_mem>> -> memref<1x!tpu.dma_semaphore, #tpu.memory_space<semaphore_mem>>
        %dma_start3A_203 = tpu.memref_squeeze %dma_start3A_202 : memref<1x!tpu.dma_semaphore, #tpu.memory_space<semaphore_mem>> -> memref<!tpu.dma_semaphore, #tpu.memory_space<semaphore_mem>>
        tpu.enqueue_indirect_dma source(%dma_start3A_201 : memref<20000x64xf32, #tpu.memory_space<hbm>>) target(%arg13 : memref<80x64xf32, #tpu.memory_space<vmem>>) offsets(%dma_start3A_198 : memref<80xi32, #tpu.memory_space<vmem>>) semaphore(%dma_start3A_203 : memref<!tpu.dma_semaphore, #tpu.memory_space<semaphore_mem>>)
      } else {
      }
      %lt3A_116 = arith.constant 125 : i32
      %lt3A_117 = arith.cmpi slt, %add3A_102, %lt3A_116 : i32
      %convert_element_type3A_118 = arith.extui %lt3A_117 : i1 to i32
      %cond3A_119 = arith.constant 0 : i32
      %cond3A_120 = arith.cmpi ne, %convert_element_type3A_118, %cond3A_119 : i32
      scf.if %cond3A_120 {
        %dma_wait3A = arith.constant 0 : i32
        %dma_wait3A_193 = arith.constant 0 : i32
        %dma_wait3A_194 = tpu.memref_slice %arg10[%add3A_102, %dma_wait3A_193] : memref<125x80xi32, #tpu.memory_space<vmem>> -> memref<1x80xi32, #tpu.memory_space<vmem>>
        %dma_wait3A_195 = tpu.memref_squeeze %dma_wait3A_194 : memref<1x80xi32, #tpu.memory_space<vmem>> -> memref<80xi32, #tpu.memory_space<vmem>>
        %dma_wait3A_196 = arith.constant 0 : i32
        %dma_wait3A_197 = arith.constant 0 : i32
        %dma_wait3A_198 = tpu.memref_slice %arg2[%dma_wait3A_196, %dma_wait3A_197] : memref<20000x64xf32, #tpu.memory_space<hbm>> -> memref<20000x64xf32, #tpu.memory_space<hbm>>
        %dma_wait3A_199 = tpu.memref_slice %arg15[%dma_wait3A] : memref<4x!tpu.dma_semaphore, #tpu.memory_space<semaphore_mem>> -> memref<1x!tpu.dma_semaphore, #tpu.memory_space<semaphore_mem>>
        %dma_wait3A_200 = tpu.memref_squeeze %dma_wait3A_199 : memref<1x!tpu.dma_semaphore, #tpu.memory_space<semaphore_mem>> -> memref<!tpu.dma_semaphore, #tpu.memory_space<semaphore_mem>>
        tpu.wait_indirect_dma semaphore(%dma_wait3A_200 : memref<!tpu.dma_semaphore, #tpu.memory_space<semaphore_mem>>) src(%dma_wait3A_198 : memref<20000x64xf32, #tpu.memory_space<hbm>>) dst(%arg11 : memref<80x64xf32, #tpu.memory_space<vmem>>)
        %dma_start3A_201 = arith.constant 0 : i32
        %dma_start3A_202 = arith.constant 0 : i32
        %dma_start3A_203 = tpu.memref_slice %arg8[%add3A_102, %dma_start3A_202] : memref<125x80xi32, #tpu.memory_space<vmem>> -> memref<1x80xi32, #tpu.memory_space<vmem>>
        %dma_start3A_204 = tpu.memref_squeeze %dma_start3A_203 : memref<1x80xi32, #tpu.memory_space<vmem>> -> memref<80xi32, #tpu.memory_space<vmem>>
        %dma_start3A_205 = arith.constant 0 : i32
        %dma_start3A_206 = arith.constant 0 : i32
        %dma_start3A_207 = tpu.memref_slice %arg17[%dma_start3A_205, %dma_start3A_206] : memref<10000x64xf32, #tpu.memory_space<vmem_shared>> -> memref<10000x64xf32, #tpu.memory_space<vmem_shared>>
        %dma_start3A_208 = tpu.memref_slice %arg16[%dma_start3A_201] : memref<4x!tpu.dma_semaphore, #tpu.memory_space<semaphore_mem>> -> memref<1x!tpu.dma_semaphore, #tpu.memory_space<semaphore_mem>>
        %dma_start3A_209 = tpu.memref_squeeze %dma_start3A_208 : memref<1x!tpu.dma_semaphore, #tpu.memory_space<semaphore_mem>> -> memref<!tpu.dma_semaphore, #tpu.memory_space<semaphore_mem>>
        tpu.enqueue_indirect_dma source(%arg11 : memref<80x64xf32, #tpu.memory_space<vmem>>) target(%dma_start3A_207 : memref<10000x64xf32, #tpu.memory_space<vmem_shared>>) offsets(%dma_start3A_204 : memref<80xi32, #tpu.memory_space<vmem>>) semaphore(%dma_start3A_209 : memref<!tpu.dma_semaphore, #tpu.memory_space<semaphore_mem>>) {add = true}
      } else {
      }
      %mul3A_121 = arith.constant 4 : i32
      %mul3A_122 = arith.muli %mul3A_121, %scan3A_98 : i32
      %add3A_123 = arith.constant 1 : i32
      %add3A_124 = arith.addi %mul3A_122, %add3A_123 : i32
      %ge3A_125 = arith.constant 2 : i32
      %ge3A_126 = arith.cmpi sge, %add3A_124, %ge3A_125 : i32
      %lt3A_127 = arith.constant 127 : i32
      %lt3A_128 = arith.cmpi slt, %add3A_124, %lt3A_127 : i32
      %and3A_129 = arith.andi %ge3A_126, %lt3A_128 : i1
      %convert_element_type3A_130 = arith.extui %and3A_129 : i1 to i32
      %cond3A_131 = arith.constant 0 : i32
      %cond3A_132 = arith.cmpi ne, %convert_element_type3A_130, %cond3A_131 : i32
      scf.if %cond3A_132 {
        %sub3A = arith.constant 2 : i32
        %sub3A_193 = arith.subi %add3A_124, %sub3A : i32
        %dma_wait3A = arith.constant 3 : i32
        %dma_wait3A_194 = arith.constant 0 : i32
        %dma_wait3A_195 = tpu.memref_slice %arg8[%sub3A_193, %dma_wait3A_194] : memref<125x80xi32, #tpu.memory_space<vmem>> -> memref<1x80xi32, #tpu.memory_space<vmem>>
        %dma_wait3A_196 = tpu.memref_squeeze %dma_wait3A_195 : memref<1x80xi32, #tpu.memory_space<vmem>> -> memref<80xi32, #tpu.memory_space<vmem>>
        %dma_wait3A_197 = arith.constant 0 : i32
        %dma_wait3A_198 = arith.constant 0 : i32
        %dma_wait3A_199 = tpu.memref_slice %arg17[%dma_wait3A_197, %dma_wait3A_198] : memref<10000x64xf32, #tpu.memory_space<vmem_shared>> -> memref<10000x64xf32, #tpu.memory_space<vmem_shared>>
        %dma_wait3A_200 = tpu.memref_slice %arg16[%dma_wait3A] : memref<4x!tpu.dma_semaphore, #tpu.memory_space<semaphore_mem>> -> memref<1x!tpu.dma_semaphore, #tpu.memory_space<semaphore_mem>>
        %dma_wait3A_201 = tpu.memref_squeeze %dma_wait3A_200 : memref<1x!tpu.dma_semaphore, #tpu.memory_space<semaphore_mem>> -> memref<!tpu.dma_semaphore, #tpu.memory_space<semaphore_mem>>
        tpu.wait_indirect_dma semaphore(%dma_wait3A_201 : memref<!tpu.dma_semaphore, #tpu.memory_space<semaphore_mem>>) src(%arg14 : memref<80x64xf32, #tpu.memory_space<vmem>>) dst(%dma_wait3A_199 : memref<10000x64xf32, #tpu.memory_space<vmem_shared>>)
      } else {
      }
      %add3A_133 = arith.constant 2 : i32
      %add3A_134 = arith.addi %add3A_124, %add3A_133 : i32
      %lt3A_135 = arith.constant 125 : i32
      %lt3A_136 = arith.cmpi slt, %add3A_134, %lt3A_135 : i32
      %convert_element_type3A_137 = arith.extui %lt3A_136 : i1 to i32
      %cond3A_138 = arith.constant 0 : i32
      %cond3A_139 = arith.cmpi ne, %convert_element_type3A_137, %cond3A_138 : i32
      scf.if %cond3A_139 {
        %add3A_193 = arith.constant 2 : i32
        %add3A_194 = arith.addi %add3A_124, %add3A_193 : i32
        %dma_start3A_195 = arith.constant 3 : i32
        %dma_start3A_196 = arith.constant 0 : i32
        %dma_start3A_197 = tpu.memref_slice %arg10[%add3A_194, %dma_start3A_196] : memref<125x80xi32, #tpu.memory_space<vmem>> -> memref<1x80xi32, #tpu.memory_space<vmem>>
        %dma_start3A_198 = tpu.memref_squeeze %dma_start3A_197 : memref<1x80xi32, #tpu.memory_space<vmem>> -> memref<80xi32, #tpu.memory_space<vmem>>
        %dma_start3A_199 = arith.constant 0 : i32
        %dma_start3A_200 = arith.constant 0 : i32
        %dma_start3A_201 = tpu.memref_slice %arg2[%dma_start3A_199, %dma_start3A_200] : memref<20000x64xf32, #tpu.memory_space<hbm>> -> memref<20000x64xf32, #tpu.memory_space<hbm>>
        %dma_start3A_202 = tpu.memref_slice %arg15[%dma_start3A_195] : memref<4x!tpu.dma_semaphore, #tpu.memory_space<semaphore_mem>> -> memref<1x!tpu.dma_semaphore, #tpu.memory_space<semaphore_mem>>
        %dma_start3A_203 = tpu.memref_squeeze %dma_start3A_202 : memref<1x!tpu.dma_semaphore, #tpu.memory_space<semaphore_mem>> -> memref<!tpu.dma_semaphore, #tpu.memory_space<semaphore_mem>>
        tpu.enqueue_indirect_dma source(%dma_start3A_201 : memref<20000x64xf32, #tpu.memory_space<hbm>>) target(%arg14 : memref<80x64xf32, #tpu.memory_space<vmem>>) offsets(%dma_start3A_198 : memref<80xi32, #tpu.memory_space<vmem>>) semaphore(%dma_start3A_203 : memref<!tpu.dma_semaphore, #tpu.memory_space<semaphore_mem>>)
      } else {
      }
      %lt3A_140 = arith.constant 125 : i32
      %lt3A_141 = arith.cmpi slt, %add3A_124, %lt3A_140 : i32
      %convert_element_type3A_142 = arith.extui %lt3A_141 : i1 to i32
      %cond3A_143 = arith.constant 0 : i32
      %cond3A_144 = arith.cmpi ne, %convert_element_type3A_142, %cond3A_143 : i32
      scf.if %cond3A_144 {
        %dma_wait3A = arith.constant 1 : i32
        %dma_wait3A_193 = arith.constant 0 : i32
        %dma_wait3A_194 = tpu.memref_slice %arg10[%add3A_124, %dma_wait3A_193] : memref<125x80xi32, #tpu.memory_space<vmem>> -> memref<1x80xi32, #tpu.memory_space<vmem>>
        %dma_wait3A_195 = tpu.memref_squeeze %dma_wait3A_194 : memref<1x80xi32, #tpu.memory_space<vmem>> -> memref<80xi32, #tpu.memory_space<vmem>>
        %dma_wait3A_196 = arith.constant 0 : i32
        %dma_wait3A_197 = arith.constant 0 : i32
        %dma_wait3A_198 = tpu.memref_slice %arg2[%dma_wait3A_196, %dma_wait3A_197] : memref<20000x64xf32, #tpu.memory_space<hbm>> -> memref<20000x64xf32, #tpu.memory_space<hbm>>
        %dma_wait3A_199 = tpu.memref_slice %arg15[%dma_wait3A] : memref<4x!tpu.dma_semaphore, #tpu.memory_space<semaphore_mem>> -> memref<1x!tpu.dma_semaphore, #tpu.memory_space<semaphore_mem>>
        %dma_wait3A_200 = tpu.memref_squeeze %dma_wait3A_199 : memref<1x!tpu.dma_semaphore, #tpu.memory_space<semaphore_mem>> -> memref<!tpu.dma_semaphore, #tpu.memory_space<semaphore_mem>>
        tpu.wait_indirect_dma semaphore(%dma_wait3A_200 : memref<!tpu.dma_semaphore, #tpu.memory_space<semaphore_mem>>) src(%dma_wait3A_198 : memref<20000x64xf32, #tpu.memory_space<hbm>>) dst(%arg12 : memref<80x64xf32, #tpu.memory_space<vmem>>)
        %dma_start3A_201 = arith.constant 1 : i32
        %dma_start3A_202 = arith.constant 0 : i32
        %dma_start3A_203 = tpu.memref_slice %arg8[%add3A_124, %dma_start3A_202] : memref<125x80xi32, #tpu.memory_space<vmem>> -> memref<1x80xi32, #tpu.memory_space<vmem>>
        %dma_start3A_204 = tpu.memref_squeeze %dma_start3A_203 : memref<1x80xi32, #tpu.memory_space<vmem>> -> memref<80xi32, #tpu.memory_space<vmem>>
        %dma_start3A_205 = arith.constant 0 : i32
        %dma_start3A_206 = arith.constant 0 : i32
        %dma_start3A_207 = tpu.memref_slice %arg17[%dma_start3A_205, %dma_start3A_206] : memref<10000x64xf32, #tpu.memory_space<vmem_shared>> -> memref<10000x64xf32, #tpu.memory_space<vmem_shared>>
        %dma_start3A_208 = tpu.memref_slice %arg16[%dma_start3A_201] : memref<4x!tpu.dma_semaphore, #tpu.memory_space<semaphore_mem>> -> memref<1x!tpu.dma_semaphore, #tpu.memory_space<semaphore_mem>>
        %dma_start3A_209 = tpu.memref_squeeze %dma_start3A_208 : memref<1x!tpu.dma_semaphore, #tpu.memory_space<semaphore_mem>> -> memref<!tpu.dma_semaphore, #tpu.memory_space<semaphore_mem>>
        tpu.enqueue_indirect_dma source(%arg12 : memref<80x64xf32, #tpu.memory_space<vmem>>) target(%dma_start3A_207 : memref<10000x64xf32, #tpu.memory_space<vmem_shared>>) offsets(%dma_start3A_204 : memref<80xi32, #tpu.memory_space<vmem>>) semaphore(%dma_start3A_209 : memref<!tpu.dma_semaphore, #tpu.memory_space<semaphore_mem>>) {add = true}
      } else {
      }
      %mul3A_145 = arith.constant 4 : i32
      %mul3A_146 = arith.muli %mul3A_145, %scan3A_98 : i32
      %add3A_147 = arith.constant 2 : i32
      %add3A_148 = arith.addi %mul3A_146, %add3A_147 : i32
      %ge3A_149 = arith.constant 2 : i32
      %ge3A_150 = arith.cmpi sge, %add3A_148, %ge3A_149 : i32
      %lt3A_151 = arith.constant 127 : i32
      %lt3A_152 = arith.cmpi slt, %add3A_148, %lt3A_151 : i32
      %and3A_153 = arith.andi %ge3A_150, %lt3A_152 : i1
      %convert_element_type3A_154 = arith.extui %and3A_153 : i1 to i32
      %cond3A_155 = arith.constant 0 : i32
      %cond3A_156 = arith.cmpi ne, %convert_element_type3A_154, %cond3A_155 : i32
      scf.if %cond3A_156 {
        %sub3A = arith.constant 2 : i32
        %sub3A_193 = arith.subi %add3A_148, %sub3A : i32
        %dma_wait3A = arith.constant 0 : i32
        %dma_wait3A_194 = arith.constant 0 : i32
        %dma_wait3A_195 = tpu.memref_slice %arg8[%sub3A_193, %dma_wait3A_194] : memref<125x80xi32, #tpu.memory_space<vmem>> -> memref<1x80xi32, #tpu.memory_space<vmem>>
        %dma_wait3A_196 = tpu.memref_squeeze %dma_wait3A_195 : memref<1x80xi32, #tpu.memory_space<vmem>> -> memref<80xi32, #tpu.memory_space<vmem>>
        %dma_wait3A_197 = arith.constant 0 : i32
        %dma_wait3A_198 = arith.constant 0 : i32
        %dma_wait3A_199 = tpu.memref_slice %arg17[%dma_wait3A_197, %dma_wait3A_198] : memref<10000x64xf32, #tpu.memory_space<vmem_shared>> -> memref<10000x64xf32, #tpu.memory_space<vmem_shared>>
        %dma_wait3A_200 = tpu.memref_slice %arg16[%dma_wait3A] : memref<4x!tpu.dma_semaphore, #tpu.memory_space<semaphore_mem>> -> memref<1x!tpu.dma_semaphore, #tpu.memory_space<semaphore_mem>>
        %dma_wait3A_201 = tpu.memref_squeeze %dma_wait3A_200 : memref<1x!tpu.dma_semaphore, #tpu.memory_space<semaphore_mem>> -> memref<!tpu.dma_semaphore, #tpu.memory_space<semaphore_mem>>
        tpu.wait_indirect_dma semaphore(%dma_wait3A_201 : memref<!tpu.dma_semaphore, #tpu.memory_space<semaphore_mem>>) src(%arg11 : memref<80x64xf32, #tpu.memory_space<vmem>>) dst(%dma_wait3A_199 : memref<10000x64xf32, #tpu.memory_space<vmem_shared>>)
      } else {
      }
      %add3A_157 = arith.constant 2 : i32
      %add3A_158 = arith.addi %add3A_148, %add3A_157 : i32
      %lt3A_159 = arith.constant 125 : i32
      %lt3A_160 = arith.cmpi slt, %add3A_158, %lt3A_159 : i32
      %convert_element_type3A_161 = arith.extui %lt3A_160 : i1 to i32
      %cond3A_162 = arith.constant 0 : i32
      %cond3A_163 = arith.cmpi ne, %convert_element_type3A_161, %cond3A_162 : i32
      scf.if %cond3A_163 {
        %add3A_193 = arith.constant 2 : i32
        %add3A_194 = arith.addi %add3A_148, %add3A_193 : i32
        %dma_start3A_195 = arith.constant 0 : i32
        %dma_start3A_196 = arith.constant 0 : i32
        %dma_start3A_197 = tpu.memref_slice %arg10[%add3A_194, %dma_start3A_196] : memref<125x80xi32, #tpu.memory_space<vmem>> -> memref<1x80xi32, #tpu.memory_space<vmem>>
        %dma_start3A_198 = tpu.memref_squeeze %dma_start3A_197 : memref<1x80xi32, #tpu.memory_space<vmem>> -> memref<80xi32, #tpu.memory_space<vmem>>
        %dma_start3A_199 = arith.constant 0 : i32
        %dma_start3A_200 = arith.constant 0 : i32
        %dma_start3A_201 = tpu.memref_slice %arg2[%dma_start3A_199, %dma_start3A_200] : memref<20000x64xf32, #tpu.memory_space<hbm>> -> memref<20000x64xf32, #tpu.memory_space<hbm>>
        %dma_start3A_202 = tpu.memref_slice %arg15[%dma_start3A_195] : memref<4x!tpu.dma_semaphore, #tpu.memory_space<semaphore_mem>> -> memref<1x!tpu.dma_semaphore, #tpu.memory_space<semaphore_mem>>
        %dma_start3A_203 = tpu.memref_squeeze %dma_start3A_202 : memref<1x!tpu.dma_semaphore, #tpu.memory_space<semaphore_mem>> -> memref<!tpu.dma_semaphore, #tpu.memory_space<semaphore_mem>>
        tpu.enqueue_indirect_dma source(%dma_start3A_201 : memref<20000x64xf32, #tpu.memory_space<hbm>>) target(%arg11 : memref<80x64xf32, #tpu.memory_space<vmem>>) offsets(%dma_start3A_198 : memref<80xi32, #tpu.memory_space<vmem>>) semaphore(%dma_start3A_203 : memref<!tpu.dma_semaphore, #tpu.memory_space<semaphore_mem>>)
      } else {
      }
      %lt3A_164 = arith.constant 125 : i32
      %lt3A_165 = arith.cmpi slt, %add3A_148, %lt3A_164 : i32
      %convert_element_type3A_166 = arith.extui %lt3A_165 : i1 to i32
      %cond3A_167 = arith.constant 0 : i32
      %cond3A_168 = arith.cmpi ne, %convert_element_type3A_166, %cond3A_167 : i32
      scf.if %cond3A_168 {
        %dma_wait3A = arith.constant 2 : i32
        %dma_wait3A_193 = arith.constant 0 : i32
        %dma_wait3A_194 = tpu.memref_slice %arg10[%add3A_148, %dma_wait3A_193] : memref<125x80xi32, #tpu.memory_space<vmem>> -> memref<1x80xi32, #tpu.memory_space<vmem>>
        %dma_wait3A_195 = tpu.memref_squeeze %dma_wait3A_194 : memref<1x80xi32, #tpu.memory_space<vmem>> -> memref<80xi32, #tpu.memory_space<vmem>>
        %dma_wait3A_196 = arith.constant 0 : i32
        %dma_wait3A_197 = arith.constant 0 : i32
        %dma_wait3A_198 = tpu.memref_slice %arg2[%dma_wait3A_196, %dma_wait3A_197] : memref<20000x64xf32, #tpu.memory_space<hbm>> -> memref<20000x64xf32, #tpu.memory_space<hbm>>
        %dma_wait3A_199 = tpu.memref_slice %arg15[%dma_wait3A] : memref<4x!tpu.dma_semaphore, #tpu.memory_space<semaphore_mem>> -> memref<1x!tpu.dma_semaphore, #tpu.memory_space<semaphore_mem>>
        %dma_wait3A_200 = tpu.memref_squeeze %dma_wait3A_199 : memref<1x!tpu.dma_semaphore, #tpu.memory_space<semaphore_mem>> -> memref<!tpu.dma_semaphore, #tpu.memory_space<semaphore_mem>>
        tpu.wait_indirect_dma semaphore(%dma_wait3A_200 : memref<!tpu.dma_semaphore, #tpu.memory_space<semaphore_mem>>) src(%dma_wait3A_198 : memref<20000x64xf32, #tpu.memory_space<hbm>>) dst(%arg13 : memref<80x64xf32, #tpu.memory_space<vmem>>)
        %dma_start3A_201 = arith.constant 2 : i32
        %dma_start3A_202 = arith.constant 0 : i32
        %dma_start3A_203 = tpu.memref_slice %arg8[%add3A_148, %dma_start3A_202] : memref<125x80xi32, #tpu.memory_space<vmem>> -> memref<1x80xi32, #tpu.memory_space<vmem>>
        %dma_start3A_204 = tpu.memref_squeeze %dma_start3A_203 : memref<1x80xi32, #tpu.memory_space<vmem>> -> memref<80xi32, #tpu.memory_space<vmem>>
        %dma_start3A_205 = arith.constant 0 : i32
        %dma_start3A_206 = arith.constant 0 : i32
        %dma_start3A_207 = tpu.memref_slice %arg17[%dma_start3A_205, %dma_start3A_206] : memref<10000x64xf32, #tpu.memory_space<vmem_shared>> -> memref<10000x64xf32, #tpu.memory_space<vmem_shared>>
        %dma_start3A_208 = tpu.memref_slice %arg16[%dma_start3A_201] : memref<4x!tpu.dma_semaphore, #tpu.memory_space<semaphore_mem>> -> memref<1x!tpu.dma_semaphore, #tpu.memory_space<semaphore_mem>>
        %dma_start3A_209 = tpu.memref_squeeze %dma_start3A_208 : memref<1x!tpu.dma_semaphore, #tpu.memory_space<semaphore_mem>> -> memref<!tpu.dma_semaphore, #tpu.memory_space<semaphore_mem>>
        tpu.enqueue_indirect_dma source(%arg13 : memref<80x64xf32, #tpu.memory_space<vmem>>) target(%dma_start3A_207 : memref<10000x64xf32, #tpu.memory_space<vmem_shared>>) offsets(%dma_start3A_204 : memref<80xi32, #tpu.memory_space<vmem>>) semaphore(%dma_start3A_209 : memref<!tpu.dma_semaphore, #tpu.memory_space<semaphore_mem>>) {add = true}
      } else {
      }
      %mul3A_169 = arith.constant 4 : i32
      %mul3A_170 = arith.muli %mul3A_169, %scan3A_98 : i32
      %add3A_171 = arith.constant 3 : i32
      %add3A_172 = arith.addi %mul3A_170, %add3A_171 : i32
      %ge3A_173 = arith.constant 2 : i32
      %ge3A_174 = arith.cmpi sge, %add3A_172, %ge3A_173 : i32
      %lt3A_175 = arith.constant 127 : i32
      %lt3A_176 = arith.cmpi slt, %add3A_172, %lt3A_175 : i32
      %and3A_177 = arith.andi %ge3A_174, %lt3A_176 : i1
      %convert_element_type3A_178 = arith.extui %and3A_177 : i1 to i32
      %cond3A_179 = arith.constant 0 : i32
      %cond3A_180 = arith.cmpi ne, %convert_element_type3A_178, %cond3A_179 : i32
      scf.if %cond3A_180 {
        %sub3A = arith.constant 2 : i32
        %sub3A_193 = arith.subi %add3A_172, %sub3A : i32
        %dma_wait3A = arith.constant 1 : i32
        %dma_wait3A_194 = arith.constant 0 : i32
        %dma_wait3A_195 = tpu.memref_slice %arg8[%sub3A_193, %dma_wait3A_194] : memref<125x80xi32, #tpu.memory_space<vmem>> -> memref<1x80xi32, #tpu.memory_space<vmem>>
        %dma_wait3A_196 = tpu.memref_squeeze %dma_wait3A_195 : memref<1x80xi32, #tpu.memory_space<vmem>> -> memref<80xi32, #tpu.memory_space<vmem>>
        %dma_wait3A_197 = arith.constant 0 : i32
        %dma_wait3A_198 = arith.constant 0 : i32
        %dma_wait3A_199 = tpu.memref_slice %arg17[%dma_wait3A_197, %dma_wait3A_198] : memref<10000x64xf32, #tpu.memory_space<vmem_shared>> -> memref<10000x64xf32, #tpu.memory_space<vmem_shared>>
        %dma_wait3A_200 = tpu.memref_slice %arg16[%dma_wait3A] : memref<4x!tpu.dma_semaphore, #tpu.memory_space<semaphore_mem>> -> memref<1x!tpu.dma_semaphore, #tpu.memory_space<semaphore_mem>>
        %dma_wait3A_201 = tpu.memref_squeeze %dma_wait3A_200 : memref<1x!tpu.dma_semaphore, #tpu.memory_space<semaphore_mem>> -> memref<!tpu.dma_semaphore, #tpu.memory_space<semaphore_mem>>
        tpu.wait_indirect_dma semaphore(%dma_wait3A_201 : memref<!tpu.dma_semaphore, #tpu.memory_space<semaphore_mem>>) src(%arg12 : memref<80x64xf32, #tpu.memory_space<vmem>>) dst(%dma_wait3A_199 : memref<10000x64xf32, #tpu.memory_space<vmem_shared>>)
      } else {
      }
      %add3A_181 = arith.constant 2 : i32
      %add3A_182 = arith.addi %add3A_172, %add3A_181 : i32
      %lt3A_183 = arith.constant 125 : i32
      %lt3A_184 = arith.cmpi slt, %add3A_182, %lt3A_183 : i32
      %convert_element_type3A_185 = arith.extui %lt3A_184 : i1 to i32
      %cond3A_186 = arith.constant 0 : i32
      %cond3A_187 = arith.cmpi ne, %convert_element_type3A_185, %cond3A_186 : i32
      scf.if %cond3A_187 {
        %add3A_193 = arith.constant 2 : i32
        %add3A_194 = arith.addi %add3A_172, %add3A_193 : i32
        %dma_start3A_195 = arith.constant 1 : i32
        %dma_start3A_196 = arith.constant 0 : i32
        %dma_start3A_197 = tpu.memref_slice %arg10[%add3A_194, %dma_start3A_196] : memref<125x80xi32, #tpu.memory_space<vmem>> -> memref<1x80xi32, #tpu.memory_space<vmem>>
        %dma_start3A_198 = tpu.memref_squeeze %dma_start3A_197 : memref<1x80xi32, #tpu.memory_space<vmem>> -> memref<80xi32, #tpu.memory_space<vmem>>
        %dma_start3A_199 = arith.constant 0 : i32
        %dma_start3A_200 = arith.constant 0 : i32
        %dma_start3A_201 = tpu.memref_slice %arg2[%dma_start3A_199, %dma_start3A_200] : memref<20000x64xf32, #tpu.memory_space<hbm>> -> memref<20000x64xf32, #tpu.memory_space<hbm>>
        %dma_start3A_202 = tpu.memref_slice %arg15[%dma_start3A_195] : memref<4x!tpu.dma_semaphore, #tpu.memory_space<semaphore_mem>> -> memref<1x!tpu.dma_semaphore, #tpu.memory_space<semaphore_mem>>
        %dma_start3A_203 = tpu.memref_squeeze %dma_start3A_202 : memref<1x!tpu.dma_semaphore, #tpu.memory_space<semaphore_mem>> -> memref<!tpu.dma_semaphore, #tpu.memory_space<semaphore_mem>>
        tpu.enqueue_indirect_dma source(%dma_start3A_201 : memref<20000x64xf32, #tpu.memory_space<hbm>>) target(%arg12 : memref<80x64xf32, #tpu.memory_space<vmem>>) offsets(%dma_start3A_198 : memref<80xi32, #tpu.memory_space<vmem>>) semaphore(%dma_start3A_203 : memref<!tpu.dma_semaphore, #tpu.memory_space<semaphore_mem>>)
      } else {
      }
      %lt3A_188 = arith.constant 125 : i32
      %lt3A_189 = arith.cmpi slt, %add3A_172, %lt3A_188 : i32
      %convert_element_type3A_190 = arith.extui %lt3A_189 : i1 to i32
      %cond3A_191 = arith.constant 0 : i32
      %cond3A_192 = arith.cmpi ne, %convert_element_type3A_190, %cond3A_191 : i32
      scf.if %cond3A_192 {
        %dma_wait3A = arith.constant 3 : i32
        %dma_wait3A_193 = arith.constant 0 : i32
        %dma_wait3A_194 = tpu.memref_slice %arg10[%add3A_172, %dma_wait3A_193] : memref<125x80xi32, #tpu.memory_space<vmem>> -> memref<1x80xi32, #tpu.memory_space<vmem>>
        %dma_wait3A_195 = tpu.memref_squeeze %dma_wait3A_194 : memref<1x80xi32, #tpu.memory_space<vmem>> -> memref<80xi32, #tpu.memory_space<vmem>>
        %dma_wait3A_196 = arith.constant 0 : i32
        %dma_wait3A_197 = arith.constant 0 : i32
        %dma_wait3A_198 = tpu.memref_slice %arg2[%dma_wait3A_196, %dma_wait3A_197] : memref<20000x64xf32, #tpu.memory_space<hbm>> -> memref<20000x64xf32, #tpu.memory_space<hbm>>
        %dma_wait3A_199 = tpu.memref_slice %arg15[%dma_wait3A] : memref<4x!tpu.dma_semaphore, #tpu.memory_space<semaphore_mem>> -> memref<1x!tpu.dma_semaphore, #tpu.memory_space<semaphore_mem>>
        %dma_wait3A_200 = tpu.memref_squeeze %dma_wait3A_199 : memref<1x!tpu.dma_semaphore, #tpu.memory_space<semaphore_mem>> -> memref<!tpu.dma_semaphore, #tpu.memory_space<semaphore_mem>>
        tpu.wait_indirect_dma semaphore(%dma_wait3A_200 : memref<!tpu.dma_semaphore, #tpu.memory_space<semaphore_mem>>) src(%dma_wait3A_198 : memref<20000x64xf32, #tpu.memory_space<hbm>>) dst(%arg14 : memref<80x64xf32, #tpu.memory_space<vmem>>)
        %dma_start3A_201 = arith.constant 3 : i32
        %dma_start3A_202 = arith.constant 0 : i32
        %dma_start3A_203 = tpu.memref_slice %arg8[%add3A_172, %dma_start3A_202] : memref<125x80xi32, #tpu.memory_space<vmem>> -> memref<1x80xi32, #tpu.memory_space<vmem>>
        %dma_start3A_204 = tpu.memref_squeeze %dma_start3A_203 : memref<1x80xi32, #tpu.memory_space<vmem>> -> memref<80xi32, #tpu.memory_space<vmem>>
        %dma_start3A_205 = arith.constant 0 : i32
        %dma_start3A_206 = arith.constant 0 : i32
        %dma_start3A_207 = tpu.memref_slice %arg17[%dma_start3A_205, %dma_start3A_206] : memref<10000x64xf32, #tpu.memory_space<vmem_shared>> -> memref<10000x64xf32, #tpu.memory_space<vmem_shared>>
        %dma_start3A_208 = tpu.memref_slice %arg16[%dma_start3A_201] : memref<4x!tpu.dma_semaphore, #tpu.memory_space<semaphore_mem>> -> memref<1x!tpu.dma_semaphore, #tpu.memory_space<semaphore_mem>>
        %dma_start3A_209 = tpu.memref_squeeze %dma_start3A_208 : memref<1x!tpu.dma_semaphore, #tpu.memory_space<semaphore_mem>> -> memref<!tpu.dma_semaphore, #tpu.memory_space<semaphore_mem>>
        tpu.enqueue_indirect_dma source(%arg14 : memref<80x64xf32, #tpu.memory_space<vmem>>) target(%dma_start3A_207 : memref<10000x64xf32, #tpu.memory_space<vmem_shared>>) offsets(%dma_start3A_204 : memref<80xi32, #tpu.memory_space<vmem>>) semaphore(%dma_start3A_209 : memref<!tpu.dma_semaphore, #tpu.memory_space<semaphore_mem>>) {add = true}
      } else {
      }
    }
    %scan3A_86 = arith.constant 32 : i32
    %barrier3A_87 = arith.constant 0 : index
    tpu.barrier barrier_id(%barrier3A_87)
    %lt3A_88 = arith.constant 15 : i32
    %lt3A_89 = arith.cmpi slt, %arg1, %lt3A_88 : i32
    %convert_element_type3A_90 = arith.extui %lt3A_89 : i1 to i32
    %cond3A_91 = arith.constant 0 : i32
    %cond3A_92 = arith.cmpi ne, %convert_element_type3A_90, %cond3A_91 : i32
    scf.if %cond3A_92 {
      "tpu.region"() ({
        %run_scoped3A = tpu.sem_alloc : memref<!tpu.dma_semaphore, #tpu.memory_space<semaphore_mem>>
        %dma_start3A_98 = arith.constant 64 : i32
        %dma_start3A_99 = tpu.memref_slice %arg6[%arg0, %multiple_of3A, %dma_start3A_98] : memref<2x10000x128xf32, #tpu.memory_space<hbm>> -> memref<1x632x64xf32, #tpu.memory_space<hbm>>
        %dma_start3A_100 = tpu.memref_squeeze %dma_start3A_99 : memref<1x632x64xf32, #tpu.memory_space<hbm>> -> memref<632x64xf32, #tpu.memory_space<hbm>>
        %dma_start3A_101 = arith.constant 0 : i32
        %dma_start3A_102 = tpu.memref_slice %arg17[%multiple_of3A, %dma_start3A_101] : memref<10000x64xf32, #tpu.memory_space<vmem_shared>> -> memref<632x64xf32, #tpu.memory_space<vmem_shared>>
        tpu.enqueue_dma source(%dma_start3A_102 : memref<632x64xf32, #tpu.memory_space<vmem_shared>>) target(%dma_start3A_100 : memref<632x64xf32, #tpu.memory_space<hbm>>) target_semaphore(%run_scoped3A : memref<!tpu.dma_semaphore, #tpu.memory_space<semaphore_mem>>)
        %dma_wait3A = arith.constant 64 : i32
        %dma_wait3A_103 = tpu.memref_slice %arg6[%arg0, %multiple_of3A, %dma_wait3A] : memref<2x10000x128xf32, #tpu.memory_space<hbm>> -> memref<1x632x64xf32, #tpu.memory_space<hbm>>
        %dma_wait3A_104 = tpu.memref_squeeze %dma_wait3A_103 : memref<1x632x64xf32, #tpu.memory_space<hbm>> -> memref<632x64xf32, #tpu.memory_space<hbm>>
        %dma_wait3A_105 = arith.constant 0 : i32
        %dma_wait3A_106 = tpu.memref_slice %arg17[%multiple_of3A, %dma_wait3A_105] : memref<10000x64xf32, #tpu.memory_space<vmem_shared>> -> memref<632x64xf32, #tpu.memory_space<vmem_shared>>
        tpu.wait_dma2 semaphore(%run_scoped3A : memref<!tpu.dma_semaphore, #tpu.memory_space<semaphore_mem>>) src(%dma_wait3A_106 : memref<632x64xf32, #tpu.memory_space<vmem_shared>>) dst(%dma_wait3A_104 : memref<632x64xf32, #tpu.memory_space<hbm>>)
        tpu.yield
      }) : () -> ()
    } else {
    }
    %eq3A_93 = arith.constant 15 : i32
    %eq3A_94 = arith.cmpi eq, %arg1, %eq3A_93 : i32
    %convert_element_type3A_95 = arith.extui %eq3A_94 : i1 to i32
    %cond3A_96 = arith.constant 0 : i32
    %cond3A_97 = arith.cmpi ne, %convert_element_type3A_95, %cond3A_96 : i32
    scf.if %cond3A_97 {
      "tpu.region"() ({
        %run_scoped3A = tpu.sem_alloc : memref<!tpu.dma_semaphore, #tpu.memory_space<semaphore_mem>>
        %dma_start3A_98 = arith.constant 9480 : i32
        %dma_start3A_99 = arith.constant 64 : i32
        %dma_start3A_100 = tpu.memref_slice %arg6[%arg0, %dma_start3A_98, %dma_start3A_99] : memref<2x10000x128xf32, #tpu.memory_space<hbm>> -> memref<1x520x64xf32, #tpu.memory_space<hbm>>
        %dma_start3A_101 = tpu.memref_squeeze %dma_start3A_100 : memref<1x520x64xf32, #tpu.memory_space<hbm>> -> memref<520x64xf32, #tpu.memory_space<hbm>>
        %dma_start3A_102 = arith.constant 9480 : i32
        %dma_start3A_103 = arith.constant 0 : i32
        %dma_start3A_104 = tpu.memref_slice %arg17[%dma_start3A_102, %dma_start3A_103] : memref<10000x64xf32, #tpu.memory_space<vmem_shared>> -> memref<520x64xf32, #tpu.memory_space<vmem_shared>>
        tpu.enqueue_dma source(%dma_start3A_104 : memref<520x64xf32, #tpu.memory_space<vmem_shared>>) target(%dma_start3A_101 : memref<520x64xf32, #tpu.memory_space<hbm>>) target_semaphore(%run_scoped3A : memref<!tpu.dma_semaphore, #tpu.memory_space<semaphore_mem>>)
        %dma_wait3A = arith.constant 9480 : i32
        %dma_wait3A_105 = arith.constant 64 : i32
        %dma_wait3A_106 = tpu.memref_slice %arg6[%arg0, %dma_wait3A, %dma_wait3A_105] : memref<2x10000x128xf32, #tpu.memory_space<hbm>> -> memref<1x520x64xf32, #tpu.memory_space<hbm>>
        %dma_wait3A_107 = tpu.memref_squeeze %dma_wait3A_106 : memref<1x520x64xf32, #tpu.memory_space<hbm>> -> memref<520x64xf32, #tpu.memory_space<hbm>>
        %dma_wait3A_108 = arith.constant 9480 : i32
        %dma_wait3A_109 = arith.constant 0 : i32
        %dma_wait3A_110 = tpu.memref_slice %arg17[%dma_wait3A_108, %dma_wait3A_109] : memref<10000x64xf32, #tpu.memory_space<vmem_shared>> -> memref<520x64xf32, #tpu.memory_space<vmem_shared>>
        tpu.wait_dma2 semaphore(%run_scoped3A : memref<!tpu.dma_semaphore, #tpu.memory_space<semaphore_mem>>) src(%dma_wait3A_110 : memref<520x64xf32, #tpu.memory_space<vmem_shared>>) dst(%dma_wait3A_107 : memref<520x64xf32, #tpu.memory_space<hbm>>)
        tpu.yield
      }) : () -> ()
    } else {
    }
    return
  }
}

#map = affine_map<(d0, d1) -> (0, 0, 0)>
#map1 = affine_map<(d0, d1) -> (0)>
module attributes {stable_mosaic.version = 14 : i64} {
  func.func @_deg_body(%arg0: i32, %arg1: i32, %arg2: memref<32x125x80xi32, #tpu.memory_space<hbm>>, %arg3: memref<10112xf32, #tpu.memory_space<hbm>>, %arg4: memref<20224xf32, #tpu.memory_space<hbm>>, %arg5: memref<125x80xi32, #tpu.memory_space<vmem>>, %arg6: memref<80xf32, #tpu.memory_space<vmem>>, %arg7: memref<10112xf32, #tpu.memory_space<vmem_shared>>, %arg8: memref<!tpu.dma_semaphore, #tpu.memory_space<semaphore_mem>>) attributes {dimension_semantics = [#tpu.dimension_semantics<core_parallel>, #tpu.dimension_semantics<subcore_parallel>], iteration_bounds = array<i64: 2, 16>, scalar_prefetch = 0 : i64, scratch_operands = 4 : i64, tpu.core_type = #tpu.core_type<sc_vector_subcore>, window_params = [{transform_indices = #map}, {transform_indices = #map1}, {transform_indices = #map1}]} {
    %mul3A = arith.constant 16 : i32
    %mul3A_0 = arith.muli %arg0, %mul3A : i32
    %add3A = arith.addi %mul3A_0, %arg1 : i32
    %eq3A = arith.constant 0 : i32
    %eq3A_1 = arith.cmpi eq, %arg1, %eq3A : i32
    %convert_element_type3A = arith.extui %eq3A_1 : i1 to i32
    %cond3A = arith.constant 0 : i32
    %cond3A_2 = arith.cmpi ne, %convert_element_type3A, %cond3A : i32
    scf.if %cond3A_2 {
      "tpu.region"() ({
        %run_scoped3A = tpu.sem_alloc : memref<!tpu.dma_semaphore, #tpu.memory_space<semaphore_mem>>
        tpu.enqueue_dma source(%arg3 : memref<10112xf32, #tpu.memory_space<hbm>>) target(%arg7 : memref<10112xf32, #tpu.memory_space<vmem_shared>>) target_semaphore(%run_scoped3A : memref<!tpu.dma_semaphore, #tpu.memory_space<semaphore_mem>>)
        tpu.wait_dma2 semaphore(%run_scoped3A : memref<!tpu.dma_semaphore, #tpu.memory_space<semaphore_mem>>) src(%arg3 : memref<10112xf32, #tpu.memory_space<hbm>>) dst(%arg7 : memref<10112xf32, #tpu.memory_space<vmem_shared>>)
        tpu.yield
      }) : () -> ()
    } else {
    }
    %broadcast_in_dim3A = arith.constant 1.000000e+00 : f32
    %broadcast_in_dim3A_3 = vector.broadcast %broadcast_in_dim3A : f32 to vector<16xf32>
    %swap3A = arith.constant 0 : index
    %swap3A_4 = tpu.vector_load %arg6[%swap3A] {strides = array<i32>} : memref<80xf32, #tpu.memory_space<vmem>>, vector<16xf32>,
    %swap3A_5 = vector.shape_cast %swap3A_4 : vector<16xf32> to vector<16xf32>
    %swap3A_6 = vector.shape_cast %broadcast_in_dim3A_3 : vector<16xf32> to vector<16xf32>
    tpu.vector_store %arg6[%swap3A], %swap3A_6 {strides = array<i32>} : memref<80xf32, #tpu.memory_space<vmem>>, vector<16xf32>,
    %broadcast_in_dim3A_7 = arith.constant 1.000000e+00 : f32
    %broadcast_in_dim3A_8 = vector.broadcast %broadcast_in_dim3A_7 : f32 to vector<16xf32>
    %swap3A_9 = arith.constant 16 : index
    %swap3A_10 = tpu.vector_load %arg6[%swap3A_9] {strides = array<i32>} : memref<80xf32, #tpu.memory_space<vmem>>, vector<16xf32>,
    %swap3A_11 = vector.shape_cast %swap3A_10 : vector<16xf32> to vector<16xf32>
    %swap3A_12 = vector.shape_cast %broadcast_in_dim3A_8 : vector<16xf32> to vector<16xf32>
    tpu.vector_store %arg6[%swap3A_9], %swap3A_12 {strides = array<i32>} : memref<80xf32, #tpu.memory_space<vmem>>, vector<16xf32>,
    %broadcast_in_dim3A_13 = arith.constant 1.000000e+00 : f32
    %broadcast_in_dim3A_14 = vector.broadcast %broadcast_in_dim3A_13 : f32 to vector<16xf32>
    %swap3A_15 = arith.constant 32 : index
    %swap3A_16 = tpu.vector_load %arg6[%swap3A_15] {strides = array<i32>} : memref<80xf32, #tpu.memory_space<vmem>>, vector<16xf32>,
    %swap3A_17 = vector.shape_cast %swap3A_16 : vector<16xf32> to vector<16xf32>
    %swap3A_18 = vector.shape_cast %broadcast_in_dim3A_14 : vector<16xf32> to vector<16xf32>
    tpu.vector_store %arg6[%swap3A_15], %swap3A_18 {strides = array<i32>} : memref<80xf32, #tpu.memory_space<vmem>>, vector<16xf32>,
    %broadcast_in_dim3A_19 = arith.constant 1.000000e+00 : f32
    %broadcast_in_dim3A_20 = vector.broadcast %broadcast_in_dim3A_19 : f32 to vector<16xf32>
    %swap3A_21 = arith.constant 48 : index
    %swap3A_22 = tpu.vector_load %arg6[%swap3A_21] {strides = array<i32>} : memref<80xf32, #tpu.memory_space<vmem>>, vector<16xf32>,
    %swap3A_23 = vector.shape_cast %swap3A_22 : vector<16xf32> to vector<16xf32>
    %swap3A_24 = vector.shape_cast %broadcast_in_dim3A_20 : vector<16xf32> to vector<16xf32>
    tpu.vector_store %arg6[%swap3A_21], %swap3A_24 {strides = array<i32>} : memref<80xf32, #tpu.memory_space<vmem>>, vector<16xf32>,
    %broadcast_in_dim3A_25 = arith.constant 1.000000e+00 : f32
    %broadcast_in_dim3A_26 = vector.broadcast %broadcast_in_dim3A_25 : f32 to vector<16xf32>
    %swap3A_27 = arith.constant 64 : index
    %swap3A_28 = tpu.vector_load %arg6[%swap3A_27] {strides = array<i32>} : memref<80xf32, #tpu.memory_space<vmem>>, vector<16xf32>,
    %swap3A_29 = vector.shape_cast %swap3A_28 : vector<16xf32> to vector<16xf32>
    %swap3A_30 = vector.shape_cast %broadcast_in_dim3A_26 : vector<16xf32> to vector<16xf32>
    tpu.vector_store %arg6[%swap3A_27], %swap3A_30 {strides = array<i32>} : memref<80xf32, #tpu.memory_space<vmem>>, vector<16xf32>,
    "tpu.region"() ({
      %run_scoped3A = tpu.sem_alloc : memref<!tpu.dma_semaphore, #tpu.memory_space<semaphore_mem>>
      %dma_start3A = arith.constant 0 : i32
      %dma_start3A_48 = arith.constant 0 : i32
      %dma_start3A_49 = tpu.memref_slice %arg2[%add3A, %dma_start3A, %dma_start3A_48] : memref<32x125x80xi32, #tpu.memory_space<hbm>> -> memref<1x125x80xi32, #tpu.memory_space<hbm>>
      %dma_start3A_50 = tpu.memref_squeeze %dma_start3A_49 : memref<1x125x80xi32, #tpu.memory_space<hbm>> -> memref<125x80xi32, #tpu.memory_space<hbm>>
      %dma_start3A_51 = arith.constant 0 : i32
      %dma_start3A_52 = arith.constant 0 : i32
      %dma_start3A_53 = tpu.memref_slice %arg2[%add3A, %dma_start3A_51, %dma_start3A_52] : memref<32x125x80xi32, #tpu.memory_space<hbm>> -> memref<1x125x80xi32, #tpu.memory_space<hbm>>
      %dma_start3A_54 = tpu.memref_squeeze %dma_start3A_53 : memref<1x125x80xi32, #tpu.memory_space<hbm>> -> memref<125x80xi32, #tpu.memory_space<hbm>>
      tpu.enqueue_dma source(%dma_start3A_54 : memref<125x80xi32, #tpu.memory_space<hbm>>) target(%arg5 : memref<125x80xi32, #tpu.memory_space<vmem>>) target_semaphore(%run_scoped3A : memref<!tpu.dma_semaphore, #tpu.memory_space<semaphore_mem>>)
      %dma_wait3A = arith.constant 0 : i32
      %dma_wait3A_55 = arith.constant 0 : i32
      %dma_wait3A_56 = tpu.memref_slice %arg2[%add3A, %dma_wait3A, %dma_wait3A_55] : memref<32x125x80xi32, #tpu.memory_space<hbm>> -> memref<1x125x80xi32, #tpu.memory_space<hbm>>
      %dma_wait3A_57 = tpu.memref_squeeze %dma_wait3A_56 : memref<1x125x80xi32, #tpu.memory_space<hbm>> -> memref<125x80xi32, #tpu.memory_space<hbm>>
      %dma_wait3A_58 = arith.constant 0 : i32
      %dma_wait3A_59 = arith.constant 0 : i32
      %dma_wait3A_60 = tpu.memref_slice %arg2[%add3A, %dma_wait3A_58, %dma_wait3A_59] : memref<32x125x80xi32, #tpu.memory_space<hbm>> -> memref<1x125x80xi32, #tpu.memory_space<hbm>>
      %dma_wait3A_61 = tpu.memref_squeeze %dma_wait3A_60 : memref<1x125x80xi32, #tpu.memory_space<hbm>> -> memref<125x80xi32, #tpu.memory_space<hbm>>
      tpu.wait_dma2 semaphore(%run_scoped3A : memref<!tpu.dma_semaphore, #tpu.memory_space<semaphore_mem>>) src(%dma_wait3A_61 : memref<125x80xi32, #tpu.memory_space<hbm>>) dst(%arg5 : memref<125x80xi32, #tpu.memory_space<vmem>>)
      tpu.yield
    }) : () -> ()
    %barrier3A = arith.constant 0 : index
    tpu.barrier barrier_id(%barrier3A)
    %scan3A = arith.constant 0 : i32
    %scan3A_31 = arith.constant 0 : i32
    %scan3A_32 = arith.constant 125 : i32
    %scan3A_33 = arith.addi %scan3A_31, %scan3A_32 : i32
    %scan3A_34 = arith.constant 1 : i32
    scf.for %scan3A_48 = %scan3A_31 to %scan3A_33 step %scan3A_34  : i32 {
      %dma_start3A = arith.constant 0 : i32
      %dma_start3A_49 = tpu.memref_slice %arg5[%scan3A_48, %dma_start3A] : memref<125x80xi32, #tpu.memory_space<vmem>> -> memref<1x80xi32, #tpu.memory_space<vmem>>
      %dma_start3A_50 = tpu.memref_squeeze %dma_start3A_49 : memref<1x80xi32, #tpu.memory_space<vmem>> -> memref<80xi32, #tpu.memory_space<vmem>>
      %dma_start3A_51 = arith.constant 0 : i32
      %dma_start3A_52 = tpu.memref_slice %arg7[%dma_start3A_51] : memref<10112xf32, #tpu.memory_space<vmem_shared>> -> memref<10112xf32, #tpu.memory_space<vmem_shared>>
      tpu.enqueue_indirect_dma source(%arg6 : memref<80xf32, #tpu.memory_space<vmem>>) target(%dma_start3A_52 : memref<10112xf32, #tpu.memory_space<vmem_shared>>) offsets(%dma_start3A_50 : memref<80xi32, #tpu.memory_space<vmem>>) semaphore(%arg8 : memref<!tpu.dma_semaphore, #tpu.memory_space<semaphore_mem>>) {add = true}
    }
    %scan3A_35 = arith.constant 125 : i32
    %scan3A_36 = arith.constant 0 : i32
    %scan3A_37 = arith.constant 0 : i32
    %scan3A_38 = arith.constant 125 : i32
    %scan3A_39 = arith.addi %scan3A_37, %scan3A_38 : i32
    %scan3A_40 = arith.constant 1 : i32
    scf.for %scan3A_48 = %scan3A_37 to %scan3A_39 step %scan3A_40  : i32 {
      %dma_wait3A = arith.constant 0 : i32
      %dma_wait3A_49 = tpu.memref_slice %arg5[%scan3A_48, %dma_wait3A] : memref<125x80xi32, #tpu.memory_space<vmem>> -> memref<1x80xi32, #tpu.memory_space<vmem>>
      %dma_wait3A_50 = tpu.memref_squeeze %dma_wait3A_49 : memref<1x80xi32, #tpu.memory_space<vmem>> -> memref<80xi32, #tpu.memory_space<vmem>>
      %dma_wait3A_51 = arith.constant 0 : i32
      %dma_wait3A_52 = tpu.memref_slice %arg7[%dma_wait3A_51] : memref<10112xf32, #tpu.memory_space<vmem_shared>> -> memref<10112xf32, #tpu.memory_space<vmem_shared>>
      tpu.wait_indirect_dma semaphore(%arg8 : memref<!tpu.dma_semaphore, #tpu.memory_space<semaphore_mem>>) src(%arg6 : memref<80xf32, #tpu.memory_space<vmem>>) dst(%dma_wait3A_52 : memref<10112xf32, #tpu.memory_space<vmem_shared>>)
    }
    %scan3A_41 = arith.constant 125 : i32
    %barrier3A_42 = arith.constant 0 : index
    tpu.barrier barrier_id(%barrier3A_42)
    %eq3A_43 = arith.constant 0 : i32
    %eq3A_44 = arith.cmpi eq, %arg1, %eq3A_43 : i32
    %convert_element_type3A_45 = arith.extui %eq3A_44 : i1 to i32
    %cond3A_46 = arith.constant 0 : i32
    %cond3A_47 = arith.cmpi ne, %convert_element_type3A_45, %cond3A_46 : i32
    scf.if %cond3A_47 {
      %mul3A_48 = arith.constant 10112 : i32
      %mul3A_49 = arith.muli %arg0, %mul3A_48 : i32
      %multiple_of3A = tpu.assume_multiple %mul3A_49, 128 : i32
      "tpu.region"() ({
        %run_scoped3A = tpu.sem_alloc : memref<!tpu.dma_semaphore, #tpu.memory_space<semaphore_mem>>
        %dma_start3A = tpu.memref_slice %arg4[%multiple_of3A] : memref<20224xf32, #tpu.memory_space<hbm>> -> memref<10112xf32, #tpu.memory_space<hbm>>
        tpu.enqueue_dma source(%arg7 : memref<10112xf32, #tpu.memory_space<vmem_shared>>) target(%dma_start3A : memref<10112xf32, #tpu.memory_space<hbm>>) target_semaphore(%run_scoped3A : memref<!tpu.dma_semaphore, #tpu.memory_space<semaphore_mem>>)
        %dma_wait3A = tpu.memref_slice %arg4[%multiple_of3A] : memref<20224xf32, #tpu.memory_space<hbm>> -> memref<10112xf32, #tpu.memory_space<hbm>>
        tpu.wait_dma2 semaphore(%run_scoped3A : memref<!tpu.dma_semaphore, #tpu.memory_space<semaphore_mem>>) src(%arg7 : memref<10112xf32, #tpu.memory_space<vmem_shared>>) dst(%dma_wait3A : memref<10112xf32, #tpu.memory_space<hbm>>)
        tpu.yield
      }) : () -> ()
    } else {
    }
    return
  }
}

#map = affine_map<(d0, d1) -> (0, 0)>
#map1 = affine_map<(d0, d1) -> (0, 0, 0)>
module attributes {stable_mosaic.version = 14 : i64} {
  func.func @_agg_body(%arg0: i32, %arg1: i32, %arg2: memref<20000x64xf32, #tpu.memory_space<hbm>>, %arg3: memref<32x125x80xi32, #tpu.memory_space<hbm>>, %arg4: memref<32x125x80xi32, #tpu.memory_space<hbm>>, %arg5: memref<10000x64xf32, #tpu.memory_space<hbm>>, %arg6: memref<2x10000x128xf32, #tpu.memory_space<hbm>>, %arg7: memref<125x80xi32, #tpu.memory_space<vmem>>, %arg8: memref<125x80xi32, #tpu.memory_space<vmem>>, %arg9: memref<125x80xi32, #tpu.memory_space<vmem>>, %arg10: memref<125x80xi32, #tpu.memory_space<vmem>>, %arg11: memref<80x64xf32, #tpu.memory_space<vmem>>, %arg12: memref<80x64xf32, #tpu.memory_space<vmem>>, %arg13: memref<80x64xf32, #tpu.memory_space<vmem>>, %arg14: memref<80x64xf32, #tpu.memory_space<vmem>>, %arg15: memref<4x!tpu.dma_semaphore, #tpu.memory_space<semaphore_mem>>, %arg16: memref<4x!tpu.dma_semaphore, #tpu.memory_space<semaphore_mem>>, %arg17: memref<10000x64xf32, #tpu.memory_space<vmem_shared>>) attributes {dimension_semantics = [#tpu.dimension_semantics<core_parallel>, #tpu.dimension_semantics<subcore_parallel>], iteration_bounds = array<i64: 2, 16>, scalar_prefetch = 0 : i64, scratch_operands = 11 : i64, tpu.core_type = #tpu.core_type<sc_vector_subcore>, window_params = [{transform_indices = #map}, {transform_indices = #map1}, {transform_indices = #map1}, {transform_indices = #map}, {transform_indices = #map1}]} {
    %mul3A = arith.constant 16 : i32
    %mul3A_0 = arith.muli %arg0, %mul3A : i32
    %add3A = arith.addi %mul3A_0, %arg1 : i32
    %mul3A_1 = arith.constant 632 : i32
    %mul3A_2 = arith.muli %arg1, %mul3A_1 : i32
    %multiple_of3A = tpu.assume_multiple %mul3A_2, 8 : i32
    "tpu.region"() ({
      %run_scoped3A = tpu.sem_alloc : memref<!tpu.dma_semaphore, #tpu.memory_space<semaphore_mem>>
      %dma_start3A_98 = arith.constant 0 : i32
      %dma_start3A_99 = arith.constant 0 : i32
      %dma_start3A_100 = tpu.memref_slice %arg3[%add3A, %dma_start3A_98, %dma_start3A_99] : memref<32x125x80xi32, #tpu.memory_space<hbm>> -> memref<1x125x80xi32, #tpu.memory_space<hbm>>
      %dma_start3A_101 = tpu.memref_squeeze %dma_start3A_100 : memref<1x125x80xi32, #tpu.memory_space<hbm>> -> memref<125x80xi32, #tpu.memory_space<hbm>>
      %dma_start3A_102 = arith.constant 0 : i32
      %dma_start3A_103 = arith.constant 0 : i32
      %dma_start3A_104 = tpu.memref_slice %arg3[%add3A, %dma_start3A_102, %dma_start3A_103] : memref<32x125x80xi32, #tpu.memory_space<hbm>> -> memref<1x125x80xi32, #tpu.memory_space<hbm>>
      %dma_start3A_105 = tpu.memref_squeeze %dma_start3A_104 : memref<1x125x80xi32, #tpu.memory_space<hbm>> -> memref<125x80xi32, #tpu.memory_space<hbm>>
      tpu.enqueue_dma source(%dma_start3A_105 : memref<125x80xi32, #tpu.memory_space<hbm>>) target(%arg7 : memref<125x80xi32, #tpu.memory_space<vmem>>) target_semaphore(%run_scoped3A : memref<!tpu.dma_semaphore, #tpu.memory_space<semaphore_mem>>)
      %dma_wait3A = arith.constant 0 : i32
      %dma_wait3A_106 = arith.constant 0 : i32
      %dma_wait3A_107 = tpu.memref_slice %arg3[%add3A, %dma_wait3A, %dma_wait3A_106] : memref<32x125x80xi32, #tpu.memory_space<hbm>> -> memref<1x125x80xi32, #tpu.memory_space<hbm>>
      %dma_wait3A_108 = tpu.memref_squeeze %dma_wait3A_107 : memref<1x125x80xi32, #tpu.memory_space<hbm>> -> memref<125x80xi32, #tpu.memory_space<hbm>>
      %dma_wait3A_109 = arith.constant 0 : i32
      %dma_wait3A_110 = arith.constant 0 : i32
      %dma_wait3A_111 = tpu.memref_slice %arg3[%add3A, %dma_wait3A_109, %dma_wait3A_110] : memref<32x125x80xi32, #tpu.memory_space<hbm>> -> memref<1x125x80xi32, #tpu.memory_space<hbm>>
      %dma_wait3A_112 = tpu.memref_squeeze %dma_wait3A_111 : memref<1x125x80xi32, #tpu.memory_space<hbm>> -> memref<125x80xi32, #tpu.memory_space<hbm>>
      tpu.wait_dma2 semaphore(%run_scoped3A : memref<!tpu.dma_semaphore, #tpu.memory_space<semaphore_mem>>) src(%dma_wait3A_112 : memref<125x80xi32, #tpu.memory_space<hbm>>) dst(%arg7 : memref<125x80xi32, #tpu.memory_space<vmem>>)
      tpu.yield
    }) : () -> ()
    "tpu.region"() ({
      %run_scoped3A = tpu.sem_alloc : memref<!tpu.dma_semaphore, #tpu.memory_space<semaphore_mem>>
      %dma_start3A_98 = arith.constant 0 : i32
      %dma_start3A_99 = arith.constant 0 : i32
      %dma_start3A_100 = tpu.memref_slice %arg4[%add3A, %dma_start3A_98, %dma_start3A_99] : memref<32x125x80xi32, #tpu.memory_space<hbm>> -> memref<1x125x80xi32, #tpu.memory_space<hbm>>
      %dma_start3A_101 = tpu.memref_squeeze %dma_start3A_100 : memref<1x125x80xi32, #tpu.memory_space<hbm>> -> memref<125x80xi32, #tpu.memory_space<hbm>>
      %dma_start3A_102 = arith.constant 0 : i32
      %dma_start3A_103 = arith.constant 0 : i32
      %dma_start3A_104 = tpu.memref_slice %arg4[%add3A, %dma_start3A_102, %dma_start3A_103] : memref<32x125x80xi32, #tpu.memory_space<hbm>> -> memref<1x125x80xi32, #tpu.memory_space<hbm>>
      %dma_start3A_105 = tpu.memref_squeeze %dma_start3A_104 : memref<1x125x80xi32, #tpu.memory_space<hbm>> -> memref<125x80xi32, #tpu.memory_space<hbm>>
      tpu.enqueue_dma source(%dma_start3A_105 : memref<125x80xi32, #tpu.memory_space<hbm>>) target(%arg8 : memref<125x80xi32, #tpu.memory_space<vmem>>) target_semaphore(%run_scoped3A : memref<!tpu.dma_semaphore, #tpu.memory_space<semaphore_mem>>)
      %dma_wait3A = arith.constant 0 : i32
      %dma_wait3A_106 = arith.constant 0 : i32
      %dma_wait3A_107 = tpu.memref_slice %arg4[%add3A, %dma_wait3A, %dma_wait3A_106] : memref<32x125x80xi32, #tpu.memory_space<hbm>> -> memref<1x125x80xi32, #tpu.memory_space<hbm>>
      %dma_wait3A_108 = tpu.memref_squeeze %dma_wait3A_107 : memref<1x125x80xi32, #tpu.memory_space<hbm>> -> memref<125x80xi32, #tpu.memory_space<hbm>>
      %dma_wait3A_109 = arith.constant 0 : i32
      %dma_wait3A_110 = arith.constant 0 : i32
      %dma_wait3A_111 = tpu.memref_slice %arg4[%add3A, %dma_wait3A_109, %dma_wait3A_110] : memref<32x125x80xi32, #tpu.memory_space<hbm>> -> memref<1x125x80xi32, #tpu.memory_space<hbm>>
      %dma_wait3A_112 = tpu.memref_squeeze %dma_wait3A_111 : memref<1x125x80xi32, #tpu.memory_space<hbm>> -> memref<125x80xi32, #tpu.memory_space<hbm>>
      tpu.wait_dma2 semaphore(%run_scoped3A : memref<!tpu.dma_semaphore, #tpu.memory_space<semaphore_mem>>) src(%dma_wait3A_112 : memref<125x80xi32, #tpu.memory_space<hbm>>) dst(%arg8 : memref<125x80xi32, #tpu.memory_space<vmem>>)
      tpu.yield
    }) : () -> ()
    %scan3A = arith.constant 0 : i32
    %scan3A_3 = arith.constant 0 : i32
    %scan3A_4 = arith.constant 625 : i32
    %scan3A_5 = arith.addi %scan3A_3, %scan3A_4 : i32
    %scan3A_6 = arith.constant 1 : i32
    scf.for %scan3A_98 = %scan3A_3 to %scan3A_5 step %scan3A_6  : i32 {
      %jit3A = arith.constant 5 : i32
      %div3A = arith.divsi %scan3A_98, %jit3A : i32
      %sign3A = arith.constant 0 : i32
      %sign3A_99 = arith.cmpi sgt, %scan3A_98, %sign3A : i32
      %sign3A_100 = arith.extui %sign3A_99 : i1 to i32
      %sign3A_101 = arith.constant 0 : i32
      %sign3A_102 = arith.cmpi slt, %scan3A_98, %sign3A_101 : i32
      %sign3A_103 = arith.extui %sign3A_102 : i1 to i32
      %sign3A_104 = arith.subi %sign3A_100, %sign3A_103 : i32
      %sign3A_105 = arith.constant 0 : i32
      %sign3A_106 = arith.cmpi sgt, %jit3A, %sign3A_105 : i32
      %sign3A_107 = arith.extui %sign3A_106 : i1 to i32
      %sign3A_108 = arith.constant 0 : i32
      %sign3A_109 = arith.cmpi slt, %jit3A, %sign3A_108 : i32
      %sign3A_110 = arith.extui %sign3A_109 : i1 to i32
      %sign3A_111 = arith.subi %sign3A_107, %sign3A_110 : i32
      %ne3A = arith.cmpi ne, %sign3A_104, %sign3A_111 : i32
      %rem3A = arith.remsi %scan3A_98, %jit3A : i32
      %ne3A_112 = arith.constant 0 : i32
      %ne3A_113 = arith.cmpi ne, %rem3A, %ne3A_112 : i32
      %and3A = arith.andi %ne3A, %ne3A_113 : i1
      %sub3A = arith.constant 1 : i32
      %sub3A_114 = arith.subi %div3A, %sub3A : i32
      %select_n3A = arith.select %and3A, %sub3A_114, %div3A : i32
      %jit3A_115 = arith.constant 5 : i32
      %eq3A_116 = arith.constant 0 : i32
      %eq3A_117 = arith.cmpi eq, %jit3A_115, %eq3A_116 : i32
      %jit3A_118 = arith.constant 1 : i32
      %select_n3A_119 = arith.select %eq3A_117, %jit3A_118, %jit3A_115 : i32
      %rem3A_120 = arith.remsi %scan3A_98, %select_n3A_119 : i32
      %ne3A_121 = arith.constant 0 : i32
      %ne3A_122 = arith.cmpi ne, %rem3A_120, %ne3A_121 : i32
      %lt3A_123 = arith.constant 0 : i32
      %lt3A_124 = arith.cmpi slt, %rem3A_120, %lt3A_123 : i32
      %lt3A_125 = arith.constant 0 : i32
      %lt3A_126 = arith.cmpi slt, %select_n3A_119, %lt3A_125 : i32
      %ne3A_127 = arith.xori %lt3A_124, %lt3A_126 : i1
      %and3A_128 = arith.andi %ne3A_127, %ne3A_122 : i1
      %add3A_129 = arith.addi %rem3A_120, %select_n3A_119 : i32
      %select_n3A_130 = arith.select %and3A_128, %add3A_129, %rem3A_120 : i32
      %mul3A_131 = arith.constant 16 : i32
      %mul3A_132 = arith.muli %select_n3A_130, %mul3A_131 : i32
      %get3A = arith.index_cast %select_n3A : i32 to index
      %get3A_133 = arith.index_cast %mul3A_132 : i32 to index
      %get3A_134 = tpu.vector_load %arg7[%get3A, %get3A_133] {strides = array<i32>} : memref<125x80xi32, #tpu.memory_space<vmem>>, vector<1x16xi32>,
      %get3A_135 = vector.shape_cast %get3A_134 : vector<1x16xi32> to vector<16xi32>
      %mul3A_136 = arith.constant 2 : i32
      %mul3A_137 = vector.broadcast %mul3A_136 : i32 to vector<16xi32>
      %mul3A_138 = arith.muli %get3A_135, %mul3A_137 : vector<16xi32>
      %swap3A = arith.index_cast %select_n3A : i32 to index
      %swap3A_139 = arith.index_cast %mul3A_132 : i32 to index
      %swap3A_140 = tpu.vector_load %arg9[%swap3A, %swap3A_139] {strides = array<i32>} : memref<125x80xi32, #tpu.memory_space<vmem>>, vector<1x16xi32>,
      %swap3A_141 = vector.shape_cast %swap3A_140 : vector<1x16xi32> to vector<16xi32>
      %swap3A_142 = vector.shape_cast %mul3A_138 : vector<16xi32> to vector<1x16xi32>
      tpu.vector_store %arg9[%swap3A, %swap3A_139], %swap3A_142 {strides = array<i32>} : memref<125x80xi32, #tpu.memory_space<vmem>>, vector<1x16xi32>,
      %mul3A_143 = arith.constant 2 : i32
      %mul3A_144 = vector.broadcast %mul3A_143 : i32 to vector<16xi32>
      %mul3A_145 = arith.muli %get3A_135, %mul3A_144 : vector<16xi32>
      %add3A_146 = arith.constant 1 : i32
      %add3A_147 = vector.broadcast %add3A_146 : i32 to vector<16xi32>
      %add3A_148 = arith.addi %mul3A_145, %add3A_147 : vector<16xi32>
      %swap3A_149 = arith.index_cast %select_n3A : i32 to index
      %swap3A_150 = arith.index_cast %mul3A_132 : i32 to index
      %swap3A_151 = tpu.vector_load %arg10[%swap3A_149, %swap3A_150] {strides = array<i32>} : memref<125x80xi32, #tpu.memory_space<vmem>>, vector<1x16xi32>,
      %swap3A_152 = vector.shape_cast %swap3A_151 : vector<1x16xi32> to vector<16xi32>
      %swap3A_153 = vector.shape_cast %add3A_148 : vector<16xi32> to vector<1x16xi32>
      tpu.vector_store %arg10[%swap3A_149, %swap3A_150], %swap3A_153 {strides = array<i32>} : memref<125x80xi32, #tpu.memory_space<vmem>>, vector<1x16xi32>,
    }
    %scan3A_7 = arith.constant 625 : i32
    %lt3A = arith.constant 15 : i32
    %lt3A_8 = arith.cmpi slt, %arg1, %lt3A : i32
    %convert_element_type3A = arith.extui %lt3A_8 : i1 to i32
    %cond3A = arith.constant 0 : i32
    %cond3A_9 = arith.cmpi ne, %convert_element_type3A, %cond3A : i32
    scf.if %cond3A_9 {
      "tpu.region"() ({
        %run_scoped3A = tpu.sem_alloc : memref<!tpu.dma_semaphore, #tpu.memory_space<semaphore_mem>>
        %dma_start3A_98 = arith.constant 0 : i32
        %dma_start3A_99 = tpu.memref_slice %arg17[%multiple_of3A, %dma_start3A_98] : memref<10000x64xf32, #tpu.memory_space<vmem_shared>> -> memref<632x64xf32, #tpu.memory_space<vmem_shared>>
        %dma_start3A_100 = arith.constant 0 : i32
        %dma_start3A_101 = tpu.memref_slice %arg5[%multiple_of3A, %dma_start3A_100] : memref<10000x64xf32, #tpu.memory_space<hbm>> -> memref<632x64xf32, #tpu.memory_space<hbm>>
        tpu.enqueue_dma source(%dma_start3A_101 : memref<632x64xf32, #tpu.memory_space<hbm>>) target(%dma_start3A_99 : memref<632x64xf32, #tpu.memory_space<vmem_shared>>) target_semaphore(%run_scoped3A : memref<!tpu.dma_semaphore, #tpu.memory_space<semaphore_mem>>)
        %dma_wait3A = arith.constant 0 : i32
        %dma_wait3A_102 = tpu.memref_slice %arg17[%multiple_of3A, %dma_wait3A] : memref<10000x64xf32, #tpu.memory_space<vmem_shared>> -> memref<632x64xf32, #tpu.memory_space<vmem_shared>>
        %dma_wait3A_103 = arith.constant 0 : i32
        %dma_wait3A_104 = tpu.memref_slice %arg5[%multiple_of3A, %dma_wait3A_103] : memref<10000x64xf32, #tpu.memory_space<hbm>> -> memref<632x64xf32, #tpu.memory_space<hbm>>
        tpu.wait_dma2 semaphore(%run_scoped3A : memref<!tpu.dma_semaphore, #tpu.memory_space<semaphore_mem>>) src(%dma_wait3A_104 : memref<632x64xf32, #tpu.memory_space<hbm>>) dst(%dma_wait3A_102 : memref<632x64xf32, #tpu.memory_space<vmem_shared>>)
        tpu.yield
      }) : () -> ()
    } else {
    }
    %eq3A = arith.constant 15 : i32
    %eq3A_10 = arith.cmpi eq, %arg1, %eq3A : i32
    %convert_element_type3A_11 = arith.extui %eq3A_10 : i1 to i32
    %cond3A_12 = arith.constant 0 : i32
    %cond3A_13 = arith.cmpi ne, %convert_element_type3A_11, %cond3A_12 : i32
    scf.if %cond3A_13 {
      "tpu.region"() ({
        %run_scoped3A = tpu.sem_alloc : memref<!tpu.dma_semaphore, #tpu.memory_space<semaphore_mem>>
        %dma_start3A_98 = arith.constant 9480 : i32
        %dma_start3A_99 = arith.constant 0 : i32
        %dma_start3A_100 = tpu.memref_slice %arg17[%dma_start3A_98, %dma_start3A_99] : memref<10000x64xf32, #tpu.memory_space<vmem_shared>> -> memref<520x64xf32, #tpu.memory_space<vmem_shared>>
        %dma_start3A_101 = arith.constant 9480 : i32
        %dma_start3A_102 = arith.constant 0 : i32
        %dma_start3A_103 = tpu.memref_slice %arg5[%dma_start3A_101, %dma_start3A_102] : memref<10000x64xf32, #tpu.memory_space<hbm>> -> memref<520x64xf32, #tpu.memory_space<hbm>>
        tpu.enqueue_dma source(%dma_start3A_103 : memref<520x64xf32, #tpu.memory_space<hbm>>) target(%dma_start3A_100 : memref<520x64xf32, #tpu.memory_space<vmem_shared>>) target_semaphore(%run_scoped3A : memref<!tpu.dma_semaphore, #tpu.memory_space<semaphore_mem>>)
        %dma_wait3A = arith.constant 9480 : i32
        %dma_wait3A_104 = arith.constant 0 : i32
        %dma_wait3A_105 = tpu.memref_slice %arg17[%dma_wait3A, %dma_wait3A_104] : memref<10000x64xf32, #tpu.memory_space<vmem_shared>> -> memref<520x64xf32, #tpu.memory_space<vmem_shared>>
        %dma_wait3A_106 = arith.constant 9480 : i32
        %dma_wait3A_107 = arith.constant 0 : i32
        %dma_wait3A_108 = tpu.memref_slice %arg5[%dma_wait3A_106, %dma_wait3A_107] : memref<10000x64xf32, #tpu.memory_space<hbm>> -> memref<520x64xf32, #tpu.memory_space<hbm>>
        tpu.wait_dma2 semaphore(%run_scoped3A : memref<!tpu.dma_semaphore, #tpu.memory_space<semaphore_mem>>) src(%dma_wait3A_108 : memref<520x64xf32, #tpu.memory_space<hbm>>) dst(%dma_wait3A_105 : memref<520x64xf32, #tpu.memory_space<vmem_shared>>)
        tpu.yield
      }) : () -> ()
    } else {
    }
    %dma_start3A = arith.constant 0 : i32
    %dma_start3A_14 = arith.constant 0 : i32
    %dma_start3A_15 = arith.constant 0 : i32
    %dma_start3A_16 = tpu.memref_slice %arg9[%dma_start3A, %dma_start3A_15] : memref<125x80xi32, #tpu.memory_space<vmem>> -> memref<1x80xi32, #tpu.memory_space<vmem>>
    %dma_start3A_17 = tpu.memref_squeeze %dma_start3A_16 : memref<1x80xi32, #tpu.memory_space<vmem>> -> memref<80xi32, #tpu.memory_space<vmem>>
    %dma_start3A_18 = arith.constant 0 : i32
    %dma_start3A_19 = arith.constant 0 : i32
    %dma_start3A_20 = tpu.memref_slice %arg2[%dma_start3A_18, %dma_start3A_19] : memref<20000x64xf32, #tpu.memory_space<hbm>> -> memref<20000x64xf32, #tpu.memory_space<hbm>>
    %dma_start3A_21 = tpu.memref_slice %arg15[%dma_start3A_14] : memref<4x!tpu.dma_semaphore, #tpu.memory_space<semaphore_mem>> -> memref<1x!tpu.dma_semaphore, #tpu.memory_space<semaphore_mem>>
    %dma_start3A_22 = tpu.memref_squeeze %dma_start3A_21 : memref<1x!tpu.dma_semaphore, #tpu.memory_space<semaphore_mem>> -> memref<!tpu.dma_semaphore, #tpu.memory_space<semaphore_mem>>
    tpu.enqueue_indirect_dma source(%dma_start3A_20 : memref<20000x64xf32, #tpu.memory_space<hbm>>) target(%arg11 : memref<80x64xf32, #tpu.memory_space<vmem>>) offsets(%dma_start3A_17 : memref<80xi32, #tpu.memory_space<vmem>>) semaphore(%dma_start3A_22 : memref<!tpu.dma_semaphore, #tpu.memory_space<semaphore_mem>>)
    %dma_start3A_23 = arith.constant 1 : i32
    %dma_start3A_24 = arith.constant 1 : i32
    %dma_start3A_25 = arith.constant 0 : i32
    %dma_start3A_26 = tpu.memref_slice %arg9[%dma_start3A_23, %dma_start3A_25] : memref<125x80xi32, #tpu.memory_space<vmem>> -> memref<1x80xi32, #tpu.memory_space<vmem>>
    %dma_start3A_27 = tpu.memref_squeeze %dma_start3A_26 : memref<1x80xi32, #tpu.memory_space<vmem>> -> memref<80xi32, #tpu.memory_space<vmem>>
    %dma_start3A_28 = arith.constant 0 : i32
    %dma_start3A_29 = arith.constant 0 : i32
    %dma_start3A_30 = tpu.memref_slice %arg2[%dma_start3A_28, %dma_start3A_29] : memref<20000x64xf32, #tpu.memory_space<hbm>> -> memref<20000x64xf32, #tpu.memory_space<hbm>>
    %dma_start3A_31 = tpu.memref_slice %arg15[%dma_start3A_24] : memref<4x!tpu.dma_semaphore, #tpu.memory_space<semaphore_mem>> -> memref<1x!tpu.dma_semaphore, #tpu.memory_space<semaphore_mem>>
    %dma_start3A_32 = tpu.memref_squeeze %dma_start3A_31 : memref<1x!tpu.dma_semaphore, #tpu.memory_space<semaphore_mem>> -> memref<!tpu.dma_semaphore, #tpu.memory_space<semaphore_mem>>
    tpu.enqueue_indirect_dma source(%dma_start3A_30 : memref<20000x64xf32, #tpu.memory_space<hbm>>) target(%arg12 : memref<80x64xf32, #tpu.memory_space<vmem>>) offsets(%dma_start3A_27 : memref<80xi32, #tpu.memory_space<vmem>>) semaphore(%dma_start3A_32 : memref<!tpu.dma_semaphore, #tpu.memory_space<semaphore_mem>>)
    %barrier3A = arith.constant 0 : index
    tpu.barrier barrier_id(%barrier3A)
    %scan3A_33 = arith.constant 0 : i32
    %scan3A_34 = arith.constant 0 : i32
    %scan3A_35 = arith.constant 32 : i32
    %scan3A_36 = arith.addi %scan3A_34, %scan3A_35 : i32
    %scan3A_37 = arith.constant 1 : i32
    scf.for %scan3A_98 = %scan3A_34 to %scan3A_36 step %scan3A_37  : i32 {
      %mul3A_99 = arith.constant 4 : i32
      %mul3A_100 = arith.muli %mul3A_99, %scan3A_98 : i32
      %add3A_101 = arith.constant 0 : i32
      %add3A_102 = arith.addi %mul3A_100, %add3A_101 : i32
      %ge3A = arith.constant 2 : i32
      %ge3A_103 = arith.cmpi sge, %add3A_102, %ge3A : i32
      %lt3A_104 = arith.constant 127 : i32
      %lt3A_105 = arith.cmpi slt, %add3A_102, %lt3A_104 : i32
      %and3A = arith.andi %ge3A_103, %lt3A_105 : i1
      %convert_element_type3A_106 = arith.extui %and3A : i1 to i32
      %cond3A_107 = arith.constant 0 : i32
      %cond3A_108 = arith.cmpi ne, %convert_element_type3A_106, %cond3A_107 : i32
      scf.if %cond3A_108 {
        %sub3A = arith.constant 2 : i32
        %sub3A_193 = arith.subi %add3A_102, %sub3A : i32
        %dma_wait3A = arith.constant 2 : i32
        %dma_wait3A_194 = arith.constant 0 : i32
        %dma_wait3A_195 = tpu.memref_slice %arg8[%sub3A_193, %dma_wait3A_194] : memref<125x80xi32, #tpu.memory_space<vmem>> -> memref<1x80xi32, #tpu.memory_space<vmem>>
        %dma_wait3A_196 = tpu.memref_squeeze %dma_wait3A_195 : memref<1x80xi32, #tpu.memory_space<vmem>> -> memref<80xi32, #tpu.memory_space<vmem>>
        %dma_wait3A_197 = arith.constant 0 : i32
        %dma_wait3A_198 = arith.constant 0 : i32
        %dma_wait3A_199 = tpu.memref_slice %arg17[%dma_wait3A_197, %dma_wait3A_198] : memref<10000x64xf32, #tpu.memory_space<vmem_shared>> -> memref<10000x64xf32, #tpu.memory_space<vmem_shared>>
        %dma_wait3A_200 = tpu.memref_slice %arg16[%dma_wait3A] : memref<4x!tpu.dma_semaphore, #tpu.memory_space<semaphore_mem>> -> memref<1x!tpu.dma_semaphore, #tpu.memory_space<semaphore_mem>>
        %dma_wait3A_201 = tpu.memref_squeeze %dma_wait3A_200 : memref<1x!tpu.dma_semaphore, #tpu.memory_space<semaphore_mem>> -> memref<!tpu.dma_semaphore, #tpu.memory_space<semaphore_mem>>
        tpu.wait_indirect_dma semaphore(%dma_wait3A_201 : memref<!tpu.dma_semaphore, #tpu.memory_space<semaphore_mem>>) src(%arg13 : memref<80x64xf32, #tpu.memory_space<vmem>>) dst(%dma_wait3A_199 : memref<10000x64xf32, #tpu.memory_space<vmem_shared>>)
      } else {
      }
      %add3A_109 = arith.constant 2 : i32
      %add3A_110 = arith.addi %add3A_102, %add3A_109 : i32
      %lt3A_111 = arith.constant 125 : i32
      %lt3A_112 = arith.cmpi slt, %add3A_110, %lt3A_111 : i32
      %convert_element_type3A_113 = arith.extui %lt3A_112 : i1 to i32
      %cond3A_114 = arith.constant 0 : i32
      %cond3A_115 = arith.cmpi ne, %convert_element_type3A_113, %cond3A_114 : i32
      scf.if %cond3A_115 {
        %add3A_193 = arith.constant 2 : i32
        %add3A_194 = arith.addi %add3A_102, %add3A_193 : i32
        %dma_start3A_195 = arith.constant 2 : i32
        %dma_start3A_196 = arith.constant 0 : i32
        %dma_start3A_197 = tpu.memref_slice %arg9[%add3A_194, %dma_start3A_196] : memref<125x80xi32, #tpu.memory_space<vmem>> -> memref<1x80xi32, #tpu.memory_space<vmem>>
        %dma_start3A_198 = tpu.memref_squeeze %dma_start3A_197 : memref<1x80xi32, #tpu.memory_space<vmem>> -> memref<80xi32, #tpu.memory_space<vmem>>
        %dma_start3A_199 = arith.constant 0 : i32
        %dma_start3A_200 = arith.constant 0 : i32
        %dma_start3A_201 = tpu.memref_slice %arg2[%dma_start3A_199, %dma_start3A_200] : memref<20000x64xf32, #tpu.memory_space<hbm>> -> memref<20000x64xf32, #tpu.memory_space<hbm>>
        %dma_start3A_202 = tpu.memref_slice %arg15[%dma_start3A_195] : memref<4x!tpu.dma_semaphore, #tpu.memory_space<semaphore_mem>> -> memref<1x!tpu.dma_semaphore, #tpu.memory_space<semaphore_mem>>
        %dma_start3A_203 = tpu.memref_squeeze %dma_start3A_202 : memref<1x!tpu.dma_semaphore, #tpu.memory_space<semaphore_mem>> -> memref<!tpu.dma_semaphore, #tpu.memory_space<semaphore_mem>>
        tpu.enqueue_indirect_dma source(%dma_start3A_201 : memref<20000x64xf32, #tpu.memory_space<hbm>>) target(%arg13 : memref<80x64xf32, #tpu.memory_space<vmem>>) offsets(%dma_start3A_198 : memref<80xi32, #tpu.memory_space<vmem>>) semaphore(%dma_start3A_203 : memref<!tpu.dma_semaphore, #tpu.memory_space<semaphore_mem>>)
      } else {
      }
      %lt3A_116 = arith.constant 125 : i32
      %lt3A_117 = arith.cmpi slt, %add3A_102, %lt3A_116 : i32
      %convert_element_type3A_118 = arith.extui %lt3A_117 : i1 to i32
      %cond3A_119 = arith.constant 0 : i32
      %cond3A_120 = arith.cmpi ne, %convert_element_type3A_118, %cond3A_119 : i32
      scf.if %cond3A_120 {
        %dma_wait3A = arith.constant 0 : i32
        %dma_wait3A_193 = arith.constant 0 : i32
        %dma_wait3A_194 = tpu.memref_slice %arg9[%add3A_102, %dma_wait3A_193] : memref<125x80xi32, #tpu.memory_space<vmem>> -> memref<1x80xi32, #tpu.memory_space<vmem>>
        %dma_wait3A_195 = tpu.memref_squeeze %dma_wait3A_194 : memref<1x80xi32, #tpu.memory_space<vmem>> -> memref<80xi32, #tpu.memory_space<vmem>>
        %dma_wait3A_196 = arith.constant 0 : i32
        %dma_wait3A_197 = arith.constant 0 : i32
        %dma_wait3A_198 = tpu.memref_slice %arg2[%dma_wait3A_196, %dma_wait3A_197] : memref<20000x64xf32, #tpu.memory_space<hbm>> -> memref<20000x64xf32, #tpu.memory_space<hbm>>
        %dma_wait3A_199 = tpu.memref_slice %arg15[%dma_wait3A] : memref<4x!tpu.dma_semaphore, #tpu.memory_space<semaphore_mem>> -> memref<1x!tpu.dma_semaphore, #tpu.memory_space<semaphore_mem>>
        %dma_wait3A_200 = tpu.memref_squeeze %dma_wait3A_199 : memref<1x!tpu.dma_semaphore, #tpu.memory_space<semaphore_mem>> -> memref<!tpu.dma_semaphore, #tpu.memory_space<semaphore_mem>>
        tpu.wait_indirect_dma semaphore(%dma_wait3A_200 : memref<!tpu.dma_semaphore, #tpu.memory_space<semaphore_mem>>) src(%dma_wait3A_198 : memref<20000x64xf32, #tpu.memory_space<hbm>>) dst(%arg11 : memref<80x64xf32, #tpu.memory_space<vmem>>)
        %dma_start3A_201 = arith.constant 0 : i32
        %dma_start3A_202 = arith.constant 0 : i32
        %dma_start3A_203 = tpu.memref_slice %arg8[%add3A_102, %dma_start3A_202] : memref<125x80xi32, #tpu.memory_space<vmem>> -> memref<1x80xi32, #tpu.memory_space<vmem>>
        %dma_start3A_204 = tpu.memref_squeeze %dma_start3A_203 : memref<1x80xi32, #tpu.memory_space<vmem>> -> memref<80xi32, #tpu.memory_space<vmem>>
        %dma_start3A_205 = arith.constant 0 : i32
        %dma_start3A_206 = arith.constant 0 : i32
        %dma_start3A_207 = tpu.memref_slice %arg17[%dma_start3A_205, %dma_start3A_206] : memref<10000x64xf32, #tpu.memory_space<vmem_shared>> -> memref<10000x64xf32, #tpu.memory_space<vmem_shared>>
        %dma_start3A_208 = tpu.memref_slice %arg16[%dma_start3A_201] : memref<4x!tpu.dma_semaphore, #tpu.memory_space<semaphore_mem>> -> memref<1x!tpu.dma_semaphore, #tpu.memory_space<semaphore_mem>>
        %dma_start3A_209 = tpu.memref_squeeze %dma_start3A_208 : memref<1x!tpu.dma_semaphore, #tpu.memory_space<semaphore_mem>> -> memref<!tpu.dma_semaphore, #tpu.memory_space<semaphore_mem>>
        tpu.enqueue_indirect_dma source(%arg11 : memref<80x64xf32, #tpu.memory_space<vmem>>) target(%dma_start3A_207 : memref<10000x64xf32, #tpu.memory_space<vmem_shared>>) offsets(%dma_start3A_204 : memref<80xi32, #tpu.memory_space<vmem>>) semaphore(%dma_start3A_209 : memref<!tpu.dma_semaphore, #tpu.memory_space<semaphore_mem>>) {add = true}
      } else {
      }
      %mul3A_121 = arith.constant 4 : i32
      %mul3A_122 = arith.muli %mul3A_121, %scan3A_98 : i32
      %add3A_123 = arith.constant 1 : i32
      %add3A_124 = arith.addi %mul3A_122, %add3A_123 : i32
      %ge3A_125 = arith.constant 2 : i32
      %ge3A_126 = arith.cmpi sge, %add3A_124, %ge3A_125 : i32
      %lt3A_127 = arith.constant 127 : i32
      %lt3A_128 = arith.cmpi slt, %add3A_124, %lt3A_127 : i32
      %and3A_129 = arith.andi %ge3A_126, %lt3A_128 : i1
      %convert_element_type3A_130 = arith.extui %and3A_129 : i1 to i32
      %cond3A_131 = arith.constant 0 : i32
      %cond3A_132 = arith.cmpi ne, %convert_element_type3A_130, %cond3A_131 : i32
      scf.if %cond3A_132 {
        %sub3A = arith.constant 2 : i32
        %sub3A_193 = arith.subi %add3A_124, %sub3A : i32
        %dma_wait3A = arith.constant 3 : i32
        %dma_wait3A_194 = arith.constant 0 : i32
        %dma_wait3A_195 = tpu.memref_slice %arg8[%sub3A_193, %dma_wait3A_194] : memref<125x80xi32, #tpu.memory_space<vmem>> -> memref<1x80xi32, #tpu.memory_space<vmem>>
        %dma_wait3A_196 = tpu.memref_squeeze %dma_wait3A_195 : memref<1x80xi32, #tpu.memory_space<vmem>> -> memref<80xi32, #tpu.memory_space<vmem>>
        %dma_wait3A_197 = arith.constant 0 : i32
        %dma_wait3A_198 = arith.constant 0 : i32
        %dma_wait3A_199 = tpu.memref_slice %arg17[%dma_wait3A_197, %dma_wait3A_198] : memref<10000x64xf32, #tpu.memory_space<vmem_shared>> -> memref<10000x64xf32, #tpu.memory_space<vmem_shared>>
        %dma_wait3A_200 = tpu.memref_slice %arg16[%dma_wait3A] : memref<4x!tpu.dma_semaphore, #tpu.memory_space<semaphore_mem>> -> memref<1x!tpu.dma_semaphore, #tpu.memory_space<semaphore_mem>>
        %dma_wait3A_201 = tpu.memref_squeeze %dma_wait3A_200 : memref<1x!tpu.dma_semaphore, #tpu.memory_space<semaphore_mem>> -> memref<!tpu.dma_semaphore, #tpu.memory_space<semaphore_mem>>
        tpu.wait_indirect_dma semaphore(%dma_wait3A_201 : memref<!tpu.dma_semaphore, #tpu.memory_space<semaphore_mem>>) src(%arg14 : memref<80x64xf32, #tpu.memory_space<vmem>>) dst(%dma_wait3A_199 : memref<10000x64xf32, #tpu.memory_space<vmem_shared>>)
      } else {
      }
      %add3A_133 = arith.constant 2 : i32
      %add3A_134 = arith.addi %add3A_124, %add3A_133 : i32
      %lt3A_135 = arith.constant 125 : i32
      %lt3A_136 = arith.cmpi slt, %add3A_134, %lt3A_135 : i32
      %convert_element_type3A_137 = arith.extui %lt3A_136 : i1 to i32
      %cond3A_138 = arith.constant 0 : i32
      %cond3A_139 = arith.cmpi ne, %convert_element_type3A_137, %cond3A_138 : i32
      scf.if %cond3A_139 {
        %add3A_193 = arith.constant 2 : i32
        %add3A_194 = arith.addi %add3A_124, %add3A_193 : i32
        %dma_start3A_195 = arith.constant 3 : i32
        %dma_start3A_196 = arith.constant 0 : i32
        %dma_start3A_197 = tpu.memref_slice %arg9[%add3A_194, %dma_start3A_196] : memref<125x80xi32, #tpu.memory_space<vmem>> -> memref<1x80xi32, #tpu.memory_space<vmem>>
        %dma_start3A_198 = tpu.memref_squeeze %dma_start3A_197 : memref<1x80xi32, #tpu.memory_space<vmem>> -> memref<80xi32, #tpu.memory_space<vmem>>
        %dma_start3A_199 = arith.constant 0 : i32
        %dma_start3A_200 = arith.constant 0 : i32
        %dma_start3A_201 = tpu.memref_slice %arg2[%dma_start3A_199, %dma_start3A_200] : memref<20000x64xf32, #tpu.memory_space<hbm>> -> memref<20000x64xf32, #tpu.memory_space<hbm>>
        %dma_start3A_202 = tpu.memref_slice %arg15[%dma_start3A_195] : memref<4x!tpu.dma_semaphore, #tpu.memory_space<semaphore_mem>> -> memref<1x!tpu.dma_semaphore, #tpu.memory_space<semaphore_mem>>
        %dma_start3A_203 = tpu.memref_squeeze %dma_start3A_202 : memref<1x!tpu.dma_semaphore, #tpu.memory_space<semaphore_mem>> -> memref<!tpu.dma_semaphore, #tpu.memory_space<semaphore_mem>>
        tpu.enqueue_indirect_dma source(%dma_start3A_201 : memref<20000x64xf32, #tpu.memory_space<hbm>>) target(%arg14 : memref<80x64xf32, #tpu.memory_space<vmem>>) offsets(%dma_start3A_198 : memref<80xi32, #tpu.memory_space<vmem>>) semaphore(%dma_start3A_203 : memref<!tpu.dma_semaphore, #tpu.memory_space<semaphore_mem>>)
      } else {
      }
      %lt3A_140 = arith.constant 125 : i32
      %lt3A_141 = arith.cmpi slt, %add3A_124, %lt3A_140 : i32
      %convert_element_type3A_142 = arith.extui %lt3A_141 : i1 to i32
      %cond3A_143 = arith.constant 0 : i32
      %cond3A_144 = arith.cmpi ne, %convert_element_type3A_142, %cond3A_143 : i32
      scf.if %cond3A_144 {
        %dma_wait3A = arith.constant 1 : i32
        %dma_wait3A_193 = arith.constant 0 : i32
        %dma_wait3A_194 = tpu.memref_slice %arg9[%add3A_124, %dma_wait3A_193] : memref<125x80xi32, #tpu.memory_space<vmem>> -> memref<1x80xi32, #tpu.memory_space<vmem>>
        %dma_wait3A_195 = tpu.memref_squeeze %dma_wait3A_194 : memref<1x80xi32, #tpu.memory_space<vmem>> -> memref<80xi32, #tpu.memory_space<vmem>>
        %dma_wait3A_196 = arith.constant 0 : i32
        %dma_wait3A_197 = arith.constant 0 : i32
        %dma_wait3A_198 = tpu.memref_slice %arg2[%dma_wait3A_196, %dma_wait3A_197] : memref<20000x64xf32, #tpu.memory_space<hbm>> -> memref<20000x64xf32, #tpu.memory_space<hbm>>
        %dma_wait3A_199 = tpu.memref_slice %arg15[%dma_wait3A] : memref<4x!tpu.dma_semaphore, #tpu.memory_space<semaphore_mem>> -> memref<1x!tpu.dma_semaphore, #tpu.memory_space<semaphore_mem>>
        %dma_wait3A_200 = tpu.memref_squeeze %dma_wait3A_199 : memref<1x!tpu.dma_semaphore, #tpu.memory_space<semaphore_mem>> -> memref<!tpu.dma_semaphore, #tpu.memory_space<semaphore_mem>>
        tpu.wait_indirect_dma semaphore(%dma_wait3A_200 : memref<!tpu.dma_semaphore, #tpu.memory_space<semaphore_mem>>) src(%dma_wait3A_198 : memref<20000x64xf32, #tpu.memory_space<hbm>>) dst(%arg12 : memref<80x64xf32, #tpu.memory_space<vmem>>)
        %dma_start3A_201 = arith.constant 1 : i32
        %dma_start3A_202 = arith.constant 0 : i32
        %dma_start3A_203 = tpu.memref_slice %arg8[%add3A_124, %dma_start3A_202] : memref<125x80xi32, #tpu.memory_space<vmem>> -> memref<1x80xi32, #tpu.memory_space<vmem>>
        %dma_start3A_204 = tpu.memref_squeeze %dma_start3A_203 : memref<1x80xi32, #tpu.memory_space<vmem>> -> memref<80xi32, #tpu.memory_space<vmem>>
        %dma_start3A_205 = arith.constant 0 : i32
        %dma_start3A_206 = arith.constant 0 : i32
        %dma_start3A_207 = tpu.memref_slice %arg17[%dma_start3A_205, %dma_start3A_206] : memref<10000x64xf32, #tpu.memory_space<vmem_shared>> -> memref<10000x64xf32, #tpu.memory_space<vmem_shared>>
        %dma_start3A_208 = tpu.memref_slice %arg16[%dma_start3A_201] : memref<4x!tpu.dma_semaphore, #tpu.memory_space<semaphore_mem>> -> memref<1x!tpu.dma_semaphore, #tpu.memory_space<semaphore_mem>>
        %dma_start3A_209 = tpu.memref_squeeze %dma_start3A_208 : memref<1x!tpu.dma_semaphore, #tpu.memory_space<semaphore_mem>> -> memref<!tpu.dma_semaphore, #tpu.memory_space<semaphore_mem>>
        tpu.enqueue_indirect_dma source(%arg12 : memref<80x64xf32, #tpu.memory_space<vmem>>) target(%dma_start3A_207 : memref<10000x64xf32, #tpu.memory_space<vmem_shared>>) offsets(%dma_start3A_204 : memref<80xi32, #tpu.memory_space<vmem>>) semaphore(%dma_start3A_209 : memref<!tpu.dma_semaphore, #tpu.memory_space<semaphore_mem>>) {add = true}
      } else {
      }
      %mul3A_145 = arith.constant 4 : i32
      %mul3A_146 = arith.muli %mul3A_145, %scan3A_98 : i32
      %add3A_147 = arith.constant 2 : i32
      %add3A_148 = arith.addi %mul3A_146, %add3A_147 : i32
      %ge3A_149 = arith.constant 2 : i32
      %ge3A_150 = arith.cmpi sge, %add3A_148, %ge3A_149 : i32
      %lt3A_151 = arith.constant 127 : i32
      %lt3A_152 = arith.cmpi slt, %add3A_148, %lt3A_151 : i32
      %and3A_153 = arith.andi %ge3A_150, %lt3A_152 : i1
      %convert_element_type3A_154 = arith.extui %and3A_153 : i1 to i32
      %cond3A_155 = arith.constant 0 : i32
      %cond3A_156 = arith.cmpi ne, %convert_element_type3A_154, %cond3A_155 : i32
      scf.if %cond3A_156 {
        %sub3A = arith.constant 2 : i32
        %sub3A_193 = arith.subi %add3A_148, %sub3A : i32
        %dma_wait3A = arith.constant 0 : i32
        %dma_wait3A_194 = arith.constant 0 : i32
        %dma_wait3A_195 = tpu.memref_slice %arg8[%sub3A_193, %dma_wait3A_194] : memref<125x80xi32, #tpu.memory_space<vmem>> -> memref<1x80xi32, #tpu.memory_space<vmem>>
        %dma_wait3A_196 = tpu.memref_squeeze %dma_wait3A_195 : memref<1x80xi32, #tpu.memory_space<vmem>> -> memref<80xi32, #tpu.memory_space<vmem>>
        %dma_wait3A_197 = arith.constant 0 : i32
        %dma_wait3A_198 = arith.constant 0 : i32
        %dma_wait3A_199 = tpu.memref_slice %arg17[%dma_wait3A_197, %dma_wait3A_198] : memref<10000x64xf32, #tpu.memory_space<vmem_shared>> -> memref<10000x64xf32, #tpu.memory_space<vmem_shared>>
        %dma_wait3A_200 = tpu.memref_slice %arg16[%dma_wait3A] : memref<4x!tpu.dma_semaphore, #tpu.memory_space<semaphore_mem>> -> memref<1x!tpu.dma_semaphore, #tpu.memory_space<semaphore_mem>>
        %dma_wait3A_201 = tpu.memref_squeeze %dma_wait3A_200 : memref<1x!tpu.dma_semaphore, #tpu.memory_space<semaphore_mem>> -> memref<!tpu.dma_semaphore, #tpu.memory_space<semaphore_mem>>
        tpu.wait_indirect_dma semaphore(%dma_wait3A_201 : memref<!tpu.dma_semaphore, #tpu.memory_space<semaphore_mem>>) src(%arg11 : memref<80x64xf32, #tpu.memory_space<vmem>>) dst(%dma_wait3A_199 : memref<10000x64xf32, #tpu.memory_space<vmem_shared>>)
      } else {
      }
      %add3A_157 = arith.constant 2 : i32
      %add3A_158 = arith.addi %add3A_148, %add3A_157 : i32
      %lt3A_159 = arith.constant 125 : i32
      %lt3A_160 = arith.cmpi slt, %add3A_158, %lt3A_159 : i32
      %convert_element_type3A_161 = arith.extui %lt3A_160 : i1 to i32
      %cond3A_162 = arith.constant 0 : i32
      %cond3A_163 = arith.cmpi ne, %convert_element_type3A_161, %cond3A_162 : i32
      scf.if %cond3A_163 {
        %add3A_193 = arith.constant 2 : i32
        %add3A_194 = arith.addi %add3A_148, %add3A_193 : i32
        %dma_start3A_195 = arith.constant 0 : i32
        %dma_start3A_196 = arith.constant 0 : i32
        %dma_start3A_197 = tpu.memref_slice %arg9[%add3A_194, %dma_start3A_196] : memref<125x80xi32, #tpu.memory_space<vmem>> -> memref<1x80xi32, #tpu.memory_space<vmem>>
        %dma_start3A_198 = tpu.memref_squeeze %dma_start3A_197 : memref<1x80xi32, #tpu.memory_space<vmem>> -> memref<80xi32, #tpu.memory_space<vmem>>
        %dma_start3A_199 = arith.constant 0 : i32
        %dma_start3A_200 = arith.constant 0 : i32
        %dma_start3A_201 = tpu.memref_slice %arg2[%dma_start3A_199, %dma_start3A_200] : memref<20000x64xf32, #tpu.memory_space<hbm>> -> memref<20000x64xf32, #tpu.memory_space<hbm>>
        %dma_start3A_202 = tpu.memref_slice %arg15[%dma_start3A_195] : memref<4x!tpu.dma_semaphore, #tpu.memory_space<semaphore_mem>> -> memref<1x!tpu.dma_semaphore, #tpu.memory_space<semaphore_mem>>
        %dma_start3A_203 = tpu.memref_squeeze %dma_start3A_202 : memref<1x!tpu.dma_semaphore, #tpu.memory_space<semaphore_mem>> -> memref<!tpu.dma_semaphore, #tpu.memory_space<semaphore_mem>>
        tpu.enqueue_indirect_dma source(%dma_start3A_201 : memref<20000x64xf32, #tpu.memory_space<hbm>>) target(%arg11 : memref<80x64xf32, #tpu.memory_space<vmem>>) offsets(%dma_start3A_198 : memref<80xi32, #tpu.memory_space<vmem>>) semaphore(%dma_start3A_203 : memref<!tpu.dma_semaphore, #tpu.memory_space<semaphore_mem>>)
      } else {
      }
      %lt3A_164 = arith.constant 125 : i32
      %lt3A_165 = arith.cmpi slt, %add3A_148, %lt3A_164 : i32
      %convert_element_type3A_166 = arith.extui %lt3A_165 : i1 to i32
      %cond3A_167 = arith.constant 0 : i32
      %cond3A_168 = arith.cmpi ne, %convert_element_type3A_166, %cond3A_167 : i32
      scf.if %cond3A_168 {
        %dma_wait3A = arith.constant 2 : i32
        %dma_wait3A_193 = arith.constant 0 : i32
        %dma_wait3A_194 = tpu.memref_slice %arg9[%add3A_148, %dma_wait3A_193] : memref<125x80xi32, #tpu.memory_space<vmem>> -> memref<1x80xi32, #tpu.memory_space<vmem>>
        %dma_wait3A_195 = tpu.memref_squeeze %dma_wait3A_194 : memref<1x80xi32, #tpu.memory_space<vmem>> -> memref<80xi32, #tpu.memory_space<vmem>>
        %dma_wait3A_196 = arith.constant 0 : i32
        %dma_wait3A_197 = arith.constant 0 : i32
        %dma_wait3A_198 = tpu.memref_slice %arg2[%dma_wait3A_196, %dma_wait3A_197] : memref<20000x64xf32, #tpu.memory_space<hbm>> -> memref<20000x64xf32, #tpu.memory_space<hbm>>
        %dma_wait3A_199 = tpu.memref_slice %arg15[%dma_wait3A] : memref<4x!tpu.dma_semaphore, #tpu.memory_space<semaphore_mem>> -> memref<1x!tpu.dma_semaphore, #tpu.memory_space<semaphore_mem>>
        %dma_wait3A_200 = tpu.memref_squeeze %dma_wait3A_199 : memref<1x!tpu.dma_semaphore, #tpu.memory_space<semaphore_mem>> -> memref<!tpu.dma_semaphore, #tpu.memory_space<semaphore_mem>>
        tpu.wait_indirect_dma semaphore(%dma_wait3A_200 : memref<!tpu.dma_semaphore, #tpu.memory_space<semaphore_mem>>) src(%dma_wait3A_198 : memref<20000x64xf32, #tpu.memory_space<hbm>>) dst(%arg13 : memref<80x64xf32, #tpu.memory_space<vmem>>)
        %dma_start3A_201 = arith.constant 2 : i32
        %dma_start3A_202 = arith.constant 0 : i32
        %dma_start3A_203 = tpu.memref_slice %arg8[%add3A_148, %dma_start3A_202] : memref<125x80xi32, #tpu.memory_space<vmem>> -> memref<1x80xi32, #tpu.memory_space<vmem>>
        %dma_start3A_204 = tpu.memref_squeeze %dma_start3A_203 : memref<1x80xi32, #tpu.memory_space<vmem>> -> memref<80xi32, #tpu.memory_space<vmem>>
        %dma_start3A_205 = arith.constant 0 : i32
        %dma_start3A_206 = arith.constant 0 : i32
        %dma_start3A_207 = tpu.memref_slice %arg17[%dma_start3A_205, %dma_start3A_206] : memref<10000x64xf32, #tpu.memory_space<vmem_shared>> -> memref<10000x64xf32, #tpu.memory_space<vmem_shared>>
        %dma_start3A_208 = tpu.memref_slice %arg16[%dma_start3A_201] : memref<4x!tpu.dma_semaphore, #tpu.memory_space<semaphore_mem>> -> memref<1x!tpu.dma_semaphore, #tpu.memory_space<semaphore_mem>>
        %dma_start3A_209 = tpu.memref_squeeze %dma_start3A_208 : memref<1x!tpu.dma_semaphore, #tpu.memory_space<semaphore_mem>> -> memref<!tpu.dma_semaphore, #tpu.memory_space<semaphore_mem>>
        tpu.enqueue_indirect_dma source(%arg13 : memref<80x64xf32, #tpu.memory_space<vmem>>) target(%dma_start3A_207 : memref<10000x64xf32, #tpu.memory_space<vmem_shared>>) offsets(%dma_start3A_204 : memref<80xi32, #tpu.memory_space<vmem>>) semaphore(%dma_start3A_209 : memref<!tpu.dma_semaphore, #tpu.memory_space<semaphore_mem>>) {add = true}
      } else {
      }
      %mul3A_169 = arith.constant 4 : i32
      %mul3A_170 = arith.muli %mul3A_169, %scan3A_98 : i32
      %add3A_171 = arith.constant 3 : i32
      %add3A_172 = arith.addi %mul3A_170, %add3A_171 : i32
      %ge3A_173 = arith.constant 2 : i32
      %ge3A_174 = arith.cmpi sge, %add3A_172, %ge3A_173 : i32
      %lt3A_175 = arith.constant 127 : i32
      %lt3A_176 = arith.cmpi slt, %add3A_172, %lt3A_175 : i32
      %and3A_177 = arith.andi %ge3A_174, %lt3A_176 : i1
      %convert_element_type3A_178 = arith.extui %and3A_177 : i1 to i32
      %cond3A_179 = arith.constant 0 : i32
      %cond3A_180 = arith.cmpi ne, %convert_element_type3A_178, %cond3A_179 : i32
      scf.if %cond3A_180 {
        %sub3A = arith.constant 2 : i32
        %sub3A_193 = arith.subi %add3A_172, %sub3A : i32
        %dma_wait3A = arith.constant 1 : i32
        %dma_wait3A_194 = arith.constant 0 : i32
        %dma_wait3A_195 = tpu.memref_slice %arg8[%sub3A_193, %dma_wait3A_194] : memref<125x80xi32, #tpu.memory_space<vmem>> -> memref<1x80xi32, #tpu.memory_space<vmem>>
        %dma_wait3A_196 = tpu.memref_squeeze %dma_wait3A_195 : memref<1x80xi32, #tpu.memory_space<vmem>> -> memref<80xi32, #tpu.memory_space<vmem>>
        %dma_wait3A_197 = arith.constant 0 : i32
        %dma_wait3A_198 = arith.constant 0 : i32
        %dma_wait3A_199 = tpu.memref_slice %arg17[%dma_wait3A_197, %dma_wait3A_198] : memref<10000x64xf32, #tpu.memory_space<vmem_shared>> -> memref<10000x64xf32, #tpu.memory_space<vmem_shared>>
        %dma_wait3A_200 = tpu.memref_slice %arg16[%dma_wait3A] : memref<4x!tpu.dma_semaphore, #tpu.memory_space<semaphore_mem>> -> memref<1x!tpu.dma_semaphore, #tpu.memory_space<semaphore_mem>>
        %dma_wait3A_201 = tpu.memref_squeeze %dma_wait3A_200 : memref<1x!tpu.dma_semaphore, #tpu.memory_space<semaphore_mem>> -> memref<!tpu.dma_semaphore, #tpu.memory_space<semaphore_mem>>
        tpu.wait_indirect_dma semaphore(%dma_wait3A_201 : memref<!tpu.dma_semaphore, #tpu.memory_space<semaphore_mem>>) src(%arg12 : memref<80x64xf32, #tpu.memory_space<vmem>>) dst(%dma_wait3A_199 : memref<10000x64xf32, #tpu.memory_space<vmem_shared>>)
      } else {
      }
      %add3A_181 = arith.constant 2 : i32
      %add3A_182 = arith.addi %add3A_172, %add3A_181 : i32
      %lt3A_183 = arith.constant 125 : i32
      %lt3A_184 = arith.cmpi slt, %add3A_182, %lt3A_183 : i32
      %convert_element_type3A_185 = arith.extui %lt3A_184 : i1 to i32
      %cond3A_186 = arith.constant 0 : i32
      %cond3A_187 = arith.cmpi ne, %convert_element_type3A_185, %cond3A_186 : i32
      scf.if %cond3A_187 {
        %add3A_193 = arith.constant 2 : i32
        %add3A_194 = arith.addi %add3A_172, %add3A_193 : i32
        %dma_start3A_195 = arith.constant 1 : i32
        %dma_start3A_196 = arith.constant 0 : i32
        %dma_start3A_197 = tpu.memref_slice %arg9[%add3A_194, %dma_start3A_196] : memref<125x80xi32, #tpu.memory_space<vmem>> -> memref<1x80xi32, #tpu.memory_space<vmem>>
        %dma_start3A_198 = tpu.memref_squeeze %dma_start3A_197 : memref<1x80xi32, #tpu.memory_space<vmem>> -> memref<80xi32, #tpu.memory_space<vmem>>
        %dma_start3A_199 = arith.constant 0 : i32
        %dma_start3A_200 = arith.constant 0 : i32
        %dma_start3A_201 = tpu.memref_slice %arg2[%dma_start3A_199, %dma_start3A_200] : memref<20000x64xf32, #tpu.memory_space<hbm>> -> memref<20000x64xf32, #tpu.memory_space<hbm>>
        %dma_start3A_202 = tpu.memref_slice %arg15[%dma_start3A_195] : memref<4x!tpu.dma_semaphore, #tpu.memory_space<semaphore_mem>> -> memref<1x!tpu.dma_semaphore, #tpu.memory_space<semaphore_mem>>
        %dma_start3A_203 = tpu.memref_squeeze %dma_start3A_202 : memref<1x!tpu.dma_semaphore, #tpu.memory_space<semaphore_mem>> -> memref<!tpu.dma_semaphore, #tpu.memory_space<semaphore_mem>>
        tpu.enqueue_indirect_dma source(%dma_start3A_201 : memref<20000x64xf32, #tpu.memory_space<hbm>>) target(%arg12 : memref<80x64xf32, #tpu.memory_space<vmem>>) offsets(%dma_start3A_198 : memref<80xi32, #tpu.memory_space<vmem>>) semaphore(%dma_start3A_203 : memref<!tpu.dma_semaphore, #tpu.memory_space<semaphore_mem>>)
      } else {
      }
      %lt3A_188 = arith.constant 125 : i32
      %lt3A_189 = arith.cmpi slt, %add3A_172, %lt3A_188 : i32
      %convert_element_type3A_190 = arith.extui %lt3A_189 : i1 to i32
      %cond3A_191 = arith.constant 0 : i32
      %cond3A_192 = arith.cmpi ne, %convert_element_type3A_190, %cond3A_191 : i32
      scf.if %cond3A_192 {
        %dma_wait3A = arith.constant 3 : i32
        %dma_wait3A_193 = arith.constant 0 : i32
        %dma_wait3A_194 = tpu.memref_slice %arg9[%add3A_172, %dma_wait3A_193] : memref<125x80xi32, #tpu.memory_space<vmem>> -> memref<1x80xi32, #tpu.memory_space<vmem>>
        %dma_wait3A_195 = tpu.memref_squeeze %dma_wait3A_194 : memref<1x80xi32, #tpu.memory_space<vmem>> -> memref<80xi32, #tpu.memory_space<vmem>>
        %dma_wait3A_196 = arith.constant 0 : i32
        %dma_wait3A_197 = arith.constant 0 : i32
        %dma_wait3A_198 = tpu.memref_slice %arg2[%dma_wait3A_196, %dma_wait3A_197] : memref<20000x64xf32, #tpu.memory_space<hbm>> -> memref<20000x64xf32, #tpu.memory_space<hbm>>
        %dma_wait3A_199 = tpu.memref_slice %arg15[%dma_wait3A] : memref<4x!tpu.dma_semaphore, #tpu.memory_space<semaphore_mem>> -> memref<1x!tpu.dma_semaphore, #tpu.memory_space<semaphore_mem>>
        %dma_wait3A_200 = tpu.memref_squeeze %dma_wait3A_199 : memref<1x!tpu.dma_semaphore, #tpu.memory_space<semaphore_mem>> -> memref<!tpu.dma_semaphore, #tpu.memory_space<semaphore_mem>>
        tpu.wait_indirect_dma semaphore(%dma_wait3A_200 : memref<!tpu.dma_semaphore, #tpu.memory_space<semaphore_mem>>) src(%dma_wait3A_198 : memref<20000x64xf32, #tpu.memory_space<hbm>>) dst(%arg14 : memref<80x64xf32, #tpu.memory_space<vmem>>)
        %dma_start3A_201 = arith.constant 3 : i32
        %dma_start3A_202 = arith.constant 0 : i32
        %dma_start3A_203 = tpu.memref_slice %arg8[%add3A_172, %dma_start3A_202] : memref<125x80xi32, #tpu.memory_space<vmem>> -> memref<1x80xi32, #tpu.memory_space<vmem>>
        %dma_start3A_204 = tpu.memref_squeeze %dma_start3A_203 : memref<1x80xi32, #tpu.memory_space<vmem>> -> memref<80xi32, #tpu.memory_space<vmem>>
        %dma_start3A_205 = arith.constant 0 : i32
        %dma_start3A_206 = arith.constant 0 : i32
        %dma_start3A_207 = tpu.memref_slice %arg17[%dma_start3A_205, %dma_start3A_206] : memref<10000x64xf32, #tpu.memory_space<vmem_shared>> -> memref<10000x64xf32, #tpu.memory_space<vmem_shared>>
        %dma_start3A_208 = tpu.memref_slice %arg16[%dma_start3A_201] : memref<4x!tpu.dma_semaphore, #tpu.memory_space<semaphore_mem>> -> memref<1x!tpu.dma_semaphore, #tpu.memory_space<semaphore_mem>>
        %dma_start3A_209 = tpu.memref_squeeze %dma_start3A_208 : memref<1x!tpu.dma_semaphore, #tpu.memory_space<semaphore_mem>> -> memref<!tpu.dma_semaphore, #tpu.memory_space<semaphore_mem>>
        tpu.enqueue_indirect_dma source(%arg14 : memref<80x64xf32, #tpu.memory_space<vmem>>) target(%dma_start3A_207 : memref<10000x64xf32, #tpu.memory_space<vmem_shared>>) offsets(%dma_start3A_204 : memref<80xi32, #tpu.memory_space<vmem>>) semaphore(%dma_start3A_209 : memref<!tpu.dma_semaphore, #tpu.memory_space<semaphore_mem>>) {add = true}
      } else {
      }
    }
    %scan3A_38 = arith.constant 32 : i32
    %barrier3A_39 = arith.constant 0 : index
    tpu.barrier barrier_id(%barrier3A_39)
    %lt3A_40 = arith.constant 15 : i32
    %lt3A_41 = arith.cmpi slt, %arg1, %lt3A_40 : i32
    %convert_element_type3A_42 = arith.extui %lt3A_41 : i1 to i32
    %cond3A_43 = arith.constant 0 : i32
    %cond3A_44 = arith.cmpi ne, %convert_element_type3A_42, %cond3A_43 : i32
    scf.if %cond3A_44 {
      "tpu.region"() ({
        %run_scoped3A = tpu.sem_alloc : memref<!tpu.dma_semaphore, #tpu.memory_space<semaphore_mem>>
        %dma_start3A_98 = arith.constant 0 : i32
        %dma_start3A_99 = tpu.memref_slice %arg6[%arg0, %multiple_of3A, %dma_start3A_98] : memref<2x10000x128xf32, #tpu.memory_space<hbm>> -> memref<1x632x64xf32, #tpu.memory_space<hbm>>
        %dma_start3A_100 = tpu.memref_squeeze %dma_start3A_99 : memref<1x632x64xf32, #tpu.memory_space<hbm>> -> memref<632x64xf32, #tpu.memory_space<hbm>>
        %dma_start3A_101 = arith.constant 0 : i32
        %dma_start3A_102 = tpu.memref_slice %arg17[%multiple_of3A, %dma_start3A_101] : memref<10000x64xf32, #tpu.memory_space<vmem_shared>> -> memref<632x64xf32, #tpu.memory_space<vmem_shared>>
        tpu.enqueue_dma source(%dma_start3A_102 : memref<632x64xf32, #tpu.memory_space<vmem_shared>>) target(%dma_start3A_100 : memref<632x64xf32, #tpu.memory_space<hbm>>) target_semaphore(%run_scoped3A : memref<!tpu.dma_semaphore, #tpu.memory_space<semaphore_mem>>)
        %dma_wait3A = arith.constant 0 : i32
        %dma_wait3A_103 = tpu.memref_slice %arg6[%arg0, %multiple_of3A, %dma_wait3A] : memref<2x10000x128xf32, #tpu.memory_space<hbm>> -> memref<1x632x64xf32, #tpu.memory_space<hbm>>
        %dma_wait3A_104 = tpu.memref_squeeze %dma_wait3A_103 : memref<1x632x64xf32, #tpu.memory_space<hbm>> -> memref<632x64xf32, #tpu.memory_space<hbm>>
        %dma_wait3A_105 = arith.constant 0 : i32
        %dma_wait3A_106 = tpu.memref_slice %arg17[%multiple_of3A, %dma_wait3A_105] : memref<10000x64xf32, #tpu.memory_space<vmem_shared>> -> memref<632x64xf32, #tpu.memory_space<vmem_shared>>
        tpu.wait_dma2 semaphore(%run_scoped3A : memref<!tpu.dma_semaphore, #tpu.memory_space<semaphore_mem>>) src(%dma_wait3A_106 : memref<632x64xf32, #tpu.memory_space<vmem_shared>>) dst(%dma_wait3A_104 : memref<632x64xf32, #tpu.memory_space<hbm>>)
        tpu.yield
      }) : () -> ()
    } else {
    }
    %eq3A_45 = arith.constant 15 : i32
    %eq3A_46 = arith.cmpi eq, %arg1, %eq3A_45 : i32
    %convert_element_type3A_47 = arith.extui %eq3A_46 : i1 to i32
    %cond3A_48 = arith.constant 0 : i32
    %cond3A_49 = arith.cmpi ne, %convert_element_type3A_47, %cond3A_48 : i32
    scf.if %cond3A_49 {
      "tpu.region"() ({
        %run_scoped3A = tpu.sem_alloc : memref<!tpu.dma_semaphore, #tpu.memory_space<semaphore_mem>>
        %dma_start3A_98 = arith.constant 9480 : i32
        %dma_start3A_99 = arith.constant 0 : i32
        %dma_start3A_100 = tpu.memref_slice %arg6[%arg0, %dma_start3A_98, %dma_start3A_99] : memref<2x10000x128xf32, #tpu.memory_space<hbm>> -> memref<1x520x64xf32, #tpu.memory_space<hbm>>
        %dma_start3A_101 = tpu.memref_squeeze %dma_start3A_100 : memref<1x520x64xf32, #tpu.memory_space<hbm>> -> memref<520x64xf32, #tpu.memory_space<hbm>>
        %dma_start3A_102 = arith.constant 9480 : i32
        %dma_start3A_103 = arith.constant 0 : i32
        %dma_start3A_104 = tpu.memref_slice %arg17[%dma_start3A_102, %dma_start3A_103] : memref<10000x64xf32, #tpu.memory_space<vmem_shared>> -> memref<520x64xf32, #tpu.memory_space<vmem_shared>>
        tpu.enqueue_dma source(%dma_start3A_104 : memref<520x64xf32, #tpu.memory_space<vmem_shared>>) target(%dma_start3A_101 : memref<520x64xf32, #tpu.memory_space<hbm>>) target_semaphore(%run_scoped3A : memref<!tpu.dma_semaphore, #tpu.memory_space<semaphore_mem>>)
        %dma_wait3A = arith.constant 9480 : i32
        %dma_wait3A_105 = arith.constant 0 : i32
        %dma_wait3A_106 = tpu.memref_slice %arg6[%arg0, %dma_wait3A, %dma_wait3A_105] : memref<2x10000x128xf32, #tpu.memory_space<hbm>> -> memref<1x520x64xf32, #tpu.memory_space<hbm>>
        %dma_wait3A_107 = tpu.memref_squeeze %dma_wait3A_106 : memref<1x520x64xf32, #tpu.memory_space<hbm>> -> memref<520x64xf32, #tpu.memory_space<hbm>>
        %dma_wait3A_108 = arith.constant 9480 : i32
        %dma_wait3A_109 = arith.constant 0 : i32
        %dma_wait3A_110 = tpu.memref_slice %arg17[%dma_wait3A_108, %dma_wait3A_109] : memref<10000x64xf32, #tpu.memory_space<vmem_shared>> -> memref<520x64xf32, #tpu.memory_space<vmem_shared>>
        tpu.wait_dma2 semaphore(%run_scoped3A : memref<!tpu.dma_semaphore, #tpu.memory_space<semaphore_mem>>) src(%dma_wait3A_110 : memref<520x64xf32, #tpu.memory_space<vmem_shared>>) dst(%dma_wait3A_107 : memref<520x64xf32, #tpu.memory_space<hbm>>)
        tpu.yield
      }) : () -> ()
    } else {
    }
    %lt3A_50 = arith.constant 15 : i32
    %lt3A_51 = arith.cmpi slt, %arg1, %lt3A_50 : i32
    %convert_element_type3A_52 = arith.extui %lt3A_51 : i1 to i32
    %cond3A_53 = arith.constant 0 : i32
    %cond3A_54 = arith.cmpi ne, %convert_element_type3A_52, %cond3A_53 : i32
    scf.if %cond3A_54 {
      "tpu.region"() ({
        %run_scoped3A = tpu.sem_alloc : memref<!tpu.dma_semaphore, #tpu.memory_space<semaphore_mem>>
        %dma_start3A_98 = arith.constant 0 : i32
        %dma_start3A_99 = tpu.memref_slice %arg17[%multiple_of3A, %dma_start3A_98] : memref<10000x64xf32, #tpu.memory_space<vmem_shared>> -> memref<632x64xf32, #tpu.memory_space<vmem_shared>>
        %dma_start3A_100 = arith.constant 0 : i32
        %dma_start3A_101 = tpu.memref_slice %arg5[%multiple_of3A, %dma_start3A_100] : memref<10000x64xf32, #tpu.memory_space<hbm>> -> memref<632x64xf32, #tpu.memory_space<hbm>>
        tpu.enqueue_dma source(%dma_start3A_101 : memref<632x64xf32, #tpu.memory_space<hbm>>) target(%dma_start3A_99 : memref<632x64xf32, #tpu.memory_space<vmem_shared>>) target_semaphore(%run_scoped3A : memref<!tpu.dma_semaphore, #tpu.memory_space<semaphore_mem>>)
        %dma_wait3A = arith.constant 0 : i32
        %dma_wait3A_102 = tpu.memref_slice %arg17[%multiple_of3A, %dma_wait3A] : memref<10000x64xf32, #tpu.memory_space<vmem_shared>> -> memref<632x64xf32, #tpu.memory_space<vmem_shared>>
        %dma_wait3A_103 = arith.constant 0 : i32
        %dma_wait3A_104 = tpu.memref_slice %arg5[%multiple_of3A, %dma_wait3A_103] : memref<10000x64xf32, #tpu.memory_space<hbm>> -> memref<632x64xf32, #tpu.memory_space<hbm>>
        tpu.wait_dma2 semaphore(%run_scoped3A : memref<!tpu.dma_semaphore, #tpu.memory_space<semaphore_mem>>) src(%dma_wait3A_104 : memref<632x64xf32, #tpu.memory_space<hbm>>) dst(%dma_wait3A_102 : memref<632x64xf32, #tpu.memory_space<vmem_shared>>)
        tpu.yield
      }) : () -> ()
    } else {
    }
    %eq3A_55 = arith.constant 15 : i32
    %eq3A_56 = arith.cmpi eq, %arg1, %eq3A_55 : i32
    %convert_element_type3A_57 = arith.extui %eq3A_56 : i1 to i32
    %cond3A_58 = arith.constant 0 : i32
    %cond3A_59 = arith.cmpi ne, %convert_element_type3A_57, %cond3A_58 : i32
    scf.if %cond3A_59 {
      "tpu.region"() ({
        %run_scoped3A = tpu.sem_alloc : memref<!tpu.dma_semaphore, #tpu.memory_space<semaphore_mem>>
        %dma_start3A_98 = arith.constant 9480 : i32
        %dma_start3A_99 = arith.constant 0 : i32
        %dma_start3A_100 = tpu.memref_slice %arg17[%dma_start3A_98, %dma_start3A_99] : memref<10000x64xf32, #tpu.memory_space<vmem_shared>> -> memref<520x64xf32, #tpu.memory_space<vmem_shared>>
        %dma_start3A_101 = arith.constant 9480 : i32
        %dma_start3A_102 = arith.constant 0 : i32
        %dma_start3A_103 = tpu.memref_slice %arg5[%dma_start3A_101, %dma_start3A_102] : memref<10000x64xf32, #tpu.memory_space<hbm>> -> memref<520x64xf32, #tpu.memory_space<hbm>>
        tpu.enqueue_dma source(%dma_start3A_103 : memref<520x64xf32, #tpu.memory_space<hbm>>) target(%dma_start3A_100 : memref<520x64xf32, #tpu.memory_space<vmem_shared>>) target_semaphore(%run_scoped3A : memref<!tpu.dma_semaphore, #tpu.memory_space<semaphore_mem>>)
        %dma_wait3A = arith.constant 9480 : i32
        %dma_wait3A_104 = arith.constant 0 : i32
        %dma_wait3A_105 = tpu.memref_slice %arg17[%dma_wait3A, %dma_wait3A_104] : memref<10000x64xf32, #tpu.memory_space<vmem_shared>> -> memref<520x64xf32, #tpu.memory_space<vmem_shared>>
        %dma_wait3A_106 = arith.constant 9480 : i32
        %dma_wait3A_107 = arith.constant 0 : i32
        %dma_wait3A_108 = tpu.memref_slice %arg5[%dma_wait3A_106, %dma_wait3A_107] : memref<10000x64xf32, #tpu.memory_space<hbm>> -> memref<520x64xf32, #tpu.memory_space<hbm>>
        tpu.wait_dma2 semaphore(%run_scoped3A : memref<!tpu.dma_semaphore, #tpu.memory_space<semaphore_mem>>) src(%dma_wait3A_108 : memref<520x64xf32, #tpu.memory_space<hbm>>) dst(%dma_wait3A_105 : memref<520x64xf32, #tpu.memory_space<vmem_shared>>)
        tpu.yield
      }) : () -> ()
    } else {
    }
    %dma_start3A_60 = arith.constant 0 : i32
    %dma_start3A_61 = arith.constant 0 : i32
    %dma_start3A_62 = arith.constant 0 : i32
    %dma_start3A_63 = tpu.memref_slice %arg10[%dma_start3A_60, %dma_start3A_62] : memref<125x80xi32, #tpu.memory_space<vmem>> -> memref<1x80xi32, #tpu.memory_space<vmem>>
    %dma_start3A_64 = tpu.memref_squeeze %dma_start3A_63 : memref<1x80xi32, #tpu.memory_space<vmem>> -> memref<80xi32, #tpu.memory_space<vmem>>
    %dma_start3A_65 = arith.constant 0 : i32
    %dma_start3A_66 = arith.constant 0 : i32
    %dma_start3A_67 = tpu.memref_slice %arg2[%dma_start3A_65, %dma_start3A_66] : memref<20000x64xf32, #tpu.memory_space<hbm>> -> memref<20000x64xf32, #tpu.memory_space<hbm>>
    %dma_start3A_68 = tpu.memref_slice %arg15[%dma_start3A_61] : memref<4x!tpu.dma_semaphore, #tpu.memory_space<semaphore_mem>> -> memref<1x!tpu.dma_semaphore, #tpu.memory_space<semaphore_mem>>
    %dma_start3A_69 = tpu.memref_squeeze %dma_start3A_68 : memref<1x!tpu.dma_semaphore, #tpu.memory_space<semaphore_mem>> -> memref<!tpu.dma_semaphore, #tpu.memory_space<semaphore_mem>>
    tpu.enqueue_indirect_dma source(%dma_start3A_67 : memref<20000x64xf32, #tpu.memory_space<hbm>>) target(%arg11 : memref<80x64xf32, #tpu.memory_space<vmem>>) offsets(%dma_start3A_64 : memref<80xi32, #tpu.memory_space<vmem>>) semaphore(%dma_start3A_69 : memref<!tpu.dma_semaphore, #tpu.memory_space<semaphore_mem>>)
    %dma_start3A_70 = arith.constant 1 : i32
    %dma_start3A_71 = arith.constant 1 : i32
    %dma_start3A_72 = arith.constant 0 : i32
    %dma_start3A_73 = tpu.memref_slice %arg10[%dma_start3A_70, %dma_start3A_72] : memref<125x80xi32, #tpu.memory_space<vmem>> -> memref<1x80xi32, #tpu.memory_space<vmem>>
    %dma_start3A_74 = tpu.memref_squeeze %dma_start3A_73 : memref<1x80xi32, #tpu.memory_space<vmem>> -> memref<80xi32, #tpu.memory_space<vmem>>
    %dma_start3A_75 = arith.constant 0 : i32
    %dma_start3A_76 = arith.constant 0 : i32
    %dma_start3A_77 = tpu.memref_slice %arg2[%dma_start3A_75, %dma_start3A_76] : memref<20000x64xf32, #tpu.memory_space<hbm>> -> memref<20000x64xf32, #tpu.memory_space<hbm>>
    %dma_start3A_78 = tpu.memref_slice %arg15[%dma_start3A_71] : memref<4x!tpu.dma_semaphore, #tpu.memory_space<semaphore_mem>> -> memref<1x!tpu.dma_semaphore, #tpu.memory_space<semaphore_mem>>
    %dma_start3A_79 = tpu.memref_squeeze %dma_start3A_78 : memref<1x!tpu.dma_semaphore, #tpu.memory_space<semaphore_mem>> -> memref<!tpu.dma_semaphore, #tpu.memory_space<semaphore_mem>>
    tpu.enqueue_indirect_dma source(%dma_start3A_77 : memref<20000x64xf32, #tpu.memory_space<hbm>>) target(%arg12 : memref<80x64xf32, #tpu.memory_space<vmem>>) offsets(%dma_start3A_74 : memref<80xi32, #tpu.memory_space<vmem>>) semaphore(%dma_start3A_79 : memref<!tpu.dma_semaphore, #tpu.memory_space<semaphore_mem>>)
    %barrier3A_80 = arith.constant 0 : index
    tpu.barrier barrier_id(%barrier3A_80)
    %scan3A_81 = arith.constant 0 : i32
    %scan3A_82 = arith.constant 0 : i32
    %scan3A_83 = arith.constant 32 : i32
    %scan3A_84 = arith.addi %scan3A_82, %scan3A_83 : i32
    %scan3A_85 = arith.constant 1 : i32
    scf.for %scan3A_98 = %scan3A_82 to %scan3A_84 step %scan3A_85  : i32 {
      %mul3A_99 = arith.constant 4 : i32
      %mul3A_100 = arith.muli %mul3A_99, %scan3A_98 : i32
      %add3A_101 = arith.constant 0 : i32
      %add3A_102 = arith.addi %mul3A_100, %add3A_101 : i32
      %ge3A = arith.constant 2 : i32
      %ge3A_103 = arith.cmpi sge, %add3A_102, %ge3A : i32
      %lt3A_104 = arith.constant 127 : i32
      %lt3A_105 = arith.cmpi slt, %add3A_102, %lt3A_104 : i32
      %and3A = arith.andi %ge3A_103, %lt3A_105 : i1
      %convert_element_type3A_106 = arith.extui %and3A : i1 to i32
      %cond3A_107 = arith.constant 0 : i32
      %cond3A_108 = arith.cmpi ne, %convert_element_type3A_106, %cond3A_107 : i32
      scf.if %cond3A_108 {
        %sub3A = arith.constant 2 : i32
        %sub3A_193 = arith.subi %add3A_102, %sub3A : i32
        %dma_wait3A = arith.constant 2 : i32
        %dma_wait3A_194 = arith.constant 0 : i32
        %dma_wait3A_195 = tpu.memref_slice %arg8[%sub3A_193, %dma_wait3A_194] : memref<125x80xi32, #tpu.memory_space<vmem>> -> memref<1x80xi32, #tpu.memory_space<vmem>>
        %dma_wait3A_196 = tpu.memref_squeeze %dma_wait3A_195 : memref<1x80xi32, #tpu.memory_space<vmem>> -> memref<80xi32, #tpu.memory_space<vmem>>
        %dma_wait3A_197 = arith.constant 0 : i32
        %dma_wait3A_198 = arith.constant 0 : i32
        %dma_wait3A_199 = tpu.memref_slice %arg17[%dma_wait3A_197, %dma_wait3A_198] : memref<10000x64xf32, #tpu.memory_space<vmem_shared>> -> memref<10000x64xf32, #tpu.memory_space<vmem_shared>>
        %dma_wait3A_200 = tpu.memref_slice %arg16[%dma_wait3A] : memref<4x!tpu.dma_semaphore, #tpu.memory_space<semaphore_mem>> -> memref<1x!tpu.dma_semaphore, #tpu.memory_space<semaphore_mem>>
        %dma_wait3A_201 = tpu.memref_squeeze %dma_wait3A_200 : memref<1x!tpu.dma_semaphore, #tpu.memory_space<semaphore_mem>> -> memref<!tpu.dma_semaphore, #tpu.memory_space<semaphore_mem>>
        tpu.wait_indirect_dma semaphore(%dma_wait3A_201 : memref<!tpu.dma_semaphore, #tpu.memory_space<semaphore_mem>>) src(%arg13 : memref<80x64xf32, #tpu.memory_space<vmem>>) dst(%dma_wait3A_199 : memref<10000x64xf32, #tpu.memory_space<vmem_shared>>)
      } else {
      }
      %add3A_109 = arith.constant 2 : i32
      %add3A_110 = arith.addi %add3A_102, %add3A_109 : i32
      %lt3A_111 = arith.constant 125 : i32
      %lt3A_112 = arith.cmpi slt, %add3A_110, %lt3A_111 : i32
      %convert_element_type3A_113 = arith.extui %lt3A_112 : i1 to i32
      %cond3A_114 = arith.constant 0 : i32
      %cond3A_115 = arith.cmpi ne, %convert_element_type3A_113, %cond3A_114 : i32
      scf.if %cond3A_115 {
        %add3A_193 = arith.constant 2 : i32
        %add3A_194 = arith.addi %add3A_102, %add3A_193 : i32
        %dma_start3A_195 = arith.constant 2 : i32
        %dma_start3A_196 = arith.constant 0 : i32
        %dma_start3A_197 = tpu.memref_slice %arg10[%add3A_194, %dma_start3A_196] : memref<125x80xi32, #tpu.memory_space<vmem>> -> memref<1x80xi32, #tpu.memory_space<vmem>>
        %dma_start3A_198 = tpu.memref_squeeze %dma_start3A_197 : memref<1x80xi32, #tpu.memory_space<vmem>> -> memref<80xi32, #tpu.memory_space<vmem>>
        %dma_start3A_199 = arith.constant 0 : i32
        %dma_start3A_200 = arith.constant 0 : i32
        %dma_start3A_201 = tpu.memref_slice %arg2[%dma_start3A_199, %dma_start3A_200] : memref<20000x64xf32, #tpu.memory_space<hbm>> -> memref<20000x64xf32, #tpu.memory_space<hbm>>
        %dma_start3A_202 = tpu.memref_slice %arg15[%dma_start3A_195] : memref<4x!tpu.dma_semaphore, #tpu.memory_space<semaphore_mem>> -> memref<1x!tpu.dma_semaphore, #tpu.memory_space<semaphore_mem>>
        %dma_start3A_203 = tpu.memref_squeeze %dma_start3A_202 : memref<1x!tpu.dma_semaphore, #tpu.memory_space<semaphore_mem>> -> memref<!tpu.dma_semaphore, #tpu.memory_space<semaphore_mem>>
        tpu.enqueue_indirect_dma source(%dma_start3A_201 : memref<20000x64xf32, #tpu.memory_space<hbm>>) target(%arg13 : memref<80x64xf32, #tpu.memory_space<vmem>>) offsets(%dma_start3A_198 : memref<80xi32, #tpu.memory_space<vmem>>) semaphore(%dma_start3A_203 : memref<!tpu.dma_semaphore, #tpu.memory_space<semaphore_mem>>)
      } else {
      }
      %lt3A_116 = arith.constant 125 : i32
      %lt3A_117 = arith.cmpi slt, %add3A_102, %lt3A_116 : i32
      %convert_element_type3A_118 = arith.extui %lt3A_117 : i1 to i32
      %cond3A_119 = arith.constant 0 : i32
      %cond3A_120 = arith.cmpi ne, %convert_element_type3A_118, %cond3A_119 : i32
      scf.if %cond3A_120 {
        %dma_wait3A = arith.constant 0 : i32
        %dma_wait3A_193 = arith.constant 0 : i32
        %dma_wait3A_194 = tpu.memref_slice %arg10[%add3A_102, %dma_wait3A_193] : memref<125x80xi32, #tpu.memory_space<vmem>> -> memref<1x80xi32, #tpu.memory_space<vmem>>
        %dma_wait3A_195 = tpu.memref_squeeze %dma_wait3A_194 : memref<1x80xi32, #tpu.memory_space<vmem>> -> memref<80xi32, #tpu.memory_space<vmem>>
        %dma_wait3A_196 = arith.constant 0 : i32
        %dma_wait3A_197 = arith.constant 0 : i32
        %dma_wait3A_198 = tpu.memref_slice %arg2[%dma_wait3A_196, %dma_wait3A_197] : memref<20000x64xf32, #tpu.memory_space<hbm>> -> memref<20000x64xf32, #tpu.memory_space<hbm>>
        %dma_wait3A_199 = tpu.memref_slice %arg15[%dma_wait3A] : memref<4x!tpu.dma_semaphore, #tpu.memory_space<semaphore_mem>> -> memref<1x!tpu.dma_semaphore, #tpu.memory_space<semaphore_mem>>
        %dma_wait3A_200 = tpu.memref_squeeze %dma_wait3A_199 : memref<1x!tpu.dma_semaphore, #tpu.memory_space<semaphore_mem>> -> memref<!tpu.dma_semaphore, #tpu.memory_space<semaphore_mem>>
        tpu.wait_indirect_dma semaphore(%dma_wait3A_200 : memref<!tpu.dma_semaphore, #tpu.memory_space<semaphore_mem>>) src(%dma_wait3A_198 : memref<20000x64xf32, #tpu.memory_space<hbm>>) dst(%arg11 : memref<80x64xf32, #tpu.memory_space<vmem>>)
        %dma_start3A_201 = arith.constant 0 : i32
        %dma_start3A_202 = arith.constant 0 : i32
        %dma_start3A_203 = tpu.memref_slice %arg8[%add3A_102, %dma_start3A_202] : memref<125x80xi32, #tpu.memory_space<vmem>> -> memref<1x80xi32, #tpu.memory_space<vmem>>
        %dma_start3A_204 = tpu.memref_squeeze %dma_start3A_203 : memref<1x80xi32, #tpu.memory_space<vmem>> -> memref<80xi32, #tpu.memory_space<vmem>>
        %dma_start3A_205 = arith.constant 0 : i32
        %dma_start3A_206 = arith.constant 0 : i32
        %dma_start3A_207 = tpu.memref_slice %arg17[%dma_start3A_205, %dma_start3A_206] : memref<10000x64xf32, #tpu.memory_space<vmem_shared>> -> memref<10000x64xf32, #tpu.memory_space<vmem_shared>>
        %dma_start3A_208 = tpu.memref_slice %arg16[%dma_start3A_201] : memref<4x!tpu.dma_semaphore, #tpu.memory_space<semaphore_mem>> -> memref<1x!tpu.dma_semaphore, #tpu.memory_space<semaphore_mem>>
        %dma_start3A_209 = tpu.memref_squeeze %dma_start3A_208 : memref<1x!tpu.dma_semaphore, #tpu.memory_space<semaphore_mem>> -> memref<!tpu.dma_semaphore, #tpu.memory_space<semaphore_mem>>
        tpu.enqueue_indirect_dma source(%arg11 : memref<80x64xf32, #tpu.memory_space<vmem>>) target(%dma_start3A_207 : memref<10000x64xf32, #tpu.memory_space<vmem_shared>>) offsets(%dma_start3A_204 : memref<80xi32, #tpu.memory_space<vmem>>) semaphore(%dma_start3A_209 : memref<!tpu.dma_semaphore, #tpu.memory_space<semaphore_mem>>) {add = true}
      } else {
      }
      %mul3A_121 = arith.constant 4 : i32
      %mul3A_122 = arith.muli %mul3A_121, %scan3A_98 : i32
      %add3A_123 = arith.constant 1 : i32
      %add3A_124 = arith.addi %mul3A_122, %add3A_123 : i32
      %ge3A_125 = arith.constant 2 : i32
      %ge3A_126 = arith.cmpi sge, %add3A_124, %ge3A_125 : i32
      %lt3A_127 = arith.constant 127 : i32
      %lt3A_128 = arith.cmpi slt, %add3A_124, %lt3A_127 : i32
      %and3A_129 = arith.andi %ge3A_126, %lt3A_128 : i1
      %convert_element_type3A_130 = arith.extui %and3A_129 : i1 to i32
      %cond3A_131 = arith.constant 0 : i32
      %cond3A_132 = arith.cmpi ne, %convert_element_type3A_130, %cond3A_131 : i32
      scf.if %cond3A_132 {
        %sub3A = arith.constant 2 : i32
        %sub3A_193 = arith.subi %add3A_124, %sub3A : i32
        %dma_wait3A = arith.constant 3 : i32
        %dma_wait3A_194 = arith.constant 0 : i32
        %dma_wait3A_195 = tpu.memref_slice %arg8[%sub3A_193, %dma_wait3A_194] : memref<125x80xi32, #tpu.memory_space<vmem>> -> memref<1x80xi32, #tpu.memory_space<vmem>>
        %dma_wait3A_196 = tpu.memref_squeeze %dma_wait3A_195 : memref<1x80xi32, #tpu.memory_space<vmem>> -> memref<80xi32, #tpu.memory_space<vmem>>
        %dma_wait3A_197 = arith.constant 0 : i32
        %dma_wait3A_198 = arith.constant 0 : i32
        %dma_wait3A_199 = tpu.memref_slice %arg17[%dma_wait3A_197, %dma_wait3A_198] : memref<10000x64xf32, #tpu.memory_space<vmem_shared>> -> memref<10000x64xf32, #tpu.memory_space<vmem_shared>>
        %dma_wait3A_200 = tpu.memref_slice %arg16[%dma_wait3A] : memref<4x!tpu.dma_semaphore, #tpu.memory_space<semaphore_mem>> -> memref<1x!tpu.dma_semaphore, #tpu.memory_space<semaphore_mem>>
        %dma_wait3A_201 = tpu.memref_squeeze %dma_wait3A_200 : memref<1x!tpu.dma_semaphore, #tpu.memory_space<semaphore_mem>> -> memref<!tpu.dma_semaphore, #tpu.memory_space<semaphore_mem>>
        tpu.wait_indirect_dma semaphore(%dma_wait3A_201 : memref<!tpu.dma_semaphore, #tpu.memory_space<semaphore_mem>>) src(%arg14 : memref<80x64xf32, #tpu.memory_space<vmem>>) dst(%dma_wait3A_199 : memref<10000x64xf32, #tpu.memory_space<vmem_shared>>)
      } else {
      }
      %add3A_133 = arith.constant 2 : i32
      %add3A_134 = arith.addi %add3A_124, %add3A_133 : i32
      %lt3A_135 = arith.constant 125 : i32
      %lt3A_136 = arith.cmpi slt, %add3A_134, %lt3A_135 : i32
      %convert_element_type3A_137 = arith.extui %lt3A_136 : i1 to i32
      %cond3A_138 = arith.constant 0 : i32
      %cond3A_139 = arith.cmpi ne, %convert_element_type3A_137, %cond3A_138 : i32
      scf.if %cond3A_139 {
        %add3A_193 = arith.constant 2 : i32
        %add3A_194 = arith.addi %add3A_124, %add3A_193 : i32
        %dma_start3A_195 = arith.constant 3 : i32
        %dma_start3A_196 = arith.constant 0 : i32
        %dma_start3A_197 = tpu.memref_slice %arg10[%add3A_194, %dma_start3A_196] : memref<125x80xi32, #tpu.memory_space<vmem>> -> memref<1x80xi32, #tpu.memory_space<vmem>>
        %dma_start3A_198 = tpu.memref_squeeze %dma_start3A_197 : memref<1x80xi32, #tpu.memory_space<vmem>> -> memref<80xi32, #tpu.memory_space<vmem>>
        %dma_start3A_199 = arith.constant 0 : i32
        %dma_start3A_200 = arith.constant 0 : i32
        %dma_start3A_201 = tpu.memref_slice %arg2[%dma_start3A_199, %dma_start3A_200] : memref<20000x64xf32, #tpu.memory_space<hbm>> -> memref<20000x64xf32, #tpu.memory_space<hbm>>
        %dma_start3A_202 = tpu.memref_slice %arg15[%dma_start3A_195] : memref<4x!tpu.dma_semaphore, #tpu.memory_space<semaphore_mem>> -> memref<1x!tpu.dma_semaphore, #tpu.memory_space<semaphore_mem>>
        %dma_start3A_203 = tpu.memref_squeeze %dma_start3A_202 : memref<1x!tpu.dma_semaphore, #tpu.memory_space<semaphore_mem>> -> memref<!tpu.dma_semaphore, #tpu.memory_space<semaphore_mem>>
        tpu.enqueue_indirect_dma source(%dma_start3A_201 : memref<20000x64xf32, #tpu.memory_space<hbm>>) target(%arg14 : memref<80x64xf32, #tpu.memory_space<vmem>>) offsets(%dma_start3A_198 : memref<80xi32, #tpu.memory_space<vmem>>) semaphore(%dma_start3A_203 : memref<!tpu.dma_semaphore, #tpu.memory_space<semaphore_mem>>)
      } else {
      }
      %lt3A_140 = arith.constant 125 : i32
      %lt3A_141 = arith.cmpi slt, %add3A_124, %lt3A_140 : i32
      %convert_element_type3A_142 = arith.extui %lt3A_141 : i1 to i32
      %cond3A_143 = arith.constant 0 : i32
      %cond3A_144 = arith.cmpi ne, %convert_element_type3A_142, %cond3A_143 : i32
      scf.if %cond3A_144 {
        %dma_wait3A = arith.constant 1 : i32
        %dma_wait3A_193 = arith.constant 0 : i32
        %dma_wait3A_194 = tpu.memref_slice %arg10[%add3A_124, %dma_wait3A_193] : memref<125x80xi32, #tpu.memory_space<vmem>> -> memref<1x80xi32, #tpu.memory_space<vmem>>
        %dma_wait3A_195 = tpu.memref_squeeze %dma_wait3A_194 : memref<1x80xi32, #tpu.memory_space<vmem>> -> memref<80xi32, #tpu.memory_space<vmem>>
        %dma_wait3A_196 = arith.constant 0 : i32
        %dma_wait3A_197 = arith.constant 0 : i32
        %dma_wait3A_198 = tpu.memref_slice %arg2[%dma_wait3A_196, %dma_wait3A_197] : memref<20000x64xf32, #tpu.memory_space<hbm>> -> memref<20000x64xf32, #tpu.memory_space<hbm>>
        %dma_wait3A_199 = tpu.memref_slice %arg15[%dma_wait3A] : memref<4x!tpu.dma_semaphore, #tpu.memory_space<semaphore_mem>> -> memref<1x!tpu.dma_semaphore, #tpu.memory_space<semaphore_mem>>
        %dma_wait3A_200 = tpu.memref_squeeze %dma_wait3A_199 : memref<1x!tpu.dma_semaphore, #tpu.memory_space<semaphore_mem>> -> memref<!tpu.dma_semaphore, #tpu.memory_space<semaphore_mem>>
        tpu.wait_indirect_dma semaphore(%dma_wait3A_200 : memref<!tpu.dma_semaphore, #tpu.memory_space<semaphore_mem>>) src(%dma_wait3A_198 : memref<20000x64xf32, #tpu.memory_space<hbm>>) dst(%arg12 : memref<80x64xf32, #tpu.memory_space<vmem>>)
        %dma_start3A_201 = arith.constant 1 : i32
        %dma_start3A_202 = arith.constant 0 : i32
        %dma_start3A_203 = tpu.memref_slice %arg8[%add3A_124, %dma_start3A_202] : memref<125x80xi32, #tpu.memory_space<vmem>> -> memref<1x80xi32, #tpu.memory_space<vmem>>
        %dma_start3A_204 = tpu.memref_squeeze %dma_start3A_203 : memref<1x80xi32, #tpu.memory_space<vmem>> -> memref<80xi32, #tpu.memory_space<vmem>>
        %dma_start3A_205 = arith.constant 0 : i32
        %dma_start3A_206 = arith.constant 0 : i32
        %dma_start3A_207 = tpu.memref_slice %arg17[%dma_start3A_205, %dma_start3A_206] : memref<10000x64xf32, #tpu.memory_space<vmem_shared>> -> memref<10000x64xf32, #tpu.memory_space<vmem_shared>>
        %dma_start3A_208 = tpu.memref_slice %arg16[%dma_start3A_201] : memref<4x!tpu.dma_semaphore, #tpu.memory_space<semaphore_mem>> -> memref<1x!tpu.dma_semaphore, #tpu.memory_space<semaphore_mem>>
        %dma_start3A_209 = tpu.memref_squeeze %dma_start3A_208 : memref<1x!tpu.dma_semaphore, #tpu.memory_space<semaphore_mem>> -> memref<!tpu.dma_semaphore, #tpu.memory_space<semaphore_mem>>
        tpu.enqueue_indirect_dma source(%arg12 : memref<80x64xf32, #tpu.memory_space<vmem>>) target(%dma_start3A_207 : memref<10000x64xf32, #tpu.memory_space<vmem_shared>>) offsets(%dma_start3A_204 : memref<80xi32, #tpu.memory_space<vmem>>) semaphore(%dma_start3A_209 : memref<!tpu.dma_semaphore, #tpu.memory_space<semaphore_mem>>) {add = true}
      } else {
      }
      %mul3A_145 = arith.constant 4 : i32
      %mul3A_146 = arith.muli %mul3A_145, %scan3A_98 : i32
      %add3A_147 = arith.constant 2 : i32
      %add3A_148 = arith.addi %mul3A_146, %add3A_147 : i32
      %ge3A_149 = arith.constant 2 : i32
      %ge3A_150 = arith.cmpi sge, %add3A_148, %ge3A_149 : i32
      %lt3A_151 = arith.constant 127 : i32
      %lt3A_152 = arith.cmpi slt, %add3A_148, %lt3A_151 : i32
      %and3A_153 = arith.andi %ge3A_150, %lt3A_152 : i1
      %convert_element_type3A_154 = arith.extui %and3A_153 : i1 to i32
      %cond3A_155 = arith.constant 0 : i32
      %cond3A_156 = arith.cmpi ne, %convert_element_type3A_154, %cond3A_155 : i32
      scf.if %cond3A_156 {
        %sub3A = arith.constant 2 : i32
        %sub3A_193 = arith.subi %add3A_148, %sub3A : i32
        %dma_wait3A = arith.constant 0 : i32
        %dma_wait3A_194 = arith.constant 0 : i32
        %dma_wait3A_195 = tpu.memref_slice %arg8[%sub3A_193, %dma_wait3A_194] : memref<125x80xi32, #tpu.memory_space<vmem>> -> memref<1x80xi32, #tpu.memory_space<vmem>>
        %dma_wait3A_196 = tpu.memref_squeeze %dma_wait3A_195 : memref<1x80xi32, #tpu.memory_space<vmem>> -> memref<80xi32, #tpu.memory_space<vmem>>
        %dma_wait3A_197 = arith.constant 0 : i32
        %dma_wait3A_198 = arith.constant 0 : i32
        %dma_wait3A_199 = tpu.memref_slice %arg17[%dma_wait3A_197, %dma_wait3A_198] : memref<10000x64xf32, #tpu.memory_space<vmem_shared>> -> memref<10000x64xf32, #tpu.memory_space<vmem_shared>>
        %dma_wait3A_200 = tpu.memref_slice %arg16[%dma_wait3A] : memref<4x!tpu.dma_semaphore, #tpu.memory_space<semaphore_mem>> -> memref<1x!tpu.dma_semaphore, #tpu.memory_space<semaphore_mem>>
        %dma_wait3A_201 = tpu.memref_squeeze %dma_wait3A_200 : memref<1x!tpu.dma_semaphore, #tpu.memory_space<semaphore_mem>> -> memref<!tpu.dma_semaphore, #tpu.memory_space<semaphore_mem>>
        tpu.wait_indirect_dma semaphore(%dma_wait3A_201 : memref<!tpu.dma_semaphore, #tpu.memory_space<semaphore_mem>>) src(%arg11 : memref<80x64xf32, #tpu.memory_space<vmem>>) dst(%dma_wait3A_199 : memref<10000x64xf32, #tpu.memory_space<vmem_shared>>)
      } else {
      }
      %add3A_157 = arith.constant 2 : i32
      %add3A_158 = arith.addi %add3A_148, %add3A_157 : i32
      %lt3A_159 = arith.constant 125 : i32
      %lt3A_160 = arith.cmpi slt, %add3A_158, %lt3A_159 : i32
      %convert_element_type3A_161 = arith.extui %lt3A_160 : i1 to i32
      %cond3A_162 = arith.constant 0 : i32
      %cond3A_163 = arith.cmpi ne, %convert_element_type3A_161, %cond3A_162 : i32
      scf.if %cond3A_163 {
        %add3A_193 = arith.constant 2 : i32
        %add3A_194 = arith.addi %add3A_148, %add3A_193 : i32
        %dma_start3A_195 = arith.constant 0 : i32
        %dma_start3A_196 = arith.constant 0 : i32
        %dma_start3A_197 = tpu.memref_slice %arg10[%add3A_194, %dma_start3A_196] : memref<125x80xi32, #tpu.memory_space<vmem>> -> memref<1x80xi32, #tpu.memory_space<vmem>>
        %dma_start3A_198 = tpu.memref_squeeze %dma_start3A_197 : memref<1x80xi32, #tpu.memory_space<vmem>> -> memref<80xi32, #tpu.memory_space<vmem>>
        %dma_start3A_199 = arith.constant 0 : i32
        %dma_start3A_200 = arith.constant 0 : i32
        %dma_start3A_201 = tpu.memref_slice %arg2[%dma_start3A_199, %dma_start3A_200] : memref<20000x64xf32, #tpu.memory_space<hbm>> -> memref<20000x64xf32, #tpu.memory_space<hbm>>
        %dma_start3A_202 = tpu.memref_slice %arg15[%dma_start3A_195] : memref<4x!tpu.dma_semaphore, #tpu.memory_space<semaphore_mem>> -> memref<1x!tpu.dma_semaphore, #tpu.memory_space<semaphore_mem>>
        %dma_start3A_203 = tpu.memref_squeeze %dma_start3A_202 : memref<1x!tpu.dma_semaphore, #tpu.memory_space<semaphore_mem>> -> memref<!tpu.dma_semaphore, #tpu.memory_space<semaphore_mem>>
        tpu.enqueue_indirect_dma source(%dma_start3A_201 : memref<20000x64xf32, #tpu.memory_space<hbm>>) target(%arg11 : memref<80x64xf32, #tpu.memory_space<vmem>>) offsets(%dma_start3A_198 : memref<80xi32, #tpu.memory_space<vmem>>) semaphore(%dma_start3A_203 : memref<!tpu.dma_semaphore, #tpu.memory_space<semaphore_mem>>)
      } else {
      }
      %lt3A_164 = arith.constant 125 : i32
      %lt3A_165 = arith.cmpi slt, %add3A_148, %lt3A_164 : i32
      %convert_element_type3A_166 = arith.extui %lt3A_165 : i1 to i32
      %cond3A_167 = arith.constant 0 : i32
      %cond3A_168 = arith.cmpi ne, %convert_element_type3A_166, %cond3A_167 : i32
      scf.if %cond3A_168 {
        %dma_wait3A = arith.constant 2 : i32
        %dma_wait3A_193 = arith.constant 0 : i32
        %dma_wait3A_194 = tpu.memref_slice %arg10[%add3A_148, %dma_wait3A_193] : memref<125x80xi32, #tpu.memory_space<vmem>> -> memref<1x80xi32, #tpu.memory_space<vmem>>
        %dma_wait3A_195 = tpu.memref_squeeze %dma_wait3A_194 : memref<1x80xi32, #tpu.memory_space<vmem>> -> memref<80xi32, #tpu.memory_space<vmem>>
        %dma_wait3A_196 = arith.constant 0 : i32
        %dma_wait3A_197 = arith.constant 0 : i32
        %dma_wait3A_198 = tpu.memref_slice %arg2[%dma_wait3A_196, %dma_wait3A_197] : memref<20000x64xf32, #tpu.memory_space<hbm>> -> memref<20000x64xf32, #tpu.memory_space<hbm>>
        %dma_wait3A_199 = tpu.memref_slice %arg15[%dma_wait3A] : memref<4x!tpu.dma_semaphore, #tpu.memory_space<semaphore_mem>> -> memref<1x!tpu.dma_semaphore, #tpu.memory_space<semaphore_mem>>
        %dma_wait3A_200 = tpu.memref_squeeze %dma_wait3A_199 : memref<1x!tpu.dma_semaphore, #tpu.memory_space<semaphore_mem>> -> memref<!tpu.dma_semaphore, #tpu.memory_space<semaphore_mem>>
        tpu.wait_indirect_dma semaphore(%dma_wait3A_200 : memref<!tpu.dma_semaphore, #tpu.memory_space<semaphore_mem>>) src(%dma_wait3A_198 : memref<20000x64xf32, #tpu.memory_space<hbm>>) dst(%arg13 : memref<80x64xf32, #tpu.memory_space<vmem>>)
        %dma_start3A_201 = arith.constant 2 : i32
        %dma_start3A_202 = arith.constant 0 : i32
        %dma_start3A_203 = tpu.memref_slice %arg8[%add3A_148, %dma_start3A_202] : memref<125x80xi32, #tpu.memory_space<vmem>> -> memref<1x80xi32, #tpu.memory_space<vmem>>
        %dma_start3A_204 = tpu.memref_squeeze %dma_start3A_203 : memref<1x80xi32, #tpu.memory_space<vmem>> -> memref<80xi32, #tpu.memory_space<vmem>>
        %dma_start3A_205 = arith.constant 0 : i32
        %dma_start3A_206 = arith.constant 0 : i32
        %dma_start3A_207 = tpu.memref_slice %arg17[%dma_start3A_205, %dma_start3A_206] : memref<10000x64xf32, #tpu.memory_space<vmem_shared>> -> memref<10000x64xf32, #tpu.memory_space<vmem_shared>>
        %dma_start3A_208 = tpu.memref_slice %arg16[%dma_start3A_201] : memref<4x!tpu.dma_semaphore, #tpu.memory_space<semaphore_mem>> -> memref<1x!tpu.dma_semaphore, #tpu.memory_space<semaphore_mem>>
        %dma_start3A_209 = tpu.memref_squeeze %dma_start3A_208 : memref<1x!tpu.dma_semaphore, #tpu.memory_space<semaphore_mem>> -> memref<!tpu.dma_semaphore, #tpu.memory_space<semaphore_mem>>
        tpu.enqueue_indirect_dma source(%arg13 : memref<80x64xf32, #tpu.memory_space<vmem>>) target(%dma_start3A_207 : memref<10000x64xf32, #tpu.memory_space<vmem_shared>>) offsets(%dma_start3A_204 : memref<80xi32, #tpu.memory_space<vmem>>) semaphore(%dma_start3A_209 : memref<!tpu.dma_semaphore, #tpu.memory_space<semaphore_mem>>) {add = true}
      } else {
      }
      %mul3A_169 = arith.constant 4 : i32
      %mul3A_170 = arith.muli %mul3A_169, %scan3A_98 : i32
      %add3A_171 = arith.constant 3 : i32
      %add3A_172 = arith.addi %mul3A_170, %add3A_171 : i32
      %ge3A_173 = arith.constant 2 : i32
      %ge3A_174 = arith.cmpi sge, %add3A_172, %ge3A_173 : i32
      %lt3A_175 = arith.constant 127 : i32
      %lt3A_176 = arith.cmpi slt, %add3A_172, %lt3A_175 : i32
      %and3A_177 = arith.andi %ge3A_174, %lt3A_176 : i1
      %convert_element_type3A_178 = arith.extui %and3A_177 : i1 to i32
      %cond3A_179 = arith.constant 0 : i32
      %cond3A_180 = arith.cmpi ne, %convert_element_type3A_178, %cond3A_179 : i32
      scf.if %cond3A_180 {
        %sub3A = arith.constant 2 : i32
        %sub3A_193 = arith.subi %add3A_172, %sub3A : i32
        %dma_wait3A = arith.constant 1 : i32
        %dma_wait3A_194 = arith.constant 0 : i32
        %dma_wait3A_195 = tpu.memref_slice %arg8[%sub3A_193, %dma_wait3A_194] : memref<125x80xi32, #tpu.memory_space<vmem>> -> memref<1x80xi32, #tpu.memory_space<vmem>>
        %dma_wait3A_196 = tpu.memref_squeeze %dma_wait3A_195 : memref<1x80xi32, #tpu.memory_space<vmem>> -> memref<80xi32, #tpu.memory_space<vmem>>
        %dma_wait3A_197 = arith.constant 0 : i32
        %dma_wait3A_198 = arith.constant 0 : i32
        %dma_wait3A_199 = tpu.memref_slice %arg17[%dma_wait3A_197, %dma_wait3A_198] : memref<10000x64xf32, #tpu.memory_space<vmem_shared>> -> memref<10000x64xf32, #tpu.memory_space<vmem_shared>>
        %dma_wait3A_200 = tpu.memref_slice %arg16[%dma_wait3A] : memref<4x!tpu.dma_semaphore, #tpu.memory_space<semaphore_mem>> -> memref<1x!tpu.dma_semaphore, #tpu.memory_space<semaphore_mem>>
        %dma_wait3A_201 = tpu.memref_squeeze %dma_wait3A_200 : memref<1x!tpu.dma_semaphore, #tpu.memory_space<semaphore_mem>> -> memref<!tpu.dma_semaphore, #tpu.memory_space<semaphore_mem>>
        tpu.wait_indirect_dma semaphore(%dma_wait3A_201 : memref<!tpu.dma_semaphore, #tpu.memory_space<semaphore_mem>>) src(%arg12 : memref<80x64xf32, #tpu.memory_space<vmem>>) dst(%dma_wait3A_199 : memref<10000x64xf32, #tpu.memory_space<vmem_shared>>)
      } else {
      }
      %add3A_181 = arith.constant 2 : i32
      %add3A_182 = arith.addi %add3A_172, %add3A_181 : i32
      %lt3A_183 = arith.constant 125 : i32
      %lt3A_184 = arith.cmpi slt, %add3A_182, %lt3A_183 : i32
      %convert_element_type3A_185 = arith.extui %lt3A_184 : i1 to i32
      %cond3A_186 = arith.constant 0 : i32
      %cond3A_187 = arith.cmpi ne, %convert_element_type3A_185, %cond3A_186 : i32
      scf.if %cond3A_187 {
        %add3A_193 = arith.constant 2 : i32
        %add3A_194 = arith.addi %add3A_172, %add3A_193 : i32
        %dma_start3A_195 = arith.constant 1 : i32
        %dma_start3A_196 = arith.constant 0 : i32
        %dma_start3A_197 = tpu.memref_slice %arg10[%add3A_194, %dma_start3A_196] : memref<125x80xi32, #tpu.memory_space<vmem>> -> memref<1x80xi32, #tpu.memory_space<vmem>>
        %dma_start3A_198 = tpu.memref_squeeze %dma_start3A_197 : memref<1x80xi32, #tpu.memory_space<vmem>> -> memref<80xi32, #tpu.memory_space<vmem>>
        %dma_start3A_199 = arith.constant 0 : i32
        %dma_start3A_200 = arith.constant 0 : i32
        %dma_start3A_201 = tpu.memref_slice %arg2[%dma_start3A_199, %dma_start3A_200] : memref<20000x64xf32, #tpu.memory_space<hbm>> -> memref<20000x64xf32, #tpu.memory_space<hbm>>
        %dma_start3A_202 = tpu.memref_slice %arg15[%dma_start3A_195] : memref<4x!tpu.dma_semaphore, #tpu.memory_space<semaphore_mem>> -> memref<1x!tpu.dma_semaphore, #tpu.memory_space<semaphore_mem>>
        %dma_start3A_203 = tpu.memref_squeeze %dma_start3A_202 : memref<1x!tpu.dma_semaphore, #tpu.memory_space<semaphore_mem>> -> memref<!tpu.dma_semaphore, #tpu.memory_space<semaphore_mem>>
        tpu.enqueue_indirect_dma source(%dma_start3A_201 : memref<20000x64xf32, #tpu.memory_space<hbm>>) target(%arg12 : memref<80x64xf32, #tpu.memory_space<vmem>>) offsets(%dma_start3A_198 : memref<80xi32, #tpu.memory_space<vmem>>) semaphore(%dma_start3A_203 : memref<!tpu.dma_semaphore, #tpu.memory_space<semaphore_mem>>)
      } else {
      }
      %lt3A_188 = arith.constant 125 : i32
      %lt3A_189 = arith.cmpi slt, %add3A_172, %lt3A_188 : i32
      %convert_element_type3A_190 = arith.extui %lt3A_189 : i1 to i32
      %cond3A_191 = arith.constant 0 : i32
      %cond3A_192 = arith.cmpi ne, %convert_element_type3A_190, %cond3A_191 : i32
      scf.if %cond3A_192 {
        %dma_wait3A = arith.constant 3 : i32
        %dma_wait3A_193 = arith.constant 0 : i32
        %dma_wait3A_194 = tpu.memref_slice %arg10[%add3A_172, %dma_wait3A_193] : memref<125x80xi32, #tpu.memory_space<vmem>> -> memref<1x80xi32, #tpu.memory_space<vmem>>
        %dma_wait3A_195 = tpu.memref_squeeze %dma_wait3A_194 : memref<1x80xi32, #tpu.memory_space<vmem>> -> memref<80xi32, #tpu.memory_space<vmem>>
        %dma_wait3A_196 = arith.constant 0 : i32
        %dma_wait3A_197 = arith.constant 0 : i32
        %dma_wait3A_198 = tpu.memref_slice %arg2[%dma_wait3A_196, %dma_wait3A_197] : memref<20000x64xf32, #tpu.memory_space<hbm>> -> memref<20000x64xf32, #tpu.memory_space<hbm>>
        %dma_wait3A_199 = tpu.memref_slice %arg15[%dma_wait3A] : memref<4x!tpu.dma_semaphore, #tpu.memory_space<semaphore_mem>> -> memref<1x!tpu.dma_semaphore, #tpu.memory_space<semaphore_mem>>
        %dma_wait3A_200 = tpu.memref_squeeze %dma_wait3A_199 : memref<1x!tpu.dma_semaphore, #tpu.memory_space<semaphore_mem>> -> memref<!tpu.dma_semaphore, #tpu.memory_space<semaphore_mem>>
        tpu.wait_indirect_dma semaphore(%dma_wait3A_200 : memref<!tpu.dma_semaphore, #tpu.memory_space<semaphore_mem>>) src(%dma_wait3A_198 : memref<20000x64xf32, #tpu.memory_space<hbm>>) dst(%arg14 : memref<80x64xf32, #tpu.memory_space<vmem>>)
        %dma_start3A_201 = arith.constant 3 : i32
        %dma_start3A_202 = arith.constant 0 : i32
        %dma_start3A_203 = tpu.memref_slice %arg8[%add3A_172, %dma_start3A_202] : memref<125x80xi32, #tpu.memory_space<vmem>> -> memref<1x80xi32, #tpu.memory_space<vmem>>
        %dma_start3A_204 = tpu.memref_squeeze %dma_start3A_203 : memref<1x80xi32, #tpu.memory_space<vmem>> -> memref<80xi32, #tpu.memory_space<vmem>>
        %dma_start3A_205 = arith.constant 0 : i32
        %dma_start3A_206 = arith.constant 0 : i32
        %dma_start3A_207 = tpu.memref_slice %arg17[%dma_start3A_205, %dma_start3A_206] : memref<10000x64xf32, #tpu.memory_space<vmem_shared>> -> memref<10000x64xf32, #tpu.memory_space<vmem_shared>>
        %dma_start3A_208 = tpu.memref_slice %arg16[%dma_start3A_201] : memref<4x!tpu.dma_semaphore, #tpu.memory_space<semaphore_mem>> -> memref<1x!tpu.dma_semaphore, #tpu.memory_space<semaphore_mem>>
        %dma_start3A_209 = tpu.memref_squeeze %dma_start3A_208 : memref<1x!tpu.dma_semaphore, #tpu.memory_space<semaphore_mem>> -> memref<!tpu.dma_semaphore, #tpu.memory_space<semaphore_mem>>
        tpu.enqueue_indirect_dma source(%arg14 : memref<80x64xf32, #tpu.memory_space<vmem>>) target(%dma_start3A_207 : memref<10000x64xf32, #tpu.memory_space<vmem_shared>>) offsets(%dma_start3A_204 : memref<80xi32, #tpu.memory_space<vmem>>) semaphore(%dma_start3A_209 : memref<!tpu.dma_semaphore, #tpu.memory_space<semaphore_mem>>) {add = true}
      } else {
      }
    }
    %scan3A_86 = arith.constant 32 : i32
    %barrier3A_87 = arith.constant 0 : index
    tpu.barrier barrier_id(%barrier3A_87)
    %lt3A_88 = arith.constant 15 : i32
    %lt3A_89 = arith.cmpi slt, %arg1, %lt3A_88 : i32
    %convert_element_type3A_90 = arith.extui %lt3A_89 : i1 to i32
    %cond3A_91 = arith.constant 0 : i32
    %cond3A_92 = arith.cmpi ne, %convert_element_type3A_90, %cond3A_91 : i32
    scf.if %cond3A_92 {
      "tpu.region"() ({
        %run_scoped3A = tpu.sem_alloc : memref<!tpu.dma_semaphore, #tpu.memory_space<semaphore_mem>>
        %dma_start3A_98 = arith.constant 64 : i32
        %dma_start3A_99 = tpu.memref_slice %arg6[%arg0, %multiple_of3A, %dma_start3A_98] : memref<2x10000x128xf32, #tpu.memory_space<hbm>> -> memref<1x632x64xf32, #tpu.memory_space<hbm>>
        %dma_start3A_100 = tpu.memref_squeeze %dma_start3A_99 : memref<1x632x64xf32, #tpu.memory_space<hbm>> -> memref<632x64xf32, #tpu.memory_space<hbm>>
        %dma_start3A_101 = arith.constant 0 : i32
        %dma_start3A_102 = tpu.memref_slice %arg17[%multiple_of3A, %dma_start3A_101] : memref<10000x64xf32, #tpu.memory_space<vmem_shared>> -> memref<632x64xf32, #tpu.memory_space<vmem_shared>>
        tpu.enqueue_dma source(%dma_start3A_102 : memref<632x64xf32, #tpu.memory_space<vmem_shared>>) target(%dma_start3A_100 : memref<632x64xf32, #tpu.memory_space<hbm>>) target_semaphore(%run_scoped3A : memref<!tpu.dma_semaphore, #tpu.memory_space<semaphore_mem>>)
        %dma_wait3A = arith.constant 64 : i32
        %dma_wait3A_103 = tpu.memref_slice %arg6[%arg0, %multiple_of3A, %dma_wait3A] : memref<2x10000x128xf32, #tpu.memory_space<hbm>> -> memref<1x632x64xf32, #tpu.memory_space<hbm>>
        %dma_wait3A_104 = tpu.memref_squeeze %dma_wait3A_103 : memref<1x632x64xf32, #tpu.memory_space<hbm>> -> memref<632x64xf32, #tpu.memory_space<hbm>>
        %dma_wait3A_105 = arith.constant 0 : i32
        %dma_wait3A_106 = tpu.memref_slice %arg17[%multiple_of3A, %dma_wait3A_105] : memref<10000x64xf32, #tpu.memory_space<vmem_shared>> -> memref<632x64xf32, #tpu.memory_space<vmem_shared>>
        tpu.wait_dma2 semaphore(%run_scoped3A : memref<!tpu.dma_semaphore, #tpu.memory_space<semaphore_mem>>) src(%dma_wait3A_106 : memref<632x64xf32, #tpu.memory_space<vmem_shared>>) dst(%dma_wait3A_104 : memref<632x64xf32, #tpu.memory_space<hbm>>)
        tpu.yield
      }) : () -> ()
    } else {
    }
    %eq3A_93 = arith.constant 15 : i32
    %eq3A_94 = arith.cmpi eq, %arg1, %eq3A_93 : i32
    %convert_element_type3A_95 = arith.extui %eq3A_94 : i1 to i32
    %cond3A_96 = arith.constant 0 : i32
    %cond3A_97 = arith.cmpi ne, %convert_element_type3A_95, %cond3A_96 : i32
    scf.if %cond3A_97 {
      "tpu.region"() ({
        %run_scoped3A = tpu.sem_alloc : memref<!tpu.dma_semaphore, #tpu.memory_space<semaphore_mem>>
        %dma_start3A_98 = arith.constant 9480 : i32
        %dma_start3A_99 = arith.constant 64 : i32
        %dma_start3A_100 = tpu.memref_slice %arg6[%arg0, %dma_start3A_98, %dma_start3A_99] : memref<2x10000x128xf32, #tpu.memory_space<hbm>> -> memref<1x520x64xf32, #tpu.memory_space<hbm>>
        %dma_start3A_101 = tpu.memref_squeeze %dma_start3A_100 : memref<1x520x64xf32, #tpu.memory_space<hbm>> -> memref<520x64xf32, #tpu.memory_space<hbm>>
        %dma_start3A_102 = arith.constant 9480 : i32
        %dma_start3A_103 = arith.constant 0 : i32
        %dma_start3A_104 = tpu.memref_slice %arg17[%dma_start3A_102, %dma_start3A_103] : memref<10000x64xf32, #tpu.memory_space<vmem_shared>> -> memref<520x64xf32, #tpu.memory_space<vmem_shared>>
        tpu.enqueue_dma source(%dma_start3A_104 : memref<520x64xf32, #tpu.memory_space<vmem_shared>>) target(%dma_start3A_101 : memref<520x64xf32, #tpu.memory_space<hbm>>) target_semaphore(%run_scoped3A : memref<!tpu.dma_semaphore, #tpu.memory_space<semaphore_mem>>)
        %dma_wait3A = arith.constant 9480 : i32
        %dma_wait3A_105 = arith.constant 64 : i32
        %dma_wait3A_106 = tpu.memref_slice %arg6[%arg0, %dma_wait3A, %dma_wait3A_105] : memref<2x10000x128xf32, #tpu.memory_space<hbm>> -> memref<1x520x64xf32, #tpu.memory_space<hbm>>
        %dma_wait3A_107 = tpu.memref_squeeze %dma_wait3A_106 : memref<1x520x64xf32, #tpu.memory_space<hbm>> -> memref<520x64xf32, #tpu.memory_space<hbm>>
        %dma_wait3A_108 = arith.constant 9480 : i32
        %dma_wait3A_109 = arith.constant 0 : i32
        %dma_wait3A_110 = tpu.memref_slice %arg17[%dma_wait3A_108, %dma_wait3A_109] : memref<10000x64xf32, #tpu.memory_space<vmem_shared>> -> memref<520x64xf32, #tpu.memory_space<vmem_shared>>
        tpu.wait_dma2 semaphore(%run_scoped3A : memref<!tpu.dma_semaphore, #tpu.memory_space<semaphore_mem>>) src(%dma_wait3A_110 : memref<520x64xf32, #tpu.memory_space<vmem_shared>>) dst(%dma_wait3A_107 : memref<520x64xf32, #tpu.memory_space<hbm>>)
        tpu.yield
      }) : () -> ()
    } else {
    }
    return
  }
}

module attributes {stable_mosaic.version = 14 : i64} {
  func.func @_tc1_body(%arg0: memref<10000x128xf32, #tpu.memory_space<vmem>>, %arg1: memref<128x128xf32, #tpu.memory_space<vmem>>, %arg2: memref<2x1x10112xf32, #tpu.memory_space<vmem>>, %arg3: memref<10000x128xf32, #tpu.memory_space<vmem>>) attributes {dimension_semantics = [], scalar_prefetch = 0 : i64, scratch_operands = 0 : i64, tpu.core_type = #tpu.core_type<tc>} {
    %get3A = arith.constant 0 : index
    %get3A_0 = arith.constant 0 : index
    %get3A_1 = arith.constant 0 : index
    %get3A_2 = vector.load %arg2[%get3A, %get3A_0, %get3A_1] : memref<2x1x10112xf32, #tpu.memory_space<vmem>>, vector<1x1x10112xf32>
    %get3A_3 = vector.shape_cast %get3A_2 : vector<1x1x10112xf32> to vector<1x10112xf32>
    %get3A_4 = arith.constant 1 : index
    %get3A_5 = arith.constant 0 : index
    %get3A_6 = arith.constant 0 : index
    %get3A_7 = vector.load %arg2[%get3A_4, %get3A_5, %get3A_6] : memref<2x1x10112xf32, #tpu.memory_space<vmem>>, vector<1x1x10112xf32>
    %get3A_8 = vector.shape_cast %get3A_7 : vector<1x1x10112xf32> to vector<1x10112xf32>
    %add3A = arith.addf %get3A_3, %get3A_8 : vector<1x10112xf32>
    %add3A_9 = arith.constant 1.000000e+00 : f32
    %add3A_10 = vector.broadcast %add3A_9 : f32 to vector<1x10112xf32>
    %add3A_11 = arith.addf %add3A, %add3A_10 : vector<1x10112xf32>
    %rsqrt3A = math.rsqrt %add3A_11 : vector<1x10112xf32>
    %transpose3A = tpu.transpose %rsqrt3A, [1, 0] : vector<1x10112xf32> -> vector<10112x1xf32>
    %slice3A = vector.extract_strided_slice %transpose3A {offsets = [0, 0], sizes = [10000, 1], strides = [1, 1]} : vector<10112x1xf32> to vector<10000x1xf32>
    %get3A_12 = arith.constant 0 : index
    %get3A_13 = arith.constant 0 : index
    %get3A_14 = vector.load %arg0[%get3A_12, %get3A_13] : memref<10000x128xf32, #tpu.memory_space<vmem>>, vector<10000x128xf32>
    %get3A_15 = arith.constant 0 : index
    %get3A_16 = arith.constant 0 : index
    %get3A_17 = vector.load %arg1[%get3A_15, %get3A_16] : memref<128x128xf32, #tpu.memory_space<vmem>>, vector<128x128xf32>
    %dot_general3A = arith.constant dense<0.000000e+00> : vector<10000x128xf32>
    %dot_general3A_18 = tpu.matmul %get3A_14, %get3A_17, %dot_general3A {dimension_numbers = #tpu.dot_dimension_numbers<[1], [0], [0], [1], [0, 0, 1, 1], [], []>, transpose_lhs_hint = false} : vector<10000x128xf32>, vector<128x128xf32>, vector<10000x128xf32> -> vector<10000x128xf32>
    %mul3A = vector.broadcast %slice3A : vector<10000x1xf32> to vector<10000x128xf32>
    %mul3A_19 = arith.mulf %dot_general3A_18, %mul3A : vector<10000x128xf32>
    %swap3A = arith.constant 0 : index
    %swap3A_20 = arith.constant 0 : index
    %swap3A_21 = vector.load %arg3[%swap3A, %swap3A_20] : memref<10000x128xf32, #tpu.memory_space<vmem>>, vector<10000x128xf32>
    tpu.vector_store %arg3[%swap3A, %swap3A_20], %mul3A_19 {strides = array<i32>} : memref<10000x128xf32, #tpu.memory_space<vmem>>, vector<10000x128xf32>,
    return
  }
}

module attributes {stable_mosaic.version = 14 : i64} {
  func.func @_tc2_body(%arg0: memref<2x10000x128xf32, #tpu.memory_space<vmem>>, %arg1: memref<10000x128xf32, #tpu.memory_space<vmem>>, %arg2: memref<2x1x10112xf32, #tpu.memory_space<vmem>>, %arg3: memref<1x128xf32, #tpu.memory_space<vmem>>, %arg4: memref<128x128xf32, #tpu.memory_space<vmem>>, %arg5: memref<10000x128xf32, #tpu.memory_space<vmem>>) attributes {dimension_semantics = [], scalar_prefetch = 0 : i64, scratch_operands = 0 : i64, tpu.core_type = #tpu.core_type<tc>} {
    %get3A = arith.constant 0 : index
    %get3A_0 = arith.constant 0 : index
    %get3A_1 = arith.constant 0 : index
    %get3A_2 = vector.load %arg2[%get3A, %get3A_0, %get3A_1] : memref<2x1x10112xf32, #tpu.memory_space<vmem>>, vector<1x1x10112xf32>
    %get3A_3 = vector.shape_cast %get3A_2 : vector<1x1x10112xf32> to vector<1x10112xf32>
    %get3A_4 = arith.constant 1 : index
    %get3A_5 = arith.constant 0 : index
    %get3A_6 = arith.constant 0 : index
    %get3A_7 = vector.load %arg2[%get3A_4, %get3A_5, %get3A_6] : memref<2x1x10112xf32, #tpu.memory_space<vmem>>, vector<1x1x10112xf32>
    %get3A_8 = vector.shape_cast %get3A_7 : vector<1x1x10112xf32> to vector<1x10112xf32>
    %add3A = arith.addf %get3A_3, %get3A_8 : vector<1x10112xf32>
    %add3A_9 = arith.constant 1.000000e+00 : f32
    %add3A_10 = vector.broadcast %add3A_9 : f32 to vector<1x10112xf32>
    %add3A_11 = arith.addf %add3A, %add3A_10 : vector<1x10112xf32>
    %rsqrt3A = math.rsqrt %add3A_11 : vector<1x10112xf32>
    %transpose3A = tpu.transpose %rsqrt3A, [1, 0] : vector<1x10112xf32> -> vector<10112x1xf32>
    %slice3A = vector.extract_strided_slice %transpose3A {offsets = [0, 0], sizes = [10000, 1], strides = [1, 1]} : vector<10112x1xf32> to vector<10000x1xf32>
    %get3A_12 = arith.constant 0 : index
    %get3A_13 = arith.constant 0 : index
    %get3A_14 = arith.constant 0 : index
    %get3A_15 = vector.load %arg0[%get3A_12, %get3A_13, %get3A_14] : memref<2x10000x128xf32, #tpu.memory_space<vmem>>, vector<1x10000x128xf32>
    %get3A_16 = vector.shape_cast %get3A_15 : vector<1x10000x128xf32> to vector<10000x128xf32>
    %get3A_17 = arith.constant 1 : index
    %get3A_18 = arith.constant 0 : index
    %get3A_19 = arith.constant 0 : index
    %get3A_20 = vector.load %arg0[%get3A_17, %get3A_18, %get3A_19] : memref<2x10000x128xf32, #tpu.memory_space<vmem>>, vector<1x10000x128xf32>
    %get3A_21 = vector.shape_cast %get3A_20 : vector<1x10000x128xf32> to vector<10000x128xf32>
    %add3A_22 = arith.addf %get3A_16, %get3A_21 : vector<10000x128xf32>
    %get3A_23 = arith.constant 0 : index
    %get3A_24 = arith.constant 0 : index
    %get3A_25 = vector.load %arg1[%get3A_23, %get3A_24] : memref<10000x128xf32, #tpu.memory_space<vmem>>, vector<10000x128xf32>
    %add3A_26 = arith.addf %add3A_22, %get3A_25 : vector<10000x128xf32>
    %mul3A = vector.broadcast %slice3A : vector<10000x1xf32> to vector<10000x128xf32>
    %mul3A_27 = arith.mulf %add3A_26, %mul3A : vector<10000x128xf32>
    %get3A_28 = arith.constant 0 : index
    %get3A_29 = arith.constant 0 : index
    %get3A_30 = vector.load %arg3[%get3A_28, %get3A_29] : memref<1x128xf32, #tpu.memory_space<vmem>>, vector<1x128xf32>
    %add3A_31 = vector.broadcast %get3A_30 : vector<1x128xf32> to vector<10000x128xf32>
    %add3A_32 = arith.addf %mul3A_27, %add3A_31 : vector<10000x128xf32>
    %max3A = arith.constant 0.000000e+00 : f32
    %max3A_33 = vector.broadcast %max3A : f32 to vector<10000x128xf32>
    %max3A_34 = arith.maximumf %add3A_32, %max3A_33 : vector<10000x128xf32>
    %get3A_35 = arith.constant 0 : index
    %get3A_36 = arith.constant 0 : index
    %get3A_37 = vector.load %arg4[%get3A_35, %get3A_36] : memref<128x128xf32, #tpu.memory_space<vmem>>, vector<128x128xf32>
    %dot_general3A = arith.constant dense<0.000000e+00> : vector<10000x128xf32>
    %dot_general3A_38 = tpu.matmul %max3A_34, %get3A_37, %dot_general3A {dimension_numbers = #tpu.dot_dimension_numbers<[1], [0], [0], [1], [0, 0, 1, 1], [], []>, transpose_lhs_hint = false} : vector<10000x128xf32>, vector<128x128xf32>, vector<10000x128xf32> -> vector<10000x128xf32>
    %mul3A_39 = vector.broadcast %slice3A : vector<10000x1xf32> to vector<10000x128xf32>
    %mul3A_40 = arith.mulf %dot_general3A_38, %mul3A_39 : vector<10000x128xf32>
    %swap3A = arith.constant 0 : index
    %swap3A_41 = arith.constant 0 : index
    %swap3A_42 = vector.load %arg5[%swap3A, %swap3A_41] : memref<10000x128xf32, #tpu.memory_space<vmem>>, vector<10000x128xf32>
    tpu.vector_store %arg5[%swap3A, %swap3A_41], %mul3A_40 {strides = array<i32>} : memref<10000x128xf32, #tpu.memory_space<vmem>>, vector<10000x128xf32>,
    return
  }
}

module attributes {stable_mosaic.version = 14 : i64} {
  func.func @_tc3_body(%arg0: memref<2x10000x128xf32, #tpu.memory_space<vmem>>, %arg1: memref<10000x128xf32, #tpu.memory_space<vmem>>, %arg2: memref<2x1x10112xf32, #tpu.memory_space<vmem>>, %arg3: memref<1x128xf32, #tpu.memory_space<vmem>>, %arg4: memref<10000x128xf32, #tpu.memory_space<vmem>>) attributes {dimension_semantics = [], scalar_prefetch = 0 : i64, scratch_operands = 0 : i64, tpu.core_type = #tpu.core_type<tc>} {
    %get3A = arith.constant 0 : index
    %get3A_0 = arith.constant 0 : index
    %get3A_1 = arith.constant 0 : index
    %get3A_2 = vector.load %arg2[%get3A, %get3A_0, %get3A_1] : memref<2x1x10112xf32, #tpu.memory_space<vmem>>, vector<1x1x10112xf32>
    %get3A_3 = vector.shape_cast %get3A_2 : vector<1x1x10112xf32> to vector<1x10112xf32>
    %get3A_4 = arith.constant 1 : index
    %get3A_5 = arith.constant 0 : index
    %get3A_6 = arith.constant 0 : index
    %get3A_7 = vector.load %arg2[%get3A_4, %get3A_5, %get3A_6] : memref<2x1x10112xf32, #tpu.memory_space<vmem>>, vector<1x1x10112xf32>
    %get3A_8 = vector.shape_cast %get3A_7 : vector<1x1x10112xf32> to vector<1x10112xf32>
    %add3A = arith.addf %get3A_3, %get3A_8 : vector<1x10112xf32>
    %add3A_9 = arith.constant 1.000000e+00 : f32
    %add3A_10 = vector.broadcast %add3A_9 : f32 to vector<1x10112xf32>
    %add3A_11 = arith.addf %add3A, %add3A_10 : vector<1x10112xf32>
    %rsqrt3A = math.rsqrt %add3A_11 : vector<1x10112xf32>
    %transpose3A = tpu.transpose %rsqrt3A, [1, 0] : vector<1x10112xf32> -> vector<10112x1xf32>
    %slice3A = vector.extract_strided_slice %transpose3A {offsets = [0, 0], sizes = [10000, 1], strides = [1, 1]} : vector<10112x1xf32> to vector<10000x1xf32>
    %get3A_12 = arith.constant 0 : index
    %get3A_13 = arith.constant 0 : index
    %get3A_14 = arith.constant 0 : index
    %get3A_15 = vector.load %arg0[%get3A_12, %get3A_13, %get3A_14] : memref<2x10000x128xf32, #tpu.memory_space<vmem>>, vector<1x10000x128xf32>
    %get3A_16 = vector.shape_cast %get3A_15 : vector<1x10000x128xf32> to vector<10000x128xf32>
    %get3A_17 = arith.constant 1 : index
    %get3A_18 = arith.constant 0 : index
    %get3A_19 = arith.constant 0 : index
    %get3A_20 = vector.load %arg0[%get3A_17, %get3A_18, %get3A_19] : memref<2x10000x128xf32, #tpu.memory_space<vmem>>, vector<1x10000x128xf32>
    %get3A_21 = vector.shape_cast %get3A_20 : vector<1x10000x128xf32> to vector<10000x128xf32>
    %add3A_22 = arith.addf %get3A_16, %get3A_21 : vector<10000x128xf32>
    %get3A_23 = arith.constant 0 : index
    %get3A_24 = arith.constant 0 : index
    %get3A_25 = vector.load %arg1[%get3A_23, %get3A_24] : memref<10000x128xf32, #tpu.memory_space<vmem>>, vector<10000x128xf32>
    %add3A_26 = arith.addf %add3A_22, %get3A_25 : vector<10000x128xf32>
    %mul3A = vector.broadcast %slice3A : vector<10000x1xf32> to vector<10000x128xf32>
    %mul3A_27 = arith.mulf %add3A_26, %mul3A : vector<10000x128xf32>
    %get3A_28 = arith.constant 0 : index
    %get3A_29 = arith.constant 0 : index
    %get3A_30 = vector.load %arg3[%get3A_28, %get3A_29] : memref<1x128xf32, #tpu.memory_space<vmem>>, vector<1x128xf32>
    %add3A_31 = vector.broadcast %get3A_30 : vector<1x128xf32> to vector<10000x128xf32>
    %add3A_32 = arith.addf %mul3A_27, %add3A_31 : vector<10000x128xf32>
    %swap3A = arith.constant 0 : index
    %swap3A_33 = arith.constant 0 : index
    %swap3A_34 = vector.load %arg4[%swap3A, %swap3A_33] : memref<10000x128xf32, #tpu.memory_space<vmem>>, vector<10000x128xf32>
    tpu.vector_store %arg4[%swap3A, %swap3A_33], %add3A_32 {strides = array<i32>} : memref<10000x128xf32, #tpu.memory_space<vmem>>, vector<10000x128xf32>,
    return
  }
}

</mosaic_0001>

<sc_bundles>
// kernel: kernel.11.cloned.1.call-start
scs
__scs_entry_jumppad:
0x0: {  	(pc) =	sbr.rel $0x88, $3  }
0x1: {  	(tag) =	ssettag $0x0;
	lr =	simm.s32 $0x1  }
0x2: {  	[smem:$0x3F9B] =	sst lr;
	_ =	strace $0xD0000000  }
0x3: {  	_ = 	snop  }
0x4: {  	_ = 	snop  }
0x5: {  	_ = 	snop  }
0x6: {  	_ = 	snop  }
0x7: {  	_ = 	snop  }
__scs_overlays_trampoline_lowered:
0x8: {  	[smem:$0x3FAA] =	sst s0  }
0x9: {  	[smem:$0x3FAB] =	sst s1  }
0xa: {  	[smem:$0x3FAC] =	sst s2  }
0xb: {  	[smem:$0x3FAD] =	sst s3  }
0xc: {  	[smem:$0x3FAE] =	sst s4  }
0xd: {  	[smem:$0x3FAF] =	sst s5  }
0xe: {  	[smem:$0x3FB0] =	sst s6  }
0xf: {  	[smem:$0x3FB1] =	sst s7  }
0x10: {  	[smem:$0x3FB2] =	sst s8  }
0x11: {  	[smem:$0x3FB3] =	sst s9;
	s0 =	simm.s32 @!p0 $0x0  }
0x12: {  	s1 =	sld [smem:$0x3F99];
	s0 =	simm.s32 @p0 $0x1  }
0x13: {  	[smem:$0x3FB4] =	sst s0;
	s0 =	simm.s32 @!p1 $0x0  }
0x14: {  	s2 =	sld [smem:$0x3F98];
	s0 =	simm.s32 @p1 $0x1  }
0x15: {  	[smem:$0x3FB5] =	sst s0;
	s0 =	simm.s32 @!p2 $0x0  }
0x16: {  	s3 =	sld [smem:$0x3FDB];
	s0 =	simm.s32 @p2 $0x1  }
0x17: {  	s4 =	simm.s32 $0x1BF5;
	[smem:$0x3FB7] =	sst s0  }
0x18: {  	s0 =	sld [smem:$0x3F9A];
	_ =	swait.ge [sflag:s4], $0x0  }
0x19: {  	s7 =	sld [smem:$0x3F9B]  }
0x1a: {  	s8 =	sadd.s32 $0xFFFFE003, lr  }
0x1b: {  	s9 =	sadd.s32 $0xFFFFFEF7, lr;
	s5 =	simm.s32 $0xFFFFFFFF;
	p2 =	slt.u32 s8, $0xFFFFF086  }
0x1c: {  	p1 =	slt.u32 s9, $0xF7A;
	s5 =	simm.s32 @!p2 $0x0  }
0x1d: {  	s5 =	simm.s32 @p1 $0x1;
	p0 =	seq.s32 s7, s2  }
0x1e: {  	s7 =	smul.u32 @!p0 $0xF7A, s2;
	p2 =	seq.s32 @!p0 s5, $0x0  }
0x1f: {  	s9 =	smul.u32 $0xF7A, s1;
	s8 =	simm.s32 @!p0 $0x1BF5;
	p2 =	por !p2, p0  }
0x20: {  	[sflag:s8] =	ssyncset.s32 @!p0 $0xFFFFF086;
	s6 =	sadd.s32 @!p0 s3, s7;
	s7 =	simm.s32 @!p0 $0x108  }
0x21: {  	s3 =	sadd.s32 s3, s9;
	s6 =	sadd.s32 @!p0 $0x88, s6;
	s7 =	simm.s32 @p2 $0x1082  }
0x22: {  	[simem:s7], [sflag:s8] =	dma.local @!p0 [hbm:s6], $0xF7A  }
0x23: {  	s9 =	sor.u32 $0xD0000000, s2;
	s6 =	simm.s32 $0x108;
	_ =	swait.ge @!p0 [sflag:s8], $0x0  }
0x24: {  	s3 =	sadd.s32 $0x88, s3;
	s6 =	simm.s32 @!p1 $0x1082;
	[sflag:s4] =	ssyncset.s32 $0xFFFFF086  }
0x25: {  	[simem:s6], [sflag:s4] =	dma.local [hbm:s3], $0xF7A  }
0x26: {  	[smem:$0x3F9B] =	sst s1;
	(tag) =	ssettag s2;
	_ =	strace s9  }
0x27: {  	s1 =	sld [smem:$0x3FAB]  }
0x28: {  	s2 =	sld [smem:$0x3FAC]  }
0x29: {  	s4 =	sld [smem:$0x3FAE]  }
0x2a: {  	p0 =	seq.s32 s5, $0x0;
	s5 =	sld [smem:$0x3FAF]  }
0x2b: {  	s6 =	sld [smem:$0x3FB0]  }
0x2c: {  	s7 =	sld [smem:$0x3FB1]  }
0x2d: {  	s3 =	simm.s32 $0x108;
	s8 =	sld [smem:$0x3FB2]  }
0x2e: {  	s3 =	simm.s32 @!p0 $0x1082;
	s9 =	sld [smem:$0x3FB3]  }
0x2f: {  	lr =	sadd.s32 s0, s3;
	s0 =	sld [smem:$0x3FAA]  }
0x30: {  	s3 =	sld [smem:$0x3FAD]  }
0x31: {  	[smem:$0x3FB6] =	sst s10  }
0x32: {  	s10 =	sld [smem:$0x3FB4];
	_ =	sdelay $0x3  }
0x33: {  	p0 =	seq.s32 s10, $0x1;
	s10 =	sld [smem:$0x3FB6];
	_ =	sdelay $0x3  }
0x34: {  	[smem:$0x3FB6] =	sst s10  }
0x35: {  	s10 =	sld [smem:$0x3FB5];
	_ =	sdelay $0x3  }
0x36: {  	p1 =	seq.s32 s10, $0x1;
	s10 =	sld [smem:$0x3FB6];
	_ =	sdelay $0x3  }
0x37: {  	[smem:$0x3FB6] =	sst s10  }
0x38: {  	s10 =	sld [smem:$0x3FB7]  }
0x39: {  	_ = 	snop;
	(pc) =	sbr.ind lr, $3  }
0x3a: {  	_ = 	snop  }
0x3b: {  	_ = 	snop  }
0x3c: {  	p2 =	seq.s32 s10, $0x1;
	s10 =	sld [smem:$0x3FB6]  }
0x3d: {  	_ =	shalt  }
0x3e: {  	_ =	shalt  }
0x3f: {  	_ =	shalt  }
0x40: {  	_ =	shalt  }
0x41: {  	_ =	shalt  }
0x42: {  	_ =	shalt  }
0x43: {  	_ =	shalt  }
0x44: {  	_ =	shalt  }
0x45: {  	_ =	shalt  }
0x46: {  	_ =	shalt  }
0x47: {  	_ =	shalt  }
0x48: {  	_ =	shalt  }
0x49: {  	_ =	shalt  }
0x4a: {  	_ =	shalt  }
0x4b: {  	_ =	shalt  }
0x4c: {  	_ =	shalt  }
0x4d: {  	_ =	shalt  }
0x4e: {  	_ =	shalt  }
0x4f: {  	_ =	shalt  }
0x50: {  	_ =	shalt  }
0x51: {  	_ =	shalt  }
0x52: {  	_ =	shalt  }
0x53: {  	_ =	shalt  }
0x54: {  	_ =	shalt  }
0x55: {  	_ =	shalt  }
0x56: {  	_ =	shalt  }
0x57: {  	_ =	shalt  }
0x58: {  	_ =	shalt  }
0x59: {  	_ =	shalt  }
0x5a: {  	_ =	shalt  }
0x5b: {  	_ =	shalt  }
0x5c: {  	_ =	shalt  }
0x5d: {  	_ =	shalt  }
0x5e: {  	_ =	shalt  }
0x5f: {  	_ =	shalt  }
0x60: {  	_ =	shalt  }
0x61: {  	_ =	shalt  }
0x62: {  	_ =	shalt  }
0x63: {  	_ =	shalt  }
0x64: {  	_ =	shalt  }
0x65: {  	_ =	shalt  }
0x66: {  	_ =	shalt  }
0x67: {  	_ =	shalt  }
0x68: {  	_ =	shalt  }
0x69: {  	_ =	shalt  }
0x6a: {  	_ =	shalt  }
0x6b: {  	_ =	shalt  }
0x6c: {  	_ =	shalt  }
0x6d: {  	_ =	shalt  }
0x6e: {  	_ =	shalt  }
0x6f: {  	_ =	shalt  }
0x70: {  	_ =	shalt  }
0x71: {  	_ =	shalt  }
0x72: {  	_ =	shalt  }
0x73: {  	_ =	shalt  }
0x74: {  	_ =	shalt  }
0x75: {  	_ =	shalt  }
0x76: {  	_ =	shalt  }
0x77: {  	_ =	shalt  }
0x78: {  	_ =	shalt  }
0x79: {  	_ =	shalt  }
0x7a: {  	_ =	shalt  }
0x7b: {  	_ =	shalt  }
0x7c: {  	_ =	shalt  }
0x7d: {  	_ =	shalt  }
0x7e: {  	_ =	shalt  }
0x7f: {  	_ =	shalt  }
0x80: {  	_ =	shalt  }
0x81: {  	_ =	shalt  }
0x82: {  	_ =	shalt  }
0x83: {  	_ =	shalt  }
0x84: {  	_ =	shalt  }
0x85: {  	_ =	shalt  }
0x86: {  	_ =	shalt  }
0x87: {  	_ =	shalt  }
.Lfunc_end0:
.L_simem_size_0:
called_computation.1_lowered:
.L_overlay_start_0:
0x88: {  	s2 =	sld [smem:$0x3FD9]  }
0x89: {  	s3 =	sld [smem:$0x3FFE];
	_ =	sdelay $0x1  }
0x8a: {  	s1 =	srdreg.scid  }
0x8b: {  	s0 =	sand.u32 $0x1, s1  }
0x8c: {  	s17 =	sshll.u32 s0, $0xA;
	s2 =	sadd.s32 s3, s2  }
0x8d: {  	s2 =	sadd.s32 s2, s17  }
0x8e: {  	[smem:$0x3FC2] =	sst s2  }
0x8f: {  	_ = 	snop  }
0x90: {  	s2 =	sld [smem:$0x3FD0];
	(tm) =	ssettm $0x1  }
0x91: {  	s18 =	sld [smem:$0x3FFB];
	_ =	sdelay $0x3  }
0x92: {  	_ =	strace s18  }
0x93: {  	s3 =	sld [smem:$0x3FFC];
	_ =	sdelay $0x3  }
0x94: {  	_ =	strace s3  }
0x95: {  	s3 =	sld [smem:$0x3FFD];
	_ =	sdelay $0x3  }
0x96: {  	_ =	strace s3  }
0x97: {  	_ =	strace $0x8FFFFFFF  }
0x98: {  	s19 =	sld [smem:$0x3FDB];
	_ =	sdelay $0x1  }
0x99: {  	s4 =	simm.s32 $_scs_section_size  }
0x9a: {  	s5 =	simm.s32 $_size__tile_overlayer_lowered;
	s6 =	simm.s32 $_tile_overlayer_lowered  }
0x9b: {  	s22 =	simm.s32 $0x1BFF;
	s21 =	sshll.u32 s6, $0x1;
	s3 =	sadd.s32 s4, s19  }
0x9c: {  	s7 =	simm.s32 $0x0;
	s20 =	sshll.u32 s5, $0x1;
	s5 =	sadd.s32 s21, s3  }
0x9d: {  	[timem:s7], [sflag:s22] =	dma.local [hbm:s5], s20  }
0x9e: {  	_ =	swait.ge [sflag:s22], s20  }
0x9f: {  	s4 =	ssub.s32 $0x0, s20;
	[sflag:s22] =	ssyncset.done $0x0  }
0xa0: {  	[sflag:s22] =	ssyncadd.s32 s4;
	_ =	sdelay $0x1  }
0xa1: {  	s23 =	simm.s32 $0x1B8B  }
0xa2: {  	_ =	swait.ge [sflag:s23], $0x1  }
0xa3: {  	[sflag:s23] =	ssyncset.done $0x0  }
0xa4: {  	s25 =	simm.s32 $0x1B8E;
	s24 =	sld [smem:$0x3FFE];
	[sflag:s23] =	ssyncadd.s32 $0xFFFFFFFF  }
0xa5: {  	s26 =	simm.s32 $execute0_lowered;
	[smem:$0x3FD2] =	sst s25  }
0xa6: {  	s5 =	sshll.u32 s26, $0x1;
	_ =	strace $0x80000049;
	[dreg:$0x1] =	wrdreg $0xFFFFFFFF  }
0xa7: {  	s28 =	simm.s32 $_size_execute0_lowered;
	s3 =	sadd.s32 s3, s5;
	[dreg:$0x0] =	wrdreg $0x0  }
0xa8: {  	s5 =	sshll.u32 s28, $0x1;
	[dreg:$0x2] =	wrdreg s3  }
0xa9: {  	[dreg:$0x3] =	wrdreg s5  }
0xaa: {  	[dreg:$0x4] =	wrdreg $0xC0  }
0xab: {  	_ =	task [dreg:s7], $0x5FFFF  }
0xac: {  	[dreg:$0x1] =	wrdreg $0xFFFFFFFF  }
0xad: {  	[dreg:$0x0] =	wrdreg $0x60  }
0xae: {  	[dreg:$0x2] =	wrdreg s2  }
0xaf: {  	[dreg:$0x3] =	wrdreg s24  }
0xb0: {  	[dreg:$0x4] =	wrdreg $0xEC400  }
0xb1: {  	[dreg:$0x5] =	wrdreg $0x9  }
0xb2: {  	_ =	task.clear_ibuf [dreg:s7], $0x6FFFF;
	_ =	strace $0x90000049  }
0xb3: {  	s29 =	simm.s32 $0x9;
	_ =	strace $0x8000004B  }
0xb4: {  	_ =	swait.ge [sflag:s29], $0x1  }
0xb5: {  	[sflag:s29] =	ssyncadd.s32 $0xFFFFFFFF  }
0xb6: {  	_ =	strace $0x9000004B  }
0xb7: {  	_ =	sfence  }
0xb8: {  	s30 =	sld [smem:$0x0];
	_ =	sdelay $0x2  }
0xb9: {  	s31 =	sshll.u32 s1, $0xD;
	s1 =	sshrl.u32 s1, $0x2  }
0xba: {  	s3 =	sand.u32 $0x4000, s31;
	s1 =	sadd.s32 s1, s30  }
0xbb: {  	s0 =	sor.u32 s3, s0;
	s1 =	sshll.u32 s1, $0x11  }
0xbc: {  	s0 =	sor.u32 s1, s0  }
0xbd: {  	s0 =	sadd.s32 $0x8F2B, s0  }
0xbe: {  	[sflag:s0] =	ssyncadd.remote.s32 $0x1  }
0xbf: {  	_ =	sfence.sel $0xFFFF  }
0xc0: {  	[dreg:$0x0] =	wrdreg $0xFFFFFFFF;
	(pc) =	sbr.abs _section_cstart, $3  }
0xc1: {  	[dreg:$0x1] =	wrdreg $0xFFFFFFFF  }
0xc2: {  	_ =	task.clear_ibuf [dreg:s7], $0x2FFFF;
	_ =	strace $0x9FFFFFFF  }
0xc3: {  	(tm) =	ssettm $0x7FFFFFFF  }
tec
execute0_lowered:
.L_overlay_start_1:
0x0: {  	(tag) =	ssettag $0x1  }
0x1: {  	s1 =	rddreg [dreg:$0x0]  }
0x2: {  	s0 =	srdreg.scid;
	s2 =	rddreg [dreg:$0x1]  }
0x3: {  	s12 =	stileid.u32;
	s3 =	rddreg [dreg:$0x2]  }
0x4: {  	s16 =	simm.s32 $0x9;
	s17 =	simm.s32 $0x2710;
	s19 =	simm.s32 $0x50  }
0x5: {  	s28 =	simm.s32 $0xD840;
	s29 =	simm.s32 $0x2;
	s6 =	smul.u32 $0x9E00, s12  }
0x6: {  	s31 =	simm.s32 $0x5;
	s0 =	sand.u32 $0x1, s0;
	s22 =	smul.u32 $0x13C00, s12  }
0x7: {  	s10 =	sadd.s32 $0x2A400, s2;
	s23 =	smul.u32 $0x27800, s12;
	p0 =	seq.s32 s12, $0xF  }
0x8: {  	s4 =	sshll.u32 s0, $0x4;
	s8 =	ssub.s32 $0x2, s0;
	s0 =	smul.u32 $0x138800, s0  }
0x9: {  	s5 =	sor.u32 s12, s4;
	s4 =	simm.s32 $0x0;
	s7 =	sshrl.u32 s6, $0x3  }
0xa: {  	s9 =	sshrl.u32 s8, $0x1;
	s21 =	sadd.s32 s6, s3;
	s6 =	sadd.s32 $0x94200, s3  }
0xb: {  	s25 =	sshrl.u32 s23, $0x2;
	s23 =	simm.s32 $0xB040;
	s5 =	smul.u32 $0x4E2, s5  }
0xc: {  	[smem:$0x7FF] =	sst s4;
	s7 =	sadd.s32 s7, s2;
	s11 =	ssub.s32 s8, s9  }
0xd: {  	s9 =	sadd.s32 $0x29240, s2;
	s24 =	sadd.s32 s22, s0;
	s0 =	sshrl.u32 s0, $0x3  }
0xe: {  	s18 =	sshrl.u32 @p0 s6, $0x3;
	s6 =	simm.s32 $0x8;
	_ =	strace $0x8000004A  }
0xf: {  	[dreg:$0x6] =	wrdreg s21;
	s8 =	sadd.s32 $0x16A00, s7;
	s0 =	sadd.s32 s10, s0  }
0x10: {  	s30 =	smax.u32 s11, $0x1;
	s21 =	simm.s32 $0x9C40;
	s7 =	simm.s32 $0x0  }
0x11: {  	s5 =	sadd.s32 s5, s2;
	s26 =	sadd.s32 $0x25080, s0;
	[dreg:$0xc] =	wrdreg s30  }
0x12: {  	s2 =	sshrl.u32 s24, $0x3;
	s0 =	sadd.s32 $0x25088, s0;
	[dreg:$0x9] =	wrdreg s26  }
0x13: {  	s24 =	simm.s32 $0x6;
	s20 =	sadd.s32 $0x2E00, s5;
	[dreg:$0xb] =	wrdreg s0  }
0x14: {  	s5 =	sadd.s32 $0xCC00, s5;
	s2 =	sadd.s32 s10, s2;
	[dreg:$0x4] =	wrdreg s20  }
0x15: {  	s26 =	simm.s32 $0x2800;
	s0 =	simm.s32 $0x7;
	[dreg:$0x5] =	wrdreg s5  }
0x16: {  	s5 =	sadd.s32 s25, s3;
	[dreg:$0x7] =	wrdreg s2;
	s2 =	sadd.s32 $0x8, s2  }
0x17: {  	s25 =	simm.s32 $0xC440;
	s20 =	simm.s32 $0x3;
	[dreg:$0x8] =	wrdreg s5  }
0x18: {  	[dreg:$0xa] =	wrdreg s2;
	s2 =	simm.s32 $0x4;
	s5 =	simm.s32 $0x1  }
.LBB2_1:
0x19: {  	s10 =	rddreg [dreg:$0x4];
	s11 =	smul.u32 $0xCCCD, s4  }
0x1a: {  	[tilespmem:s4], [sflag:$0x9] =	stream.linear.gather [hbm4b:s10+s4], $0x2710, $0x38;
	[tilespmem:$0x18880] =	vst v63  }
0x1b: {  	_ =	swait.ge [sflag:s16], $0x2710  }
0x1c: {  	s11 =	sshrl.u32 s11, $0x12;
	[sflag:s16] =	ssyncset.done $0x0  }
0x1d: {  	s15 =	rddreg [dreg:$0x5];
	s13 =	smul.u32 $0x5, s11;
	[sflag:s16] =	ssyncadd.s32 $0xFFFFD8F0  }
0x1e: {  	[tilespmem:s17], [sflag:$0x9] =	stream.linear.gather [hbm4b:s15+s4], $0x2710, $0x38;
	[tilespmem:$0x18880] =	vst v63  }
0x1f: {  	s12 =	simm.s32 $0x1;
	s11 =	smul.u32 $0x50, s11;
	s13 =	ssub.s32 $0x0, s13  }
0x20: {  	s12 =	smul.u32 $0xCCCD, s12;
	_ =	swait.ge [sflag:s16], $0x2710;
	s13 =	sshll.u32 s13, $0x4  }
0x21: {  	[sflag:s16] =	ssyncset.done $0x0;
	s11 =	sadd.s32 s13, s11  }
0x22: {  	s12 =	sshrl.u32 s12, $0x12;
	[sflag:s16] =	ssyncadd.s32 $0xFFFFD8F0;
	s11 =	sand.u32 $0xFFF0, s11  }
0x23: {  	s22 =	smul.u32 $0x5, s12;
	v0 =	vld [tilespmem:s11+$0x0];
	_ =	sdelay $0x1  }
0x24: {  	s12 =	smul.u32 $0x50, s12;
	s14 =	ssub.s32 $0x1, s22;
	s13 =	simm.s32 $0x2  }
0x25: {  	s14 =	sshll.u32 s14, $0x4;
	s15 =	smul.u32 $0xCCCD, s13  }
0x26: {  	s12 =	sadd.s32 s14, s12  }
0x27: {  	s12 =	sand.u32 $0xFFF0, s12;
	s15 =	sshrl.u32 s15, $0x12;
	v1 =	vshll.u32 v0, $0x1  }
0x28: {  	s14 =	simm.s32 $0x3;
	s30 =	smul.u32 $0x5, s15;
	v0 =	vld [tilespmem:s12+$0x0];
	[tilespmem:s11+$0x4E20] =	vst v1;
	v1 =	vor.u32 $0x1, v1  }
.LBB2_2:
0x29: {  	s22 =	smul.u32 $0xCCCD, s14;
	[tilespmem:s11+$0x7530] =	vst v1;
	s10 =	smov.u32 s14;
	s11 =	smov.u32 s12  }
0x2a: {  	p1 =	sne.s32 s14, $0x270;
	s12 =	ssub.s32 s13, s30;
	s13 =	smul.u32 $0x50, s15  }
.Ltmp0:
0x2b: {  	(pc) =	sbr.rel @p1 .LBB2_2-.Ltmp0, $4  }
0x2c: {  	s14 =	sadd.s32 $0x1, s14;
	s12 =	sshll.u32 s12, $0x4  }
0x2d: {  	s12 =	sadd.s32 s12, s13;
	s13 =	smov.u32 s10  }
0x2e: {  	s15 =	sshrl.u32 s22, $0x12;
	s12 =	sand.u32 $0xFFF0, s12;
	v1 =	vshll.u32 v0, $0x1  }
0x2f: {  	s30 =	smul.u32 $0x5, s15;
	v0 =	vld [tilespmem:s12+$0x0];
	[tilespmem:s11+$0x4E20] =	vst v1;
	v1 =	vor.u32 $0x1, v1  }
0x30: {  	_ = 	snop  }
0x31: {  	s10 =	ssub.s32 s13, s30;
	s30 =	smul.u32 $0x50, s15  }
0x32: {  	s10 =	sshll.u32 s10, $0x4  }
0x33: {  	s10 =	sadd.s32 s10, s30  }
0x34: {  	[tilespmem:s11+$0x7530] =	vst v1;
	s10 =	sand.u32 $0xFFF0, s10  }
0x35: {  	v1 =	vld [tilespmem:s10+$0x0];
	_ =	sdelay $0x2  }
0x36: {  	v0 =	vshll.u32 v0, $0x1  }
0x37: {  	[tilespmem:s12+$0x4E20] =	vst v0;
	v0 =	vor.u32 $0x1, v0  }
0x38: {  	[tilespmem:s12+$0x7530] =	vst v0;
	v63 =	vshll.u32 v1, $0x1  }
0x39: {  	[tilespmem:s10+$0x4E20] =	vst v63;
	v0 =	vor.u32 $0x1, v63  }
0x3a: {  	[tilespmem:s10+$0x7530] =	vst v0;
	s10 =	simm.s32 @p0 $0x1FC9  }
0x3b: {  	[spmem:s18], [sflag:s10] =	dma.local @p0 [hbm:s9], $0x1040  }
0x3c: {  	s10 =	simm.s32 @p0 $0x9  }
0x3d: {  	_ =	swait.ge @p0 [sflag:s10], $0x1040  }
0x3e: {  	s11 =	stileid.u32;
	[sflag:s10] =	ssyncset.done @p0 $0x0  }
0x3f: {  	s11 =	sshll.u32 @!p0 s11, $0x6;
	[sflag:s10] =	ssyncadd.s32 @p0 $0xFFFFEFC0;
	s10 =	rddreg [dreg:$0x6]  }
0x40: {  	s11 =	sor.u32 @!p0 $0x1C09, s11;
	s12 =	sshrl.u32 @!p0 s10, $0x3;
	s10 =	simm.s32 @!p0 $0x9  }
0x41: {  	[spmem:s12], [sflag:s11] =	dma.local @!p0 [hbm:s8], $0x13C0  }
0x42: {  	_ =	swait.ge @!p0 [sflag:s10], $0x13C0  }
0x43: {  	[sflag:s10] =	ssyncset.done @!p0 $0x0  }
0x44: {  	s13 =	simm.s32 $0x4E20;
	[sflag:s10] =	ssyncadd.s32 @!p0 $0xFFFFEC40  }
0x45: {  	[tilespmem:s21], [sflag:$0x1] =	stream.indirect.gather [hbm4b:s1+s19], $0x40, s13, s19, $0xb8;
	[tilespmem:$0x18880] =	vst v63  }
0x46: {  	s14 =	simm.s32 $0x4E70  }
0x47: {  	[tilespmem:s23], [sflag:$0x2] =	stream.indirect.gather [hbm4b:s1+s19], $0x40, s14, s19, $0xb8;
	[tilespmem:$0x18880] =	vst v63  }
0x48: {  	s22 =	simm.s32 $0x1;
	s15 =	simm.s32 $0x4EC0;
	[bflag:$0x0] =	sbarrier.arrive $0xFFFF  }
0x49: {  	[tilespmem:s25], [sflag:$0x3] =	stream.indirect.gather [hbm4b:s1+s19], $0x40, s15, s19, $0xb8;
	[tilespmem:$0x18880] =	vst v63  }
0x4a: {  	_ =	swait.ge [sflag:s22], $0x1400  }
0x4b: {  	[sflag:s22] =	ssyncset.done $0x0  }
0x4c: {  	[sflag:s22] =	ssyncadd.s32 $0xFFFFEC00  }
0x4d: {  	[spmem:s3] =	stream.indirect.scatter.add.f32 [tilespmem:s21], [sflag:$0x5], $0x40, s17, s19, $0xb8;
	[tilespmem:$0x18880] =	vst v63  }
0x4e: {  	s30 =	simm.s32 $0x4F10  }
0x4f: {  	[tilespmem:s28], [sflag:$0x4] =	stream.indirect.gather [hbm4b:s1+s19], $0x40, s30, s19, $0xb8;
	[tilespmem:$0x18880] =	vst v63  }
0x50: {  	_ =	swait.ge [sflag:s29], $0x1400  }
0x51: {  	[sflag:s29] =	ssyncset.done $0x0  }
0x52: {  	s13 =	simm.s32 $0x2760;
	[sflag:s29] =	ssyncadd.s32 $0xFFFFEC00  }
0x53: {  	[spmem:s3] =	stream.indirect.scatter.add.f32 [tilespmem:s23], [sflag:$0x6], $0x40, s13, s19, $0xb8;
	[tilespmem:$0x18880] =	vst v63  }
0x54: {  	_ =	swait.ge [sflag:s31], $0x1400  }
0x55: {  	[sflag:s31] =	ssyncset.done $0x0  }
0x56: {  	s14 =	simm.s32 $0x4F60;
	[sflag:s31] =	ssyncadd.s32 $0xFFFFEC00  }
0x57: {  	[tilespmem:s21], [sflag:$0x1] =	stream.indirect.gather [hbm4b:s1+s19], $0x40, s14, s19, $0xb8;
	[tilespmem:$0x18880] =	vst v63  }
0x58: {  	_ =	swait.ge [sflag:s20], $0x1400  }
0x59: {  	[sflag:s20] =	ssyncset.done $0x0  }
0x5a: {  	s15 =	simm.s32 $0x27B0;
	[sflag:s20] =	ssyncadd.s32 $0xFFFFEC00  }
0x5b: {  	[spmem:s3] =	stream.indirect.scatter.add.f32 [tilespmem:s25], [sflag:$0x7], $0x40, s15, s19, $0xb8;
	[tilespmem:$0x18880] =	vst v63  }
0x5c: {  	_ =	swait.ge [sflag:s24], $0x1400  }
0x5d: {  	[sflag:s24] =	ssyncset.done $0x0  }
0x5e: {  	s22 =	simm.s32 $0x4FB0;
	[sflag:s24] =	ssyncadd.s32 $0xFFFFEC00  }
0x5f: {  	[tilespmem:s23], [sflag:$0x2] =	stream.indirect.gather [hbm4b:s1+s19], $0x40, s22, s19, $0xb8;
	[tilespmem:$0x18880] =	vst v63  }
0x60: {  	_ =	swait.ge [sflag:s2], $0x1400  }
0x61: {  	[sflag:s2] =	ssyncset.done $0x0  }
0x62: {  	[sflag:s2] =	ssyncadd.s32 $0xFFFFEC00  }
0x63: {  	[spmem:s3] =	stream.indirect.scatter.add.f32 [tilespmem:s28], [sflag:$0x8], $0x40, s26, s19, $0xb8;
	[tilespmem:$0x18880] =	vst v63  }
0x64: {  	_ =	swait.ge [sflag:s0], $0x1400  }
0x65: {  	[sflag:s0] =	ssyncset.done $0x0  }
0x66: {  	s30 =	simm.s32 $0x5000;
	[sflag:s0] =	ssyncadd.s32 $0xFFFFEC00  }
0x67: {  	[tilespmem:s25], [sflag:$0x3] =	stream.indirect.gather [hbm4b:s1+s19], $0x40, s30, s19, $0xb8;
	[tilespmem:$0x18880] =	vst v63  }
0x68: {  	_ =	swait.ge [sflag:s5], $0x1400  }
0x69: {  	[sflag:s5] =	ssyncset.done $0x0  }
0x6a: {  	s13 =	simm.s32 $0x2850;
	[sflag:s5] =	ssyncadd.s32 $0xFFFFEC00  }
0x6b: {  	[spmem:s3] =	stream.indirect.scatter.add.f32 [tilespmem:s21], [sflag:$0x5], $0x40, s13, s19, $0xb8;
	[tilespmem:$0x18880] =	vst v63  }
0x6c: {  	_ =	swait.ge [sflag:s6], $0x1400  }
0x6d: {  	[sflag:s6] =	ssyncset.done $0x0  }
0x6e: {  	s14 =	simm.s32 $0x5050;
	[sflag:s6] =	ssyncadd.s32 $0xFFFFEC00  }
0x6f: {  	[tilespmem:s28], [sflag:$0x4] =	stream.indirect.gather [hbm4b:s1+s19], $0x40, s14, s19, $0xb8;
	[tilespmem:$0x18880] =	vst v63  }
0x70: {  	_ =	swait.ge [sflag:s29], $0x1400  }
0x71: {  	[sflag:s29] =	ssyncset.done $0x0  }
0x72: {  	s15 =	simm.s32 $0x28A0;
	[sflag:s29] =	ssyncadd.s32 $0xFFFFEC00  }
0x73: {  	[spmem:s3] =	stream.indirect.scatter.add.f32 [tilespmem:s23], [sflag:$0x6], $0x40, s15, s19, $0xb8;
	[tilespmem:$0x18880] =	vst v63  }
0x74: {  	_ =	swait.ge [sflag:s31], $0x1400  }
0x75: {  	[sflag:s31] =	ssyncset.done $0x0  }
0x76: {  	s22 =	simm.s32 $0x50A0;
	[sflag:s31] =	ssyncadd.s32 $0xFFFFEC00  }
0x77: {  	[tilespmem:s21], [sflag:$0x1] =	stream.indirect.gather [hbm4b:s1+s19], $0x40, s22, s19, $0xb8;
	[tilespmem:$0x18880] =	vst v63  }
0x78: {  	_ =	swait.ge [sflag:s20], $0x1400  }
0x79: {  	[sflag:s20] =	ssyncset.done $0x0  }
0x7a: {  	s30 =	simm.s32 $0x28F0;
	[sflag:s20] =	ssyncadd.s32 $0xFFFFEC00  }
0x7b: {  	[spmem:s3] =	stream.indirect.scatter.add.f32 [tilespmem:s25], [sflag:$0x7], $0x40, s30, s19, $0xb8;
	[tilespmem:$0x18880] =	vst v63  }
0x7c: {  	p1 =	por $0x0, $0x0;
	_ =	swait.ge [sflag:s24], $0x1400  }
0x7d: {  	s10 =	simm.s32 @!p1 $0xB040;
	[sflag:s24] =	ssyncset.done $0x0  }
0x7e: {  	s13 =	simm.s32 @!p1 $0x50F0;
	s14 =	simm.s32 @!p1 $0x50;
	[sflag:s24] =	ssyncadd.s32 $0xFFFFEC00  }
0x7f: {  	[tilespmem:s10], [sflag:$0x2] =	stream.indirect.gather @!p1 [hbm4b:s1+s14], $0x40, s13, s14, $0xb8;
	[tilespmem:$0x18880] =	vst v63  }
0x80: {  	_ =	swait.ge [sflag:s2], $0x1400  }
0x81: {  	s15 =	simm.s32 $0x2940;
	[sflag:s2] =	ssyncset.done $0x0  }
0x82: {  	s13 =	simm.s32 $0x500;
	s14 =	simm.s32 $0x2;
	[sflag:s2] =	ssyncadd.s32 $0xFFFFEC00  }
.LBB2_4:
0x83: {  	[spmem:s3] =	stream.indirect.scatter.add.f32 [tilespmem:s28], [sflag:$0x8], $0x40, s15, s19, $0xb8;
	[tilespmem:$0x18880] =	vst v63  }
0x84: {  	s30 =	smov.u32 s13;
	s13 =	sadd.s32 $0x500, s13  }
0x85: {  	p1 =	sne.s32 s13, $0x9600;
	_ =	swait.ge [sflag:s0], $0x1400  }
0x86: {  	s15 =	sshra.s32 s30, $0x2;
	[sflag:s0] =	ssyncset.done $0x0  }
0x87: {  	s10 =	sadd.s32 $0x5000, s15;
	[sflag:s0] =	ssyncadd.s32 $0xFFFFEC00  }
0x88: {  	[tilespmem:s25], [sflag:$0x3] =	stream.indirect.gather [hbm4b:s1+s19], $0x40, s10, s19, $0xb8;
	[tilespmem:$0x18880] =	vst v63  }
0x89: {  	_ =	swait.ge [sflag:s5], $0x1400  }
0x8a: {  	[sflag:s5] =	ssyncset.done $0x0  }
0x8b: {  	s10 =	sadd.s32 $0x2850, s15;
	[sflag:s5] =	ssyncadd.s32 $0xFFFFEC00  }
0x8c: {  	[spmem:s3] =	stream.indirect.scatter.add.f32 [tilespmem:s21], [sflag:$0x5], $0x40, s10, s19, $0xb8;
	[tilespmem:$0x18880] =	vst v63  }
0x8d: {  	_ =	swait.ge [sflag:s6], $0x1400  }
0x8e: {  	[sflag:s6] =	ssyncset.done $0x0  }
0x8f: {  	s10 =	sadd.s32 $0x5050, s15;
	[sflag:s6] =	ssyncadd.s32 $0xFFFFEC00  }
0x90: {  	[tilespmem:s28], [sflag:$0x4] =	stream.indirect.gather [hbm4b:s1+s19], $0x40, s10, s19, $0xb8;
	[tilespmem:$0x18880] =	vst v63  }
0x91: {  	_ =	swait.ge [sflag:s29], $0x1400  }
0x92: {  	[sflag:s29] =	ssyncset.done $0x0  }
0x93: {  	s10 =	sadd.s32 $0x28A0, s15;
	[sflag:s29] =	ssyncadd.s32 $0xFFFFEC00  }
0x94: {  	[spmem:s3] =	stream.indirect.scatter.add.f32 [tilespmem:s23], [sflag:$0x6], $0x40, s10, s19, $0xb8;
	[tilespmem:$0x18880] =	vst v63  }
0x95: {  	_ =	swait.ge [sflag:s31], $0x1400  }
0x96: {  	[sflag:s31] =	ssyncset.done $0x0  }
0x97: {  	s10 =	sadd.s32 $0x50A0, s15;
	[sflag:s31] =	ssyncadd.s32 $0xFFFFEC00  }
0x98: {  	[tilespmem:s21], [sflag:$0x1] =	stream.indirect.gather [hbm4b:s1+s19], $0x40, s10, s19, $0xb8;
	[tilespmem:$0x18880] =	vst v63  }
0x99: {  	_ =	swait.ge [sflag:s20], $0x1400  }
0x9a: {  	[sflag:s20] =	ssyncset.done $0x0  }
0x9b: {  	p2 =	sgt.u32 s14, $0x1D;
	s10 =	sadd.s32 $0x28F0, s15;
	[sflag:s20] =	ssyncadd.s32 $0xFFFFEC00  }
0x9c: {  	[spmem:s3] =	stream.indirect.scatter.add.f32 [tilespmem:s25], [sflag:$0x7], $0x40, s10, s19, $0xb8;
	[tilespmem:$0x18880] =	vst v63  }
0x9d: {  	s22 =	simm.s32 @!p2 $0xB040;
	_ =	swait.ge [sflag:s24], $0x1400  }
0x9e: {  	s10 =	sshra.s32 @!p2 s30, $0x2;
	s30 =	simm.s32 @!p2 $0x50;
	[sflag:s24] =	ssyncset.done $0x0  }
.Ltmp1:
0x9f: {  	s10 =	sadd.s32 @!p2 $0x50F0, s10;
	[sflag:s24] =	ssyncadd.s32 $0xFFFFEC00;
	(pc) =	sbr.rel @p1 .LBB2_4-.Ltmp1, $4  }
0xa0: {  	[tilespmem:s22], [sflag:$0x2] =	stream.indirect.gather @!p2 [hbm4b:s1+s30], $0x40, s10, s30, $0xb8;
	[tilespmem:$0x18880] =	vst v63  }
0xa1: {  	_ =	swait.ge [sflag:s2], $0x1400  }
0xa2: {  	[sflag:s2] =	ssyncset.done $0x0  }
0xa3: {  	s14 =	sadd.s32 $0x1, s14;
	s15 =	sadd.s32 $0x2940, s15;
	[sflag:s2] =	ssyncadd.s32 $0xFFFFEC00  }
0xa4: {  	[spmem:s3] =	stream.indirect.scatter.add.f32 [tilespmem:s28], [sflag:$0x8], $0x40, s15, s19, $0xb8;
	[tilespmem:$0x18880] =	vst v63  }
0xa5: {  	_ =	swait.ge [sflag:s0], $0x1400  }
0xa6: {  	[sflag:s0] =	ssyncset.done $0x0  }
0xa7: {  	[sflag:s0] =	ssyncadd.s32 $0xFFFFEC00  }
0xa8: {  	_ =	swait.ge [sflag:s5], $0x1400  }
0xa9: {  	s10 =	sshra.s32 s13, $0x2;
	[sflag:s5] =	ssyncset.done $0x0  }
0xaa: {  	s10 =	sadd.s32 $0x2850, s10;
	[sflag:s5] =	ssyncadd.s32 $0xFFFFEC00  }
0xab: {  	[spmem:s3] =	stream.indirect.scatter.add.f32 [tilespmem:s21], [sflag:$0x5], $0x40, s10, s19, $0xb8;
	[tilespmem:$0x18880] =	vst v63  }
0xac: {  	_ =	swait.ge [sflag:s6], $0x1400  }
0xad: {  	[sflag:s6] =	ssyncset.done $0x0  }
0xae: {  	[sflag:s6] =	ssyncadd.s32 $0xFFFFEC00  }
0xaf: {  	_ =	swait.ge [sflag:s31], $0x1400  }
0xb0: {  	[sflag:s31] =	ssyncset.done $0x0  }
0xb1: {  	[sflag:s31] =	ssyncadd.s32 $0xFFFFEC00  }
0xb2: {  	s13 =	simm.s32 @p0 $0x10;
	s14 =	simm.s32 @p0 $0x8;
	[bflag:$0x0] =	sbarrier.arrive $0xFFFF  }
0xb3: {  	s15 =	simm.s32 @p0 $0x1FC9;
	s10 =	simm.s32 @p0 $0x1;
	s22 =	rddreg [dreg:$0x9]  }
0xb4: {  	[hbm:s22@s13], [sflag:s15] =	dma.strided @p0 [spmem:s18@s14], $0x1040, s10, $0x8   }
0xb5: {  	s10 =	simm.s32 @p0 $0x9  }
0xb6: {  	_ =	swait.ge @p0 [sflag:s10], $0x1040  }
0xb7: {  	[sflag:s10] =	ssyncset.done @p0 $0x0  }
0xb8: {  	[sflag:s10] =	ssyncadd.s32 @p0 $0xFFFFEFC0  }
0xb9: {  	[spmem:s18], [sflag:s15] =	dma.local @p0 [hbm:s9], $0x1040  }
0xba: {  	_ =	swait.ge @p0 [sflag:s10], $0x1040  }
0xbb: {  	s14 =	simm.s32 @!p0 $0x10;
	[sflag:s10] =	ssyncset.done @p0 $0x0  }
0xbc: {  	s15 =	simm.s32 @!p0 $0x8;
	[sflag:s10] =	ssyncadd.s32 @p0 $0xFFFFEFC0;
	s10 =	rddreg [dreg:$0x8]  }
0xbd: {  	s22 =	rddreg [dreg:$0x7];
	s13 =	sshrl.u32 @!p0 s10, $0x3;
	s10 =	simm.s32 @!p0 $0x1  }
0xbe: {  	[hbm:s22@s14], [sflag:s11] =	dma.strided @!p0 [spmem:s13@s15], $0x13C0, s10, $0x8   }
0xbf: {  	s10 =	simm.s32 @!p0 $0x9  }
0xc0: {  	_ =	swait.ge @!p0 [sflag:s10], $0x13C0  }
0xc1: {  	[sflag:s10] =	ssyncset.done @!p0 $0x0  }
0xc2: {  	[sflag:s10] =	ssyncadd.s32 @!p0 $0xFFFFEC40  }
0xc3: {  	[spmem:s12], [sflag:s11] =	dma.local @!p0 [hbm:s8], $0x13C0  }
0xc4: {  	_ =	swait.ge @!p0 [sflag:s10], $0x13C0  }
0xc5: {  	[sflag:s10] =	ssyncset.done @!p0 $0x0  }
0xc6: {  	s12 =	simm.s32 $0x7530;
	[sflag:s10] =	ssyncadd.s32 @!p0 $0xFFFFEC40  }
0xc7: {  	[tilespmem:s21], [sflag:$0x1] =	stream.indirect.gather [hbm4b:s1+s19], $0x40, s12, s19, $0xb8;
	[tilespmem:$0x18880] =	vst v63  }
0xc8: {  	s14 =	simm.s32 $0x7580  }
0xc9: {  	[tilespmem:s23], [sflag:$0x2] =	stream.indirect.gather [hbm4b:s1+s19], $0x40, s14, s19, $0xb8;
	[tilespmem:$0x18880] =	vst v63  }
0xca: {  	s15 =	simm.s32 $0x75D0;
	s22 =	simm.s32 $0x1;
	[bflag:$0x0] =	sbarrier.arrive $0xFFFF  }
0xcb: {  	[tilespmem:s25], [sflag:$0x3] =	stream.indirect.gather [hbm4b:s1+s19], $0x40, s15, s19, $0xb8;
	[tilespmem:$0x18880] =	vst v63  }
0xcc: {  	_ =	swait.ge [sflag:s22], $0x1400  }
0xcd: {  	[sflag:s22] =	ssyncset.done $0x0  }
0xce: {  	[sflag:s22] =	ssyncadd.s32 $0xFFFFEC00  }
0xcf: {  	[spmem:s3] =	stream.indirect.scatter.add.f32 [tilespmem:s21], [sflag:$0x5], $0x40, s17, s19, $0xb8;
	[tilespmem:$0x18880] =	vst v63  }
0xd0: {  	s30 =	simm.s32 $0x7620  }
0xd1: {  	[tilespmem:s28], [sflag:$0x4] =	stream.indirect.gather [hbm4b:s1+s19], $0x40, s30, s19, $0xb8;
	[tilespmem:$0x18880] =	vst v63  }
0xd2: {  	_ =	swait.ge [sflag:s29], $0x1400  }
0xd3: {  	[sflag:s29] =	ssyncset.done $0x0  }
0xd4: {  	s12 =	simm.s32 $0x2760;
	[sflag:s29] =	ssyncadd.s32 $0xFFFFEC00  }
0xd5: {  	[spmem:s3] =	stream.indirect.scatter.add.f32 [tilespmem:s23], [sflag:$0x6], $0x40, s12, s19, $0xb8;
	[tilespmem:$0x18880] =	vst v63  }
0xd6: {  	_ =	swait.ge [sflag:s31], $0x1400  }
0xd7: {  	[sflag:s31] =	ssyncset.done $0x0  }
0xd8: {  	s14 =	simm.s32 $0x7670;
	[sflag:s31] =	ssyncadd.s32 $0xFFFFEC00  }
0xd9: {  	[tilespmem:s21], [sflag:$0x1] =	stream.indirect.gather [hbm4b:s1+s19], $0x40, s14, s19, $0xb8;
	[tilespmem:$0x18880] =	vst v63  }
0xda: {  	_ =	swait.ge [sflag:s20], $0x1400  }
0xdb: {  	[sflag:s20] =	ssyncset.done $0x0  }
0xdc: {  	s15 =	simm.s32 $0x27B0;
	[sflag:s20] =	ssyncadd.s32 $0xFFFFEC00  }
0xdd: {  	[spmem:s3] =	stream.indirect.scatter.add.f32 [tilespmem:s25], [sflag:$0x7], $0x40, s15, s19, $0xb8;
	[tilespmem:$0x18880] =	vst v63  }
0xde: {  	_ =	swait.ge [sflag:s24], $0x1400  }
0xdf: {  	[sflag:s24] =	ssyncset.done $0x0  }
0xe0: {  	s22 =	simm.s32 $0x76C0;
	[sflag:s24] =	ssyncadd.s32 $0xFFFFEC00  }
0xe1: {  	[tilespmem:s23], [sflag:$0x2] =	stream.indirect.gather [hbm4b:s1+s19], $0x40, s22, s19, $0xb8;
	[tilespmem:$0x18880] =	vst v63  }
0xe2: {  	_ =	swait.ge [sflag:s2], $0x1400  }
0xe3: {  	[sflag:s2] =	ssyncset.done $0x0  }
0xe4: {  	[sflag:s2] =	ssyncadd.s32 $0xFFFFEC00  }
0xe5: {  	[spmem:s3] =	stream.indirect.scatter.add.f32 [tilespmem:s28], [sflag:$0x8], $0x40, s26, s19, $0xb8;
	[tilespmem:$0x18880] =	vst v63  }
0xe6: {  	_ =	swait.ge [sflag:s0], $0x1400  }
0xe7: {  	[sflag:s0] =	ssyncset.done $0x0  }
0xe8: {  	s30 =	simm.s32 $0x7710;
	[sflag:s0] =	ssyncadd.s32 $0xFFFFEC00  }
0xe9: {  	[tilespmem:s25], [sflag:$0x3] =	stream.indirect.gather [hbm4b:s1+s19], $0x40, s30, s19, $0xb8;
	[tilespmem:$0x18880] =	vst v63  }
0xea: {  	_ =	swait.ge [sflag:s5], $0x1400  }
0xeb: {  	[sflag:s5] =	ssyncset.done $0x0  }
0xec: {  	s12 =	simm.s32 $0x2850;
	[sflag:s5] =	ssyncadd.s32 $0xFFFFEC00  }
0xed: {  	[spmem:s3] =	stream.indirect.scatter.add.f32 [tilespmem:s21], [sflag:$0x5], $0x40, s12, s19, $0xb8;
	[tilespmem:$0x18880] =	vst v63  }
0xee: {  	_ =	swait.ge [sflag:s6], $0x1400  }
0xef: {  	[sflag:s6] =	ssyncset.done $0x0  }
0xf0: {  	s14 =	simm.s32 $0x7760;
	[sflag:s6] =	ssyncadd.s32 $0xFFFFEC00  }
0xf1: {  	[tilespmem:s28], [sflag:$0x4] =	stream.indirect.gather [hbm4b:s1+s19], $0x40, s14, s19, $0xb8;
	[tilespmem:$0x18880] =	vst v63  }
0xf2: {  	_ =	swait.ge [sflag:s29], $0x1400  }
0xf3: {  	[sflag:s29] =	ssyncset.done $0x0  }
0xf4: {  	s15 =	simm.s32 $0x28A0;
	[sflag:s29] =	ssyncadd.s32 $0xFFFFEC00  }
0xf5: {  	[spmem:s3] =	stream.indirect.scatter.add.f32 [tilespmem:s23], [sflag:$0x6], $0x40, s15, s19, $0xb8;
	[tilespmem:$0x18880] =	vst v63  }
0xf6: {  	_ =	swait.ge [sflag:s31], $0x1400  }
0xf7: {  	[sflag:s31] =	ssyncset.done $0x0  }
0xf8: {  	s22 =	simm.s32 $0x77B0;
	[sflag:s31] =	ssyncadd.s32 $0xFFFFEC00  }
0xf9: {  	[tilespmem:s21], [sflag:$0x1] =	stream.indirect.gather [hbm4b:s1+s19], $0x40, s22, s19, $0xb8;
	[tilespmem:$0x18880] =	vst v63  }
0xfa: {  	_ =	swait.ge [sflag:s20], $0x1400  }
0xfb: {  	[sflag:s20] =	ssyncset.done $0x0  }
0xfc: {  	s30 =	simm.s32 $0x28F0;
	[sflag:s20] =	ssyncadd.s32 $0xFFFFEC00  }
0xfd: {  	[spmem:s3] =	stream.indirect.scatter.add.f32 [tilespmem:s25], [sflag:$0x7], $0x40, s30, s19, $0xb8;
	[tilespmem:$0x18880] =	vst v63  }
0xfe: {  	p1 =	por $0x0, $0x0;
	_ =	swait.ge [sflag:s24], $0x1400  }
0xff: {  	s10 =	simm.s32 @!p1 $0xB040;
	[sflag:s24] =	ssyncset.done $0x0  }
0x100: {  	s12 =	simm.s32 @!p1 $0x7800;
	s14 =	simm.s32 @!p1 $0x50;
	[sflag:s24] =	ssyncadd.s32 $0xFFFFEC00  }
0x101: {  	[tilespmem:s10], [sflag:$0x2] =	stream.indirect.gather @!p1 [hbm4b:s1+s14], $0x40, s12, s14, $0xb8;
	[tilespmem:$0x18880] =	vst v63  }
0x102: {  	_ =	swait.ge [sflag:s2], $0x1400  }
0x103: {  	s15 =	simm.s32 $0x2940;
	[sflag:s2] =	ssyncset.done $0x0  }
0x104: {  	s12 =	simm.s32 $0x500;
	s14 =	simm.s32 $0x2;
	[sflag:s2] =	ssyncadd.s32 $0xFFFFEC00  }
.LBB2_6:
0x105: {  	[spmem:s3] =	stream.indirect.scatter.add.f32 [tilespmem:s28], [sflag:$0x8], $0x40, s15, s19, $0xb8;
	[tilespmem:$0x18880] =	vst v63  }
0x106: {  	s30 =	smov.u32 s12;
	s12 =	sadd.s32 $0x500, s12  }
0x107: {  	p1 =	sne.s32 s12, $0x9600;
	_ =	swait.ge [sflag:s0], $0x1400  }
0x108: {  	s15 =	sshra.s32 s30, $0x2;
	[sflag:s0] =	ssyncset.done $0x0  }
0x109: {  	s10 =	sadd.s32 $0x7710, s15;
	[sflag:s0] =	ssyncadd.s32 $0xFFFFEC00  }
0x10a: {  	[tilespmem:s25], [sflag:$0x3] =	stream.indirect.gather [hbm4b:s1+s19], $0x40, s10, s19, $0xb8;
	[tilespmem:$0x18880] =	vst v63  }
0x10b: {  	_ =	swait.ge [sflag:s5], $0x1400  }
0x10c: {  	[sflag:s5] =	ssyncset.done $0x0  }
0x10d: {  	s10 =	sadd.s32 $0x2850, s15;
	[sflag:s5] =	ssyncadd.s32 $0xFFFFEC00  }
0x10e: {  	[spmem:s3] =	stream.indirect.scatter.add.f32 [tilespmem:s21], [sflag:$0x5], $0x40, s10, s19, $0xb8;
	[tilespmem:$0x18880] =	vst v63  }
0x10f: {  	_ =	swait.ge [sflag:s6], $0x1400  }
0x110: {  	[sflag:s6] =	ssyncset.done $0x0  }
0x111: {  	s10 =	sadd.s32 $0x7760, s15;
	[sflag:s6] =	ssyncadd.s32 $0xFFFFEC00  }
0x112: {  	[tilespmem:s28], [sflag:$0x4] =	stream.indirect.gather [hbm4b:s1+s19], $0x40, s10, s19, $0xb8;
	[tilespmem:$0x18880] =	vst v63  }
0x113: {  	_ =	swait.ge [sflag:s29], $0x1400  }
0x114: {  	[sflag:s29] =	ssyncset.done $0x0  }
0x115: {  	s10 =	sadd.s32 $0x28A0, s15;
	[sflag:s29] =	ssyncadd.s32 $0xFFFFEC00  }
0x116: {  	[spmem:s3] =	stream.indirect.scatter.add.f32 [tilespmem:s23], [sflag:$0x6], $0x40, s10, s19, $0xb8;
	[tilespmem:$0x18880] =	vst v63  }
0x117: {  	_ =	swait.ge [sflag:s31], $0x1400  }
0x118: {  	[sflag:s31] =	ssyncset.done $0x0  }
0x119: {  	s10 =	sadd.s32 $0x77B0, s15;
	[sflag:s31] =	ssyncadd.s32 $0xFFFFEC00  }
0x11a: {  	[tilespmem:s21], [sflag:$0x1] =	stream.indirect.gather [hbm4b:s1+s19], $0x40, s10, s19, $0xb8;
	[tilespmem:$0x18880] =	vst v63  }
0x11b: {  	_ =	swait.ge [sflag:s20], $0x1400  }
0x11c: {  	[sflag:s20] =	ssyncset.done $0x0  }
0x11d: {  	p2 =	sgt.u32 s14, $0x1D;
	s10 =	sadd.s32 $0x28F0, s15;
	[sflag:s20] =	ssyncadd.s32 $0xFFFFEC00  }
0x11e: {  	[spmem:s3] =	stream.indirect.scatter.add.f32 [tilespmem:s25], [sflag:$0x7], $0x40, s10, s19, $0xb8;
	[tilespmem:$0x18880] =	vst v63  }
0x11f: {  	s22 =	simm.s32 @!p2 $0xB040;
	_ =	swait.ge [sflag:s24], $0x1400  }
0x120: {  	s10 =	sshra.s32 @!p2 s30, $0x2;
	s30 =	simm.s32 @!p2 $0x50;
	[sflag:s24] =	ssyncset.done $0x0  }
.Ltmp2:
0x121: {  	s10 =	sadd.s32 @!p2 $0x7800, s10;
	[sflag:s24] =	ssyncadd.s32 $0xFFFFEC00;
	(pc) =	sbr.rel @p1 .LBB2_6-.Ltmp2, $4  }
0x122: {  	[tilespmem:s22], [sflag:$0x2] =	stream.indirect.gather @!p2 [hbm4b:s1+s30], $0x40, s10, s30, $0xb8;
	[tilespmem:$0x18880] =	vst v63  }
0x123: {  	_ =	swait.ge [sflag:s2], $0x1400  }
0x124: {  	[sflag:s2] =	ssyncset.done $0x0  }
0x125: {  	s14 =	sadd.s32 $0x1, s14;
	s15 =	sadd.s32 $0x2940, s15;
	[sflag:s2] =	ssyncadd.s32 $0xFFFFEC00  }
0x126: {  	[spmem:s3] =	stream.indirect.scatter.add.f32 [tilespmem:s28], [sflag:$0x8], $0x40, s15, s19, $0xb8;
	[tilespmem:$0x18880] =	vst v63  }
0x127: {  	_ =	swait.ge [sflag:s0], $0x1400  }
0x128: {  	[sflag:s0] =	ssyncset.done $0x0  }
0x129: {  	[sflag:s0] =	ssyncadd.s32 $0xFFFFEC00  }
0x12a: {  	_ =	swait.ge [sflag:s5], $0x1400  }
0x12b: {  	s10 =	sshra.s32 s12, $0x2;
	[sflag:s5] =	ssyncset.done $0x0  }
0x12c: {  	s10 =	sadd.s32 $0x2850, s10;
	[sflag:s5] =	ssyncadd.s32 $0xFFFFEC00  }
0x12d: {  	[spmem:s3] =	stream.indirect.scatter.add.f32 [tilespmem:s21], [sflag:$0x5], $0x40, s10, s19, $0xb8;
	[tilespmem:$0x18880] =	vst v63  }
0x12e: {  	_ =	swait.ge [sflag:s6], $0x1400  }
0x12f: {  	[sflag:s6] =	ssyncset.done $0x0  }
0x130: {  	[sflag:s6] =	ssyncadd.s32 $0xFFFFEC00  }
0x131: {  	_ =	swait.ge [sflag:s31], $0x1400  }
0x132: {  	[sflag:s31] =	ssyncset.done $0x0  }
0x133: {  	[sflag:s31] =	ssyncadd.s32 $0xFFFFEC00  }
0x134: {  	s12 =	simm.s32 @p0 $0x10;
	s14 =	simm.s32 @p0 $0x8;
	[bflag:$0x0] =	sbarrier.arrive $0xFFFF  }
0x135: {  	s15 =	simm.s32 @p0 $0x1FC9;
	s10 =	simm.s32 @p0 $0x1;
	s22 =	rddreg [dreg:$0xb]  }
0x136: {  	[hbm:s22@s12], [sflag:s15] =	dma.strided @p0 [spmem:s18@s14], $0x1040, s10, $0x8   }
0x137: {  	s10 =	simm.s32 @p0 $0x9  }
0x138: {  	_ =	swait.ge @p0 [sflag:s10], $0x1040  }
0x139: {  	s12 =	simm.s32 @!p0 $0x10;
	s14 =	simm.s32 @!p0 $0x8;
	[sflag:s10] =	ssyncset.done @p0 $0x0  }
0x13a: {  	s15 =	rddreg [dreg:$0xa];
	[sflag:s10] =	ssyncadd.s32 @p0 $0xFFFFEFC0;
	s10 =	simm.s32 @!p0 $0x1  }
0x13b: {  	[hbm:s15@s12], [sflag:s11] =	dma.strided @!p0 [spmem:s13@s14], $0x13C0, s10, $0x8   }
0x13c: {  	s10 =	simm.s32 @!p0 $0x9  }
0x13d: {  	_ =	swait.ge @!p0 [sflag:s10], $0x13C0  }
0x13e: {  	s7 =	sadd.s32 $0x1, s7;
	s30 =	rddreg [dreg:$0xc]  }
0x13f: {  	p1 =	sne.s32 s7, s30  }
.Ltmp3:
0x140: {  	_ = 	snop;
	(pc) =	sbr.rel @p1 .LBB2_1-.Ltmp3, $3  }
0x141: {  	_ =	sdelay $0x1  }
0x142: {  	[sflag:s10] =	ssyncset.done @!p0 $0x0  }
0x143: {  	[sflag:s10] =	ssyncadd.s32 @!p0 $0xFFFFEC40  }
0x144: {  	_ =	sfence.sel $0x180000  }
0x145: {  	[bflag:$0x0] =	sbarrier.arrive $0xFFFF  }
0x146: {  	_ =	strace $0x9000004A  }
0x147: {  	s0 =	stileid.u32;
	[bflag:$0x2] =	sbarrier.arrive $0xFFFF  }
0x148: {  	p0 =	sne.s32 s0, $0x0;
	s0 =	rddreg [dreg:$0x3]  }
0x149: {  	s0 =	sadd.s32 @!p0 $0x100000, s0  }
0x14a: {  	[sflag:s0] =	ssyncadd.tile.s32 @!p0 $0x1;
	_ =	shalt  }
.Lfunc_end2:
_tile_overlayer_lowered:
.L_overlay_start_2:
0x14b: {  	(tag) =	ssettag $0x2  }
0x14c: {  	s0 =	rddreg [dreg:$0x0];
	s2 =	stileid.u32  }
0x14d: {  	s1 =	rddreg [dreg:$0x1];
	p0 =	sne.s32 s2, $0x0  }
0x14e: {  	s3 =	rddreg [dreg:$0x2];
	[bflag:$0x3] =	sbarrier.arrive $0xFFFF;
	s2 =	simm.s32 @!p0 $0x1C09  }
0x14f: {  	[timem:s3], [sflag:s2] =	dma.local @!p0 [hbm:s0], s1  }
0x150: {  	s0 =	simm.s32 @!p0 $0x9  }
0x151: {  	_ =	swait.ge @!p0 [sflag:s0], s1  }
0x152: {  	s1 =	ssub.s32 @!p0 $0x0, s1;
	[sflag:s0] =	ssyncset.done @!p0 $0x0  }
0x153: {  	[sflag:s0] =	ssyncadd.s32 @!p0 s1  }
0x154: {  	[bflag:$0x3] =	sbarrier.arrive $0xFFFF  }
0x155: {  	_ =	shalt  }

// kernel: kernel.14.cloned.1.call-start
scs
__scs_entry_jumppad:
0x0: {  	(pc) =	sbr.rel $0x88, $3  }
0x1: {  	(tag) =	ssettag $0x0;
	lr =	simm.s32 $0x1  }
0x2: {  	[smem:$0x3F9B] =	sst lr;
	_ =	strace $0xD0000000  }
0x3: {  	_ = 	snop  }
0x4: {  	_ = 	snop  }
0x5: {  	_ = 	snop  }
0x6: {  	_ = 	snop  }
0x7: {  	_ = 	snop  }
__scs_overlays_trampoline_lowered:
0x8: {  	[smem:$0x3FAA] =	sst s0  }
0x9: {  	[smem:$0x3FAB] =	sst s1  }
0xa: {  	[smem:$0x3FAC] =	sst s2  }
0xb: {  	[smem:$0x3FAD] =	sst s3  }
0xc: {  	[smem:$0x3FAE] =	sst s4  }
0xd: {  	[smem:$0x3FAF] =	sst s5  }
0xe: {  	[smem:$0x3FB0] =	sst s6  }
0xf: {  	[smem:$0x3FB1] =	sst s7  }
0x10: {  	[smem:$0x3FB2] =	sst s8  }
0x11: {  	[smem:$0x3FB3] =	sst s9;
	s0 =	simm.s32 @!p0 $0x0  }
0x12: {  	s1 =	sld [smem:$0x3F99];
	s0 =	simm.s32 @p0 $0x1  }
0x13: {  	[smem:$0x3FB4] =	sst s0;
	s0 =	simm.s32 @!p1 $0x0  }
0x14: {  	s2 =	sld [smem:$0x3F98];
	s0 =	simm.s32 @p1 $0x1  }
0x15: {  	[smem:$0x3FB5] =	sst s0;
	s0 =	simm.s32 @!p2 $0x0  }
0x16: {  	s3 =	sld [smem:$0x3FDB];
	s0 =	simm.s32 @p2 $0x1  }
0x17: {  	s4 =	simm.s32 $0x1BF5;
	[smem:$0x3FB7] =	sst s0  }
0x18: {  	s0 =	sld [smem:$0x3F9A];
	_ =	swait.ge [sflag:s4], $0x0  }
0x19: {  	s7 =	sld [smem:$0x3F9B]  }
0x1a: {  	s8 =	sadd.s32 $0xFFFFE003, lr  }
0x1b: {  	s9 =	sadd.s32 $0xFFFFFEF7, lr;
	s5 =	simm.s32 $0xFFFFFFFF;
	p2 =	slt.u32 s8, $0xFFFFF086  }
0x1c: {  	p1 =	slt.u32 s9, $0xF7A;
	s5 =	simm.s32 @!p2 $0x0  }
0x1d: {  	s5 =	simm.s32 @p1 $0x1;
	p0 =	seq.s32 s7, s2  }
0x1e: {  	s7 =	smul.u32 @!p0 $0xF7A, s2;
	p2 =	seq.s32 @!p0 s5, $0x0  }
0x1f: {  	s9 =	smul.u32 $0xF7A, s1;
	s8 =	simm.s32 @!p0 $0x1BF5;
	p2 =	por !p2, p0  }
0x20: {  	[sflag:s8] =	ssyncset.s32 @!p0 $0xFFFFF086;
	s6 =	sadd.s32 @!p0 s3, s7;
	s7 =	simm.s32 @!p0 $0x108  }
0x21: {  	s3 =	sadd.s32 s3, s9;
	s6 =	sadd.s32 @!p0 $0x88, s6;
	s7 =	simm.s32 @p2 $0x1082  }
0x22: {  	[simem:s7], [sflag:s8] =	dma.local @!p0 [hbm:s6], $0xF7A  }
0x23: {  	s9 =	sor.u32 $0xD0000000, s2;
	s6 =	simm.s32 $0x108;
	_ =	swait.ge @!p0 [sflag:s8], $0x0  }
0x24: {  	s3 =	sadd.s32 $0x88, s3;
	s6 =	simm.s32 @!p1 $0x1082;
	[sflag:s4] =	ssyncset.s32 $0xFFFFF086  }
0x25: {  	[simem:s6], [sflag:s4] =	dma.local [hbm:s3], $0xF7A  }
0x26: {  	[smem:$0x3F9B] =	sst s1;
	(tag) =	ssettag s2;
	_ =	strace s9  }
0x27: {  	s1 =	sld [smem:$0x3FAB]  }
0x28: {  	s2 =	sld [smem:$0x3FAC]  }
0x29: {  	s4 =	sld [smem:$0x3FAE]  }
0x2a: {  	p0 =	seq.s32 s5, $0x0;
	s5 =	sld [smem:$0x3FAF]  }
0x2b: {  	s6 =	sld [smem:$0x3FB0]  }
0x2c: {  	s7 =	sld [smem:$0x3FB1]  }
0x2d: {  	s3 =	simm.s32 $0x108;
	s8 =	sld [smem:$0x3FB2]  }
0x2e: {  	s3 =	simm.s32 @!p0 $0x1082;
	s9 =	sld [smem:$0x3FB3]  }
0x2f: {  	lr =	sadd.s32 s0, s3;
	s0 =	sld [smem:$0x3FAA]  }
0x30: {  	s3 =	sld [smem:$0x3FAD]  }
0x31: {  	[smem:$0x3FB6] =	sst s10  }
0x32: {  	s10 =	sld [smem:$0x3FB4];
	_ =	sdelay $0x3  }
0x33: {  	p0 =	seq.s32 s10, $0x1;
	s10 =	sld [smem:$0x3FB6];
	_ =	sdelay $0x3  }
0x34: {  	[smem:$0x3FB6] =	sst s10  }
0x35: {  	s10 =	sld [smem:$0x3FB5];
	_ =	sdelay $0x3  }
0x36: {  	p1 =	seq.s32 s10, $0x1;
	s10 =	sld [smem:$0x3FB6];
	_ =	sdelay $0x3  }
0x37: {  	[smem:$0x3FB6] =	sst s10  }
0x38: {  	s10 =	sld [smem:$0x3FB7]  }
0x39: {  	_ = 	snop;
	(pc) =	sbr.ind lr, $3  }
0x3a: {  	_ = 	snop  }
0x3b: {  	_ = 	snop  }
0x3c: {  	p2 =	seq.s32 s10, $0x1;
	s10 =	sld [smem:$0x3FB6]  }
0x3d: {  	_ =	shalt  }
0x3e: {  	_ =	shalt  }
0x3f: {  	_ =	shalt  }
0x40: {  	_ =	shalt  }
0x41: {  	_ =	shalt  }
0x42: {  	_ =	shalt  }
0x43: {  	_ =	shalt  }
0x44: {  	_ =	shalt  }
0x45: {  	_ =	shalt  }
0x46: {  	_ =	shalt  }
0x47: {  	_ =	shalt  }
0x48: {  	_ =	shalt  }
0x49: {  	_ =	shalt  }
0x4a: {  	_ =	shalt  }
0x4b: {  	_ =	shalt  }
0x4c: {  	_ =	shalt  }
0x4d: {  	_ =	shalt  }
0x4e: {  	_ =	shalt  }
0x4f: {  	_ =	shalt  }
0x50: {  	_ =	shalt  }
0x51: {  	_ =	shalt  }
0x52: {  	_ =	shalt  }
0x53: {  	_ =	shalt  }
0x54: {  	_ =	shalt  }
0x55: {  	_ =	shalt  }
0x56: {  	_ =	shalt  }
0x57: {  	_ =	shalt  }
0x58: {  	_ =	shalt  }
0x59: {  	_ =	shalt  }
0x5a: {  	_ =	shalt  }
0x5b: {  	_ =	shalt  }
0x5c: {  	_ =	shalt  }
0x5d: {  	_ =	shalt  }
0x5e: {  	_ =	shalt  }
0x5f: {  	_ =	shalt  }
0x60: {  	_ =	shalt  }
0x61: {  	_ =	shalt  }
0x62: {  	_ =	shalt  }
0x63: {  	_ =	shalt  }
0x64: {  	_ =	shalt  }
0x65: {  	_ =	shalt  }
0x66: {  	_ =	shalt  }
0x67: {  	_ =	shalt  }
0x68: {  	_ =	shalt  }
0x69: {  	_ =	shalt  }
0x6a: {  	_ =	shalt  }
0x6b: {  	_ =	shalt  }
0x6c: {  	_ =	shalt  }
0x6d: {  	_ =	shalt  }
0x6e: {  	_ =	shalt  }
0x6f: {  	_ =	shalt  }
0x70: {  	_ =	shalt  }
0x71: {  	_ =	shalt  }
0x72: {  	_ =	shalt  }
0x73: {  	_ =	shalt  }
0x74: {  	_ =	shalt  }
0x75: {  	_ =	shalt  }
0x76: {  	_ =	shalt  }
0x77: {  	_ =	shalt  }
0x78: {  	_ =	shalt  }
0x79: {  	_ =	shalt  }
0x7a: {  	_ =	shalt  }
0x7b: {  	_ =	shalt  }
0x7c: {  	_ =	shalt  }
0x7d: {  	_ =	shalt  }
0x7e: {  	_ =	shalt  }
0x7f: {  	_ =	shalt  }
0x80: {  	_ =	shalt  }
0x81: {  	_ =	shalt  }
0x82: {  	_ =	shalt  }
0x83: {  	_ =	shalt  }
0x84: {  	_ =	shalt  }
0x85: {  	_ =	shalt  }
0x86: {  	_ =	shalt  }
0x87: {  	_ =	shalt  }
.Lfunc_end0:
.L_simem_size_0:
called_computation.2_lowered:
.L_overlay_start_0:
0x88: {  	s2 =	sld [smem:$0x3FD9]  }
0x89: {  	s3 =	sld [smem:$0x3FFE];
	_ =	sdelay $0x1  }
0x8a: {  	s1 =	srdreg.scid  }
0x8b: {  	s0 =	sand.u32 $0x1, s1  }
0x8c: {  	s17 =	sshll.u32 s0, $0xA;
	s2 =	sadd.s32 s3, s2  }
0x8d: {  	s2 =	sadd.s32 s2, s17  }
0x8e: {  	[smem:$0x3FC2] =	sst s2  }
0x8f: {  	_ = 	snop  }
0x90: {  	s2 =	sld [smem:$0x3FD0];
	(tm) =	ssettm $0x1  }
0x91: {  	s18 =	sld [smem:$0x3FFB];
	_ =	sdelay $0x3  }
0x92: {  	_ =	strace s18  }
0x93: {  	s3 =	sld [smem:$0x3FFC];
	_ =	sdelay $0x3  }
0x94: {  	_ =	strace s3  }
0x95: {  	s3 =	sld [smem:$0x3FFD];
	_ =	sdelay $0x3  }
0x96: {  	_ =	strace s3  }
0x97: {  	_ =	strace $0x8FFFFFFF  }
0x98: {  	s19 =	sld [smem:$0x3FDB];
	_ =	sdelay $0x1  }
0x99: {  	s4 =	simm.s32 $_scs_section_size  }
0x9a: {  	s5 =	simm.s32 $_size__tile_overlayer_lowered;
	s6 =	simm.s32 $_tile_overlayer_lowered  }
0x9b: {  	s22 =	simm.s32 $0x1BFF;
	s21 =	sshll.u32 s6, $0x1;
	s3 =	sadd.s32 s4, s19  }
0x9c: {  	s7 =	simm.s32 $0x0;
	s20 =	sshll.u32 s5, $0x1;
	s5 =	sadd.s32 s21, s3  }
0x9d: {  	[timem:s7], [sflag:s22] =	dma.local [hbm:s5], s20  }
0x9e: {  	_ =	swait.ge [sflag:s22], s20  }
0x9f: {  	s4 =	ssub.s32 $0x0, s20;
	[sflag:s22] =	ssyncset.done $0x0  }
0xa0: {  	[sflag:s22] =	ssyncadd.s32 s4;
	_ =	sdelay $0x1  }
0xa1: {  	s23 =	simm.s32 $0x1B8B  }
0xa2: {  	_ =	swait.ge [sflag:s23], $0x1  }
0xa3: {  	[sflag:s23] =	ssyncset.done $0x0  }
0xa4: {  	s25 =	simm.s32 $0x1B8E;
	s24 =	sld [smem:$0x3FFE];
	[sflag:s23] =	ssyncadd.s32 $0xFFFFFFFF  }
0xa5: {  	s26 =	simm.s32 $execute0_lowered;
	[smem:$0x3FD2] =	sst s25  }
0xa6: {  	s5 =	sshll.u32 s26, $0x1;
	_ =	strace $0x8000004C;
	[dreg:$0x1] =	wrdreg $0xFFFFFFFF  }
0xa7: {  	s28 =	simm.s32 $_size_execute0_lowered;
	s3 =	sadd.s32 s3, s5;
	[dreg:$0x0] =	wrdreg $0x0  }
0xa8: {  	s5 =	sshll.u32 s28, $0x1;
	[dreg:$0x2] =	wrdreg s3  }
0xa9: {  	[dreg:$0x3] =	wrdreg s5  }
0xaa: {  	[dreg:$0x4] =	wrdreg $0xC0  }
0xab: {  	_ =	task [dreg:s7], $0x5FFFF  }
0xac: {  	[dreg:$0x1] =	wrdreg $0xFFFFFFFF  }
0xad: {  	[dreg:$0x0] =	wrdreg $0x60  }
0xae: {  	[dreg:$0x2] =	wrdreg s2  }
0xaf: {  	[dreg:$0x3] =	wrdreg s24  }
0xb0: {  	[dreg:$0x4] =	wrdreg $0xEC400  }
0xb1: {  	[dreg:$0x5] =	wrdreg $0x9  }
0xb2: {  	_ =	task.clear_ibuf [dreg:s7], $0x6FFFF;
	_ =	strace $0x9000004C  }
0xb3: {  	s29 =	simm.s32 $0x9;
	_ =	strace $0x8000004E  }
0xb4: {  	_ =	swait.ge [sflag:s29], $0x1  }
0xb5: {  	[sflag:s29] =	ssyncadd.s32 $0xFFFFFFFF  }
0xb6: {  	_ =	strace $0x9000004E  }
0xb7: {  	_ =	sfence  }
0xb8: {  	s30 =	sld [smem:$0x0];
	_ =	sdelay $0x2  }
0xb9: {  	s31 =	sshll.u32 s1, $0xD;
	s1 =	sshrl.u32 s1, $0x2  }
0xba: {  	s3 =	sand.u32 $0x4000, s31;
	s1 =	sadd.s32 s1, s30  }
0xbb: {  	s0 =	sor.u32 s3, s0;
	s1 =	sshll.u32 s1, $0x11  }
0xbc: {  	s0 =	sor.u32 s1, s0  }
0xbd: {  	s0 =	sadd.s32 $0x8F2B, s0  }
0xbe: {  	[sflag:s0] =	ssyncadd.remote.s32 $0x1  }
0xbf: {  	_ =	sfence.sel $0xFFFF  }
0xc0: {  	[dreg:$0x0] =	wrdreg $0xFFFFFFFF;
	(pc) =	sbr.abs _section_cstart, $3  }
0xc1: {  	[dreg:$0x1] =	wrdreg $0xFFFFFFFF  }
0xc2: {  	_ =	task.clear_ibuf [dreg:s7], $0x2FFFF;
	_ =	strace $0x9FFFFFFF  }
0xc3: {  	(tm) =	ssettm $0x7FFFFFFF  }
tec
execute0_lowered:
.L_overlay_start_1:
0x0: {  	(tag) =	ssettag $0x1  }
0x1: {  	s1 =	rddreg [dreg:$0x0]  }
0x2: {  	s0 =	srdreg.scid;
	s2 =	rddreg [dreg:$0x1]  }
0x3: {  	s12 =	stileid.u32;
	s3 =	rddreg [dreg:$0x2]  }
0x4: {  	s16 =	simm.s32 $0x9;
	s17 =	simm.s32 $0x2710;
	s19 =	simm.s32 $0x50  }
0x5: {  	s28 =	simm.s32 $0xD840;
	s29 =	simm.s32 $0x2;
	s6 =	smul.u32 $0x9E00, s12  }
0x6: {  	s31 =	simm.s32 $0x5;
	s0 =	sand.u32 $0x1, s0;
	s22 =	smul.u32 $0x13C00, s12  }
0x7: {  	s10 =	sadd.s32 $0x2A400, s2;
	s23 =	smul.u32 $0x27800, s12;
	p0 =	seq.s32 s12, $0xF  }
0x8: {  	s4 =	sshll.u32 s0, $0x4;
	s8 =	ssub.s32 $0x2, s0;
	s0 =	smul.u32 $0x138800, s0  }
0x9: {  	s5 =	sor.u32 s12, s4;
	s4 =	simm.s32 $0x0;
	s7 =	sshrl.u32 s6, $0x3  }
0xa: {  	s9 =	sshrl.u32 s8, $0x1;
	s21 =	sadd.s32 s6, s3;
	s6 =	sadd.s32 $0x94200, s3  }
0xb: {  	s25 =	sshrl.u32 s23, $0x2;
	s23 =	simm.s32 $0xB040;
	s5 =	smul.u32 $0x4E2, s5  }
0xc: {  	[smem:$0x7FF] =	sst s4;
	s7 =	sadd.s32 s7, s2;
	s11 =	ssub.s32 s8, s9  }
0xd: {  	s9 =	sadd.s32 $0x29240, s2;
	s24 =	sadd.s32 s22, s0;
	s0 =	sshrl.u32 s0, $0x3  }
0xe: {  	s18 =	sshrl.u32 @p0 s6, $0x3;
	s6 =	simm.s32 $0x8;
	_ =	strace $0x8000004D  }
0xf: {  	[dreg:$0x6] =	wrdreg s21;
	s8 =	sadd.s32 $0x16A00, s7;
	s0 =	sadd.s32 s10, s0  }
0x10: {  	s30 =	smax.u32 s11, $0x1;
	s21 =	simm.s32 $0x9C40;
	s7 =	simm.s32 $0x0  }
0x11: {  	s5 =	sadd.s32 s5, s2;
	s26 =	sadd.s32 $0x25080, s0;
	[dreg:$0xc] =	wrdreg s30  }
0x12: {  	s2 =	sshrl.u32 s24, $0x3;
	s0 =	sadd.s32 $0x25088, s0;
	[dreg:$0x9] =	wrdreg s26  }
0x13: {  	s24 =	simm.s32 $0x6;
	s20 =	sadd.s32 $0x2E00, s5;
	[dreg:$0xb] =	wrdreg s0  }
0x14: {  	s5 =	sadd.s32 $0xCC00, s5;
	s2 =	sadd.s32 s10, s2;
	[dreg:$0x4] =	wrdreg s20  }
0x15: {  	s26 =	simm.s32 $0x2800;
	s0 =	simm.s32 $0x7;
	[dreg:$0x5] =	wrdreg s5  }
0x16: {  	s5 =	sadd.s32 s25, s3;
	[dreg:$0x7] =	wrdreg s2;
	s2 =	sadd.s32 $0x8, s2  }
0x17: {  	s25 =	simm.s32 $0xC440;
	s20 =	simm.s32 $0x3;
	[dreg:$0x8] =	wrdreg s5  }
0x18: {  	[dreg:$0xa] =	wrdreg s2;
	s2 =	simm.s32 $0x4;
	s5 =	simm.s32 $0x1  }
.LBB2_1:
0x19: {  	s10 =	rddreg [dreg:$0x4];
	s11 =	smul.u32 $0xCCCD, s4  }
0x1a: {  	[tilespmem:s4], [sflag:$0x9] =	stream.linear.gather [hbm4b:s10+s4], $0x2710, $0x38;
	[tilespmem:$0x18880] =	vst v63  }
0x1b: {  	_ =	swait.ge [sflag:s16], $0x2710  }
0x1c: {  	s11 =	sshrl.u32 s11, $0x12;
	[sflag:s16] =	ssyncset.done $0x0  }
0x1d: {  	s15 =	rddreg [dreg:$0x5];
	s13 =	smul.u32 $0x5, s11;
	[sflag:s16] =	ssyncadd.s32 $0xFFFFD8F0  }
0x1e: {  	[tilespmem:s17], [sflag:$0x9] =	stream.linear.gather [hbm4b:s15+s4], $0x2710, $0x38;
	[tilespmem:$0x18880] =	vst v63  }
0x1f: {  	s12 =	simm.s32 $0x1;
	s11 =	smul.u32 $0x50, s11;
	s13 =	ssub.s32 $0x0, s13  }
0x20: {  	s12 =	smul.u32 $0xCCCD, s12;
	_ =	swait.ge [sflag:s16], $0x2710;
	s13 =	sshll.u32 s13, $0x4  }
0x21: {  	[sflag:s16] =	ssyncset.done $0x0;
	s11 =	sadd.s32 s13, s11  }
0x22: {  	s12 =	sshrl.u32 s12, $0x12;
	[sflag:s16] =	ssyncadd.s32 $0xFFFFD8F0;
	s11 =	sand.u32 $0xFFF0, s11  }
0x23: {  	s22 =	smul.u32 $0x5, s12;
	v0 =	vld [tilespmem:s11+$0x0];
	_ =	sdelay $0x1  }
0x24: {  	s12 =	smul.u32 $0x50, s12;
	s14 =	ssub.s32 $0x1, s22;
	s13 =	simm.s32 $0x2  }
0x25: {  	s14 =	sshll.u32 s14, $0x4;
	s15 =	smul.u32 $0xCCCD, s13  }
0x26: {  	s12 =	sadd.s32 s14, s12  }
0x27: {  	s12 =	sand.u32 $0xFFF0, s12;
	s15 =	sshrl.u32 s15, $0x12;
	v1 =	vshll.u32 v0, $0x1  }
0x28: {  	s14 =	simm.s32 $0x3;
	s30 =	smul.u32 $0x5, s15;
	v0 =	vld [tilespmem:s12+$0x0];
	[tilespmem:s11+$0x4E20] =	vst v1;
	v1 =	vor.u32 $0x1, v1  }
.LBB2_2:
0x29: {  	s22 =	smul.u32 $0xCCCD, s14;
	[tilespmem:s11+$0x7530] =	vst v1;
	s10 =	smov.u32 s14;
	s11 =	smov.u32 s12  }
0x2a: {  	p1 =	sne.s32 s14, $0x270;
	s12 =	ssub.s32 s13, s30;
	s13 =	smul.u32 $0x50, s15  }
.Ltmp0:
0x2b: {  	(pc) =	sbr.rel @p1 .LBB2_2-.Ltmp0, $4  }
0x2c: {  	s14 =	sadd.s32 $0x1, s14;
	s12 =	sshll.u32 s12, $0x4  }
0x2d: {  	s12 =	sadd.s32 s12, s13;
	s13 =	smov.u32 s10  }
0x2e: {  	s15 =	sshrl.u32 s22, $0x12;
	s12 =	sand.u32 $0xFFF0, s12;
	v1 =	vshll.u32 v0, $0x1  }
0x2f: {  	s30 =	smul.u32 $0x5, s15;
	v0 =	vld [tilespmem:s12+$0x0];
	[tilespmem:s11+$0x4E20] =	vst v1;
	v1 =	vor.u32 $0x1, v1  }
0x30: {  	_ = 	snop  }
0x31: {  	s10 =	ssub.s32 s13, s30;
	s30 =	smul.u32 $0x50, s15  }
0x32: {  	s10 =	sshll.u32 s10, $0x4  }
0x33: {  	s10 =	sadd.s32 s10, s30  }
0x34: {  	[tilespmem:s11+$0x7530] =	vst v1;
	s10 =	sand.u32 $0xFFF0, s10  }
0x35: {  	v1 =	vld [tilespmem:s10+$0x0];
	_ =	sdelay $0x2  }
0x36: {  	v0 =	vshll.u32 v0, $0x1  }
0x37: {  	[tilespmem:s12+$0x4E20] =	vst v0;
	v0 =	vor.u32 $0x1, v0  }
0x38: {  	[tilespmem:s12+$0x7530] =	vst v0;
	v63 =	vshll.u32 v1, $0x1  }
0x39: {  	[tilespmem:s10+$0x4E20] =	vst v63;
	v0 =	vor.u32 $0x1, v63  }
0x3a: {  	[tilespmem:s10+$0x7530] =	vst v0;
	s10 =	simm.s32 @p0 $0x1FC9  }
0x3b: {  	[spmem:s18], [sflag:s10] =	dma.local @p0 [hbm:s9], $0x1040  }
0x3c: {  	s10 =	simm.s32 @p0 $0x9  }
0x3d: {  	_ =	swait.ge @p0 [sflag:s10], $0x1040  }
0x3e: {  	s11 =	stileid.u32;
	[sflag:s10] =	ssyncset.done @p0 $0x0  }
0x3f: {  	s11 =	sshll.u32 @!p0 s11, $0x6;
	[sflag:s10] =	ssyncadd.s32 @p0 $0xFFFFEFC0;
	s10 =	rddreg [dreg:$0x6]  }
0x40: {  	s11 =	sor.u32 @!p0 $0x1C09, s11;
	s12 =	sshrl.u32 @!p0 s10, $0x3;
	s10 =	simm.s32 @!p0 $0x9  }
0x41: {  	[spmem:s12], [sflag:s11] =	dma.local @!p0 [hbm:s8], $0x13C0  }
0x42: {  	_ =	swait.ge @!p0 [sflag:s10], $0x13C0  }
0x43: {  	[sflag:s10] =	ssyncset.done @!p0 $0x0  }
0x44: {  	s13 =	simm.s32 $0x4E20;
	[sflag:s10] =	ssyncadd.s32 @!p0 $0xFFFFEC40  }
0x45: {  	[tilespmem:s21], [sflag:$0x1] =	stream.indirect.gather [hbm4b:s1+s19], $0x40, s13, s19, $0xb8;
	[tilespmem:$0x18880] =	vst v63  }
0x46: {  	s14 =	simm.s32 $0x4E70  }
0x47: {  	[tilespmem:s23], [sflag:$0x2] =	stream.indirect.gather [hbm4b:s1+s19], $0x40, s14, s19, $0xb8;
	[tilespmem:$0x18880] =	vst v63  }
0x48: {  	s22 =	simm.s32 $0x1;
	s15 =	simm.s32 $0x4EC0;
	[bflag:$0x0] =	sbarrier.arrive $0xFFFF  }
0x49: {  	[tilespmem:s25], [sflag:$0x3] =	stream.indirect.gather [hbm4b:s1+s19], $0x40, s15, s19, $0xb8;
	[tilespmem:$0x18880] =	vst v63  }
0x4a: {  	_ =	swait.ge [sflag:s22], $0x1400  }
0x4b: {  	[sflag:s22] =	ssyncset.done $0x0  }
0x4c: {  	[sflag:s22] =	ssyncadd.s32 $0xFFFFEC00  }
0x4d: {  	[spmem:s3] =	stream.indirect.scatter.add.f32 [tilespmem:s21], [sflag:$0x5], $0x40, s17, s19, $0xb8;
	[tilespmem:$0x18880] =	vst v63  }
0x4e: {  	s30 =	simm.s32 $0x4F10  }
0x4f: {  	[tilespmem:s28], [sflag:$0x4] =	stream.indirect.gather [hbm4b:s1+s19], $0x40, s30, s19, $0xb8;
	[tilespmem:$0x18880] =	vst v63  }
0x50: {  	_ =	swait.ge [sflag:s29], $0x1400  }
0x51: {  	[sflag:s29] =	ssyncset.done $0x0  }
0x52: {  	s13 =	simm.s32 $0x2760;
	[sflag:s29] =	ssyncadd.s32 $0xFFFFEC00  }
0x53: {  	[spmem:s3] =	stream.indirect.scatter.add.f32 [tilespmem:s23], [sflag:$0x6], $0x40, s13, s19, $0xb8;
	[tilespmem:$0x18880] =	vst v63  }
0x54: {  	_ =	swait.ge [sflag:s31], $0x1400  }
0x55: {  	[sflag:s31] =	ssyncset.done $0x0  }
0x56: {  	s14 =	simm.s32 $0x4F60;
	[sflag:s31] =	ssyncadd.s32 $0xFFFFEC00  }
0x57: {  	[tilespmem:s21], [sflag:$0x1] =	stream.indirect.gather [hbm4b:s1+s19], $0x40, s14, s19, $0xb8;
	[tilespmem:$0x18880] =	vst v63  }
0x58: {  	_ =	swait.ge [sflag:s20], $0x1400  }
0x59: {  	[sflag:s20] =	ssyncset.done $0x0  }
0x5a: {  	s15 =	simm.s32 $0x27B0;
	[sflag:s20] =	ssyncadd.s32 $0xFFFFEC00  }
0x5b: {  	[spmem:s3] =	stream.indirect.scatter.add.f32 [tilespmem:s25], [sflag:$0x7], $0x40, s15, s19, $0xb8;
	[tilespmem:$0x18880] =	vst v63  }
0x5c: {  	_ =	swait.ge [sflag:s24], $0x1400  }
0x5d: {  	[sflag:s24] =	ssyncset.done $0x0  }
0x5e: {  	s22 =	simm.s32 $0x4FB0;
	[sflag:s24] =	ssyncadd.s32 $0xFFFFEC00  }
0x5f: {  	[tilespmem:s23], [sflag:$0x2] =	stream.indirect.gather [hbm4b:s1+s19], $0x40, s22, s19, $0xb8;
	[tilespmem:$0x18880] =	vst v63  }
0x60: {  	_ =	swait.ge [sflag:s2], $0x1400  }
0x61: {  	[sflag:s2] =	ssyncset.done $0x0  }
0x62: {  	[sflag:s2] =	ssyncadd.s32 $0xFFFFEC00  }
0x63: {  	[spmem:s3] =	stream.indirect.scatter.add.f32 [tilespmem:s28], [sflag:$0x8], $0x40, s26, s19, $0xb8;
	[tilespmem:$0x18880] =	vst v63  }
0x64: {  	_ =	swait.ge [sflag:s0], $0x1400  }
0x65: {  	[sflag:s0] =	ssyncset.done $0x0  }
0x66: {  	s30 =	simm.s32 $0x5000;
	[sflag:s0] =	ssyncadd.s32 $0xFFFFEC00  }
0x67: {  	[tilespmem:s25], [sflag:$0x3] =	stream.indirect.gather [hbm4b:s1+s19], $0x40, s30, s19, $0xb8;
	[tilespmem:$0x18880] =	vst v63  }
0x68: {  	_ =	swait.ge [sflag:s5], $0x1400  }
0x69: {  	[sflag:s5] =	ssyncset.done $0x0  }
0x6a: {  	s13 =	simm.s32 $0x2850;
	[sflag:s5] =	ssyncadd.s32 $0xFFFFEC00  }
0x6b: {  	[spmem:s3] =	stream.indirect.scatter.add.f32 [tilespmem:s21], [sflag:$0x5], $0x40, s13, s19, $0xb8;
	[tilespmem:$0x18880] =	vst v63  }
0x6c: {  	_ =	swait.ge [sflag:s6], $0x1400  }
0x6d: {  	[sflag:s6] =	ssyncset.done $0x0  }
0x6e: {  	s14 =	simm.s32 $0x5050;
	[sflag:s6] =	ssyncadd.s32 $0xFFFFEC00  }
0x6f: {  	[tilespmem:s28], [sflag:$0x4] =	stream.indirect.gather [hbm4b:s1+s19], $0x40, s14, s19, $0xb8;
	[tilespmem:$0x18880] =	vst v63  }
0x70: {  	_ =	swait.ge [sflag:s29], $0x1400  }
0x71: {  	[sflag:s29] =	ssyncset.done $0x0  }
0x72: {  	s15 =	simm.s32 $0x28A0;
	[sflag:s29] =	ssyncadd.s32 $0xFFFFEC00  }
0x73: {  	[spmem:s3] =	stream.indirect.scatter.add.f32 [tilespmem:s23], [sflag:$0x6], $0x40, s15, s19, $0xb8;
	[tilespmem:$0x18880] =	vst v63  }
0x74: {  	_ =	swait.ge [sflag:s31], $0x1400  }
0x75: {  	[sflag:s31] =	ssyncset.done $0x0  }
0x76: {  	s22 =	simm.s32 $0x50A0;
	[sflag:s31] =	ssyncadd.s32 $0xFFFFEC00  }
0x77: {  	[tilespmem:s21], [sflag:$0x1] =	stream.indirect.gather [hbm4b:s1+s19], $0x40, s22, s19, $0xb8;
	[tilespmem:$0x18880] =	vst v63  }
0x78: {  	_ =	swait.ge [sflag:s20], $0x1400  }
0x79: {  	[sflag:s20] =	ssyncset.done $0x0  }
0x7a: {  	s30 =	simm.s32 $0x28F0;
	[sflag:s20] =	ssyncadd.s32 $0xFFFFEC00  }
0x7b: {  	[spmem:s3] =	stream.indirect.scatter.add.f32 [tilespmem:s25], [sflag:$0x7], $0x40, s30, s19, $0xb8;
	[tilespmem:$0x18880] =	vst v63  }
0x7c: {  	p1 =	por $0x0, $0x0;
	_ =	swait.ge [sflag:s24], $0x1400  }
0x7d: {  	s10 =	simm.s32 @!p1 $0xB040;
	[sflag:s24] =	ssyncset.done $0x0  }
0x7e: {  	s13 =	simm.s32 @!p1 $0x50F0;
	s14 =	simm.s32 @!p1 $0x50;
	[sflag:s24] =	ssyncadd.s32 $0xFFFFEC00  }
0x7f: {  	[tilespmem:s10], [sflag:$0x2] =	stream.indirect.gather @!p1 [hbm4b:s1+s14], $0x40, s13, s14, $0xb8;
	[tilespmem:$0x18880] =	vst v63  }
0x80: {  	_ =	swait.ge [sflag:s2], $0x1400  }
0x81: {  	s15 =	simm.s32 $0x2940;
	[sflag:s2] =	ssyncset.done $0x0  }
0x82: {  	s13 =	simm.s32 $0x500;
	s14 =	simm.s32 $0x2;
	[sflag:s2] =	ssyncadd.s32 $0xFFFFEC00  }
.LBB2_4:
0x83: {  	[spmem:s3] =	stream.indirect.scatter.add.f32 [tilespmem:s28], [sflag:$0x8], $0x40, s15, s19, $0xb8;
	[tilespmem:$0x18880] =	vst v63  }
0x84: {  	s30 =	smov.u32 s13;
	s13 =	sadd.s32 $0x500, s13  }
0x85: {  	p1 =	sne.s32 s13, $0x9600;
	_ =	swait.ge [sflag:s0], $0x1400  }
0x86: {  	s15 =	sshra.s32 s30, $0x2;
	[sflag:s0] =	ssyncset.done $0x0  }
0x87: {  	s10 =	sadd.s32 $0x5000, s15;
	[sflag:s0] =	ssyncadd.s32 $0xFFFFEC00  }
0x88: {  	[tilespmem:s25], [sflag:$0x3] =	stream.indirect.gather [hbm4b:s1+s19], $0x40, s10, s19, $0xb8;
	[tilespmem:$0x18880] =	vst v63  }
0x89: {  	_ =	swait.ge [sflag:s5], $0x1400  }
0x8a: {  	[sflag:s5] =	ssyncset.done $0x0  }
0x8b: {  	s10 =	sadd.s32 $0x2850, s15;
	[sflag:s5] =	ssyncadd.s32 $0xFFFFEC00  }
0x8c: {  	[spmem:s3] =	stream.indirect.scatter.add.f32 [tilespmem:s21], [sflag:$0x5], $0x40, s10, s19, $0xb8;
	[tilespmem:$0x18880] =	vst v63  }
0x8d: {  	_ =	swait.ge [sflag:s6], $0x1400  }
0x8e: {  	[sflag:s6] =	ssyncset.done $0x0  }
0x8f: {  	s10 =	sadd.s32 $0x5050, s15;
	[sflag:s6] =	ssyncadd.s32 $0xFFFFEC00  }
0x90: {  	[tilespmem:s28], [sflag:$0x4] =	stream.indirect.gather [hbm4b:s1+s19], $0x40, s10, s19, $0xb8;
	[tilespmem:$0x18880] =	vst v63  }
0x91: {  	_ =	swait.ge [sflag:s29], $0x1400  }
0x92: {  	[sflag:s29] =	ssyncset.done $0x0  }
0x93: {  	s10 =	sadd.s32 $0x28A0, s15;
	[sflag:s29] =	ssyncadd.s32 $0xFFFFEC00  }
0x94: {  	[spmem:s3] =	stream.indirect.scatter.add.f32 [tilespmem:s23], [sflag:$0x6], $0x40, s10, s19, $0xb8;
	[tilespmem:$0x18880] =	vst v63  }
0x95: {  	_ =	swait.ge [sflag:s31], $0x1400  }
0x96: {  	[sflag:s31] =	ssyncset.done $0x0  }
0x97: {  	s10 =	sadd.s32 $0x50A0, s15;
	[sflag:s31] =	ssyncadd.s32 $0xFFFFEC00  }
0x98: {  	[tilespmem:s21], [sflag:$0x1] =	stream.indirect.gather [hbm4b:s1+s19], $0x40, s10, s19, $0xb8;
	[tilespmem:$0x18880] =	vst v63  }
0x99: {  	_ =	swait.ge [sflag:s20], $0x1400  }
0x9a: {  	[sflag:s20] =	ssyncset.done $0x0  }
0x9b: {  	p2 =	sgt.u32 s14, $0x1D;
	s10 =	sadd.s32 $0x28F0, s15;
	[sflag:s20] =	ssyncadd.s32 $0xFFFFEC00  }
0x9c: {  	[spmem:s3] =	stream.indirect.scatter.add.f32 [tilespmem:s25], [sflag:$0x7], $0x40, s10, s19, $0xb8;
	[tilespmem:$0x18880] =	vst v63  }
0x9d: {  	s22 =	simm.s32 @!p2 $0xB040;
	_ =	swait.ge [sflag:s24], $0x1400  }
0x9e: {  	s10 =	sshra.s32 @!p2 s30, $0x2;
	s30 =	simm.s32 @!p2 $0x50;
	[sflag:s24] =	ssyncset.done $0x0  }
.Ltmp1:
0x9f: {  	s10 =	sadd.s32 @!p2 $0x50F0, s10;
	[sflag:s24] =	ssyncadd.s32 $0xFFFFEC00;
	(pc) =	sbr.rel @p1 .LBB2_4-.Ltmp1, $4  }
0xa0: {  	[tilespmem:s22], [sflag:$0x2] =	stream.indirect.gather @!p2 [hbm4b:s1+s30], $0x40, s10, s30, $0xb8;
	[tilespmem:$0x18880] =	vst v63  }
0xa1: {  	_ =	swait.ge [sflag:s2], $0x1400  }
0xa2: {  	[sflag:s2] =	ssyncset.done $0x0  }
0xa3: {  	s14 =	sadd.s32 $0x1, s14;
	s15 =	sadd.s32 $0x2940, s15;
	[sflag:s2] =	ssyncadd.s32 $0xFFFFEC00  }
0xa4: {  	[spmem:s3] =	stream.indirect.scatter.add.f32 [tilespmem:s28], [sflag:$0x8], $0x40, s15, s19, $0xb8;
	[tilespmem:$0x18880] =	vst v63  }
0xa5: {  	_ =	swait.ge [sflag:s0], $0x1400  }
0xa6: {  	[sflag:s0] =	ssyncset.done $0x0  }
0xa7: {  	[sflag:s0] =	ssyncadd.s32 $0xFFFFEC00  }
0xa8: {  	_ =	swait.ge [sflag:s5], $0x1400  }
0xa9: {  	s10 =	sshra.s32 s13, $0x2;
	[sflag:s5] =	ssyncset.done $0x0  }
0xaa: {  	s10 =	sadd.s32 $0x2850, s10;
	[sflag:s5] =	ssyncadd.s32 $0xFFFFEC00  }
0xab: {  	[spmem:s3] =	stream.indirect.scatter.add.f32 [tilespmem:s21], [sflag:$0x5], $0x40, s10, s19, $0xb8;
	[tilespmem:$0x18880] =	vst v63  }
0xac: {  	_ =	swait.ge [sflag:s6], $0x1400  }
0xad: {  	[sflag:s6] =	ssyncset.done $0x0  }
0xae: {  	[sflag:s6] =	ssyncadd.s32 $0xFFFFEC00  }
0xaf: {  	_ =	swait.ge [sflag:s31], $0x1400  }
0xb0: {  	[sflag:s31] =	ssyncset.done $0x0  }
0xb1: {  	[sflag:s31] =	ssyncadd.s32 $0xFFFFEC00  }
0xb2: {  	s13 =	simm.s32 @p0 $0x10;
	s14 =	simm.s32 @p0 $0x8;
	[bflag:$0x0] =	sbarrier.arrive $0xFFFF  }
0xb3: {  	s15 =	simm.s32 @p0 $0x1FC9;
	s10 =	simm.s32 @p0 $0x1;
	s22 =	rddreg [dreg:$0x9]  }
0xb4: {  	[hbm:s22@s13], [sflag:s15] =	dma.strided @p0 [spmem:s18@s14], $0x1040, s10, $0x8   }
0xb5: {  	s10 =	simm.s32 @p0 $0x9  }
0xb6: {  	_ =	swait.ge @p0 [sflag:s10], $0x1040  }
0xb7: {  	[sflag:s10] =	ssyncset.done @p0 $0x0  }
0xb8: {  	[sflag:s10] =	ssyncadd.s32 @p0 $0xFFFFEFC0  }
0xb9: {  	[spmem:s18], [sflag:s15] =	dma.local @p0 [hbm:s9], $0x1040  }
0xba: {  	_ =	swait.ge @p0 [sflag:s10], $0x1040  }
0xbb: {  	s14 =	simm.s32 @!p0 $0x10;
	[sflag:s10] =	ssyncset.done @p0 $0x0  }
0xbc: {  	s15 =	simm.s32 @!p0 $0x8;
	[sflag:s10] =	ssyncadd.s32 @p0 $0xFFFFEFC0;
	s10 =	rddreg [dreg:$0x8]  }
0xbd: {  	s22 =	rddreg [dreg:$0x7];
	s13 =	sshrl.u32 @!p0 s10, $0x3;
	s10 =	simm.s32 @!p0 $0x1  }
0xbe: {  	[hbm:s22@s14], [sflag:s11] =	dma.strided @!p0 [spmem:s13@s15], $0x13C0, s10, $0x8   }
0xbf: {  	s10 =	simm.s32 @!p0 $0x9  }
0xc0: {  	_ =	swait.ge @!p0 [sflag:s10], $0x13C0  }
0xc1: {  	[sflag:s10] =	ssyncset.done @!p0 $0x0  }
0xc2: {  	[sflag:s10] =	ssyncadd.s32 @!p0 $0xFFFFEC40  }
0xc3: {  	[spmem:s12], [sflag:s11] =	dma.local @!p0 [hbm:s8], $0x13C0  }
0xc4: {  	_ =	swait.ge @!p0 [sflag:s10], $0x13C0  }
0xc5: {  	[sflag:s10] =	ssyncset.done @!p0 $0x0  }
0xc6: {  	s12 =	simm.s32 $0x7530;
	[sflag:s10] =	ssyncadd.s32 @!p0 $0xFFFFEC40  }
0xc7: {  	[tilespmem:s21], [sflag:$0x1] =	stream.indirect.gather [hbm4b:s1+s19], $0x40, s12, s19, $0xb8;
	[tilespmem:$0x18880] =	vst v63  }
0xc8: {  	s14 =	simm.s32 $0x7580  }
0xc9: {  	[tilespmem:s23], [sflag:$0x2] =	stream.indirect.gather [hbm4b:s1+s19], $0x40, s14, s19, $0xb8;
	[tilespmem:$0x18880] =	vst v63  }
0xca: {  	s15 =	simm.s32 $0x75D0;
	s22 =	simm.s32 $0x1;
	[bflag:$0x0] =	sbarrier.arrive $0xFFFF  }
0xcb: {  	[tilespmem:s25], [sflag:$0x3] =	stream.indirect.gather [hbm4b:s1+s19], $0x40, s15, s19, $0xb8;
	[tilespmem:$0x18880] =	vst v63  }
0xcc: {  	_ =	swait.ge [sflag:s22], $0x1400  }
0xcd: {  	[sflag:s22] =	ssyncset.done $0x0  }
0xce: {  	[sflag:s22] =	ssyncadd.s32 $0xFFFFEC00  }
0xcf: {  	[spmem:s3] =	stream.indirect.scatter.add.f32 [tilespmem:s21], [sflag:$0x5], $0x40, s17, s19, $0xb8;
	[tilespmem:$0x18880] =	vst v63  }
0xd0: {  	s30 =	simm.s32 $0x7620  }
0xd1: {  	[tilespmem:s28], [sflag:$0x4] =	stream.indirect.gather [hbm4b:s1+s19], $0x40, s30, s19, $0xb8;
	[tilespmem:$0x18880] =	vst v63  }
0xd2: {  	_ =	swait.ge [sflag:s29], $0x1400  }
0xd3: {  	[sflag:s29] =	ssyncset.done $0x0  }
0xd4: {  	s12 =	simm.s32 $0x2760;
	[sflag:s29] =	ssyncadd.s32 $0xFFFFEC00  }
0xd5: {  	[spmem:s3] =	stream.indirect.scatter.add.f32 [tilespmem:s23], [sflag:$0x6], $0x40, s12, s19, $0xb8;
	[tilespmem:$0x18880] =	vst v63  }
0xd6: {  	_ =	swait.ge [sflag:s31], $0x1400  }
0xd7: {  	[sflag:s31] =	ssyncset.done $0x0  }
0xd8: {  	s14 =	simm.s32 $0x7670;
	[sflag:s31] =	ssyncadd.s32 $0xFFFFEC00  }
0xd9: {  	[tilespmem:s21], [sflag:$0x1] =	stream.indirect.gather [hbm4b:s1+s19], $0x40, s14, s19, $0xb8;
	[tilespmem:$0x18880] =	vst v63  }
0xda: {  	_ =	swait.ge [sflag:s20], $0x1400  }
0xdb: {  	[sflag:s20] =	ssyncset.done $0x0  }
0xdc: {  	s15 =	simm.s32 $0x27B0;
	[sflag:s20] =	ssyncadd.s32 $0xFFFFEC00  }
0xdd: {  	[spmem:s3] =	stream.indirect.scatter.add.f32 [tilespmem:s25], [sflag:$0x7], $0x40, s15, s19, $0xb8;
	[tilespmem:$0x18880] =	vst v63  }
0xde: {  	_ =	swait.ge [sflag:s24], $0x1400  }
0xdf: {  	[sflag:s24] =	ssyncset.done $0x0  }
0xe0: {  	s22 =	simm.s32 $0x76C0;
	[sflag:s24] =	ssyncadd.s32 $0xFFFFEC00  }
0xe1: {  	[tilespmem:s23], [sflag:$0x2] =	stream.indirect.gather [hbm4b:s1+s19], $0x40, s22, s19, $0xb8;
	[tilespmem:$0x18880] =	vst v63  }
0xe2: {  	_ =	swait.ge [sflag:s2], $0x1400  }
0xe3: {  	[sflag:s2] =	ssyncset.done $0x0  }
0xe4: {  	[sflag:s2] =	ssyncadd.s32 $0xFFFFEC00  }
0xe5: {  	[spmem:s3] =	stream.indirect.scatter.add.f32 [tilespmem:s28], [sflag:$0x8], $0x40, s26, s19, $0xb8;
	[tilespmem:$0x18880] =	vst v63  }
0xe6: {  	_ =	swait.ge [sflag:s0], $0x1400  }
0xe7: {  	[sflag:s0] =	ssyncset.done $0x0  }
0xe8: {  	s30 =	simm.s32 $0x7710;
	[sflag:s0] =	ssyncadd.s32 $0xFFFFEC00  }
0xe9: {  	[tilespmem:s25], [sflag:$0x3] =	stream.indirect.gather [hbm4b:s1+s19], $0x40, s30, s19, $0xb8;
	[tilespmem:$0x18880] =	vst v63  }
0xea: {  	_ =	swait.ge [sflag:s5], $0x1400  }
0xeb: {  	[sflag:s5] =	ssyncset.done $0x0  }
0xec: {  	s12 =	simm.s32 $0x2850;
	[sflag:s5] =	ssyncadd.s32 $0xFFFFEC00  }
0xed: {  	[spmem:s3] =	stream.indirect.scatter.add.f32 [tilespmem:s21], [sflag:$0x5], $0x40, s12, s19, $0xb8;
	[tilespmem:$0x18880] =	vst v63  }
0xee: {  	_ =	swait.ge [sflag:s6], $0x1400  }
0xef: {  	[sflag:s6] =	ssyncset.done $0x0  }
0xf0: {  	s14 =	simm.s32 $0x7760;
	[sflag:s6] =	ssyncadd.s32 $0xFFFFEC00  }
0xf1: {  	[tilespmem:s28], [sflag:$0x4] =	stream.indirect.gather [hbm4b:s1+s19], $0x40, s14, s19, $0xb8;
	[tilespmem:$0x18880] =	vst v63  }
0xf2: {  	_ =	swait.ge [sflag:s29], $0x1400  }
0xf3: {  	[sflag:s29] =	ssyncset.done $0x0  }
0xf4: {  	s15 =	simm.s32 $0x28A0;
	[sflag:s29] =	ssyncadd.s32 $0xFFFFEC00  }
0xf5: {  	[spmem:s3] =	stream.indirect.scatter.add.f32 [tilespmem:s23], [sflag:$0x6], $0x40, s15, s19, $0xb8;
	[tilespmem:$0x18880] =	vst v63  }
0xf6: {  	_ =	swait.ge [sflag:s31], $0x1400  }
0xf7: {  	[sflag:s31] =	ssyncset.done $0x0  }
0xf8: {  	s22 =	simm.s32 $0x77B0;
	[sflag:s31] =	ssyncadd.s32 $0xFFFFEC00  }
0xf9: {  	[tilespmem:s21], [sflag:$0x1] =	stream.indirect.gather [hbm4b:s1+s19], $0x40, s22, s19, $0xb8;
	[tilespmem:$0x18880] =	vst v63  }
0xfa: {  	_ =	swait.ge [sflag:s20], $0x1400  }
0xfb: {  	[sflag:s20] =	ssyncset.done $0x0  }
0xfc: {  	s30 =	simm.s32 $0x28F0;
	[sflag:s20] =	ssyncadd.s32 $0xFFFFEC00  }
0xfd: {  	[spmem:s3] =	stream.indirect.scatter.add.f32 [tilespmem:s25], [sflag:$0x7], $0x40, s30, s19, $0xb8;
	[tilespmem:$0x18880] =	vst v63  }
0xfe: {  	p1 =	por $0x0, $0x0;
	_ =	swait.ge [sflag:s24], $0x1400  }
0xff: {  	s10 =	simm.s32 @!p1 $0xB040;
	[sflag:s24] =	ssyncset.done $0x0  }
0x100: {  	s12 =	simm.s32 @!p1 $0x7800;
	s14 =	simm.s32 @!p1 $0x50;
	[sflag:s24] =	ssyncadd.s32 $0xFFFFEC00  }
0x101: {  	[tilespmem:s10], [sflag:$0x2] =	stream.indirect.gather @!p1 [hbm4b:s1+s14], $0x40, s12, s14, $0xb8;
	[tilespmem:$0x18880] =	vst v63  }
0x102: {  	_ =	swait.ge [sflag:s2], $0x1400  }
0x103: {  	s15 =	simm.s32 $0x2940;
	[sflag:s2] =	ssyncset.done $0x0  }
0x104: {  	s12 =	simm.s32 $0x500;
	s14 =	simm.s32 $0x2;
	[sflag:s2] =	ssyncadd.s32 $0xFFFFEC00  }
.LBB2_6:
0x105: {  	[spmem:s3] =	stream.indirect.scatter.add.f32 [tilespmem:s28], [sflag:$0x8], $0x40, s15, s19, $0xb8;
	[tilespmem:$0x18880] =	vst v63  }
0x106: {  	s30 =	smov.u32 s12;
	s12 =	sadd.s32 $0x500, s12  }
0x107: {  	p1 =	sne.s32 s12, $0x9600;
	_ =	swait.ge [sflag:s0], $0x1400  }
0x108: {  	s15 =	sshra.s32 s30, $0x2;
	[sflag:s0] =	ssyncset.done $0x0  }
0x109: {  	s10 =	sadd.s32 $0x7710, s15;
	[sflag:s0] =	ssyncadd.s32 $0xFFFFEC00  }
0x10a: {  	[tilespmem:s25], [sflag:$0x3] =	stream.indirect.gather [hbm4b:s1+s19], $0x40, s10, s19, $0xb8;
	[tilespmem:$0x18880] =	vst v63  }
0x10b: {  	_ =	swait.ge [sflag:s5], $0x1400  }
0x10c: {  	[sflag:s5] =	ssyncset.done $0x0  }
0x10d: {  	s10 =	sadd.s32 $0x2850, s15;
	[sflag:s5] =	ssyncadd.s32 $0xFFFFEC00  }
0x10e: {  	[spmem:s3] =	stream.indirect.scatter.add.f32 [tilespmem:s21], [sflag:$0x5], $0x40, s10, s19, $0xb8;
	[tilespmem:$0x18880] =	vst v63  }
0x10f: {  	_ =	swait.ge [sflag:s6], $0x1400  }
0x110: {  	[sflag:s6] =	ssyncset.done $0x0  }
0x111: {  	s10 =	sadd.s32 $0x7760, s15;
	[sflag:s6] =	ssyncadd.s32 $0xFFFFEC00  }
0x112: {  	[tilespmem:s28], [sflag:$0x4] =	stream.indirect.gather [hbm4b:s1+s19], $0x40, s10, s19, $0xb8;
	[tilespmem:$0x18880] =	vst v63  }
0x113: {  	_ =	swait.ge [sflag:s29], $0x1400  }
0x114: {  	[sflag:s29] =	ssyncset.done $0x0  }
0x115: {  	s10 =	sadd.s32 $0x28A0, s15;
	[sflag:s29] =	ssyncadd.s32 $0xFFFFEC00  }
0x116: {  	[spmem:s3] =	stream.indirect.scatter.add.f32 [tilespmem:s23], [sflag:$0x6], $0x40, s10, s19, $0xb8;
	[tilespmem:$0x18880] =	vst v63  }
0x117: {  	_ =	swait.ge [sflag:s31], $0x1400  }
0x118: {  	[sflag:s31] =	ssyncset.done $0x0  }
0x119: {  	s10 =	sadd.s32 $0x77B0, s15;
	[sflag:s31] =	ssyncadd.s32 $0xFFFFEC00  }
0x11a: {  	[tilespmem:s21], [sflag:$0x1] =	stream.indirect.gather [hbm4b:s1+s19], $0x40, s10, s19, $0xb8;
	[tilespmem:$0x18880] =	vst v63  }
0x11b: {  	_ =	swait.ge [sflag:s20], $0x1400  }
0x11c: {  	[sflag:s20] =	ssyncset.done $0x0  }
0x11d: {  	p2 =	sgt.u32 s14, $0x1D;
	s10 =	sadd.s32 $0x28F0, s15;
	[sflag:s20] =	ssyncadd.s32 $0xFFFFEC00  }
0x11e: {  	[spmem:s3] =	stream.indirect.scatter.add.f32 [tilespmem:s25], [sflag:$0x7], $0x40, s10, s19, $0xb8;
	[tilespmem:$0x18880] =	vst v63  }
0x11f: {  	s22 =	simm.s32 @!p2 $0xB040;
	_ =	swait.ge [sflag:s24], $0x1400  }
0x120: {  	s10 =	sshra.s32 @!p2 s30, $0x2;
	s30 =	simm.s32 @!p2 $0x50;
	[sflag:s24] =	ssyncset.done $0x0  }
.Ltmp2:
0x121: {  	s10 =	sadd.s32 @!p2 $0x7800, s10;
	[sflag:s24] =	ssyncadd.s32 $0xFFFFEC00;
	(pc) =	sbr.rel @p1 .LBB2_6-.Ltmp2, $4  }
0x122: {  	[tilespmem:s22], [sflag:$0x2] =	stream.indirect.gather @!p2 [hbm4b:s1+s30], $0x40, s10, s30, $0xb8;
	[tilespmem:$0x18880] =	vst v63  }
0x123: {  	_ =	swait.ge [sflag:s2], $0x1400  }
0x124: {  	[sflag:s2] =	ssyncset.done $0x0  }
0x125: {  	s14 =	sadd.s32 $0x1, s14;
	s15 =	sadd.s32 $0x2940, s15;
	[sflag:s2] =	ssyncadd.s32 $0xFFFFEC00  }
0x126: {  	[spmem:s3] =	stream.indirect.scatter.add.f32 [tilespmem:s28], [sflag:$0x8], $0x40, s15, s19, $0xb8;
	[tilespmem:$0x18880] =	vst v63  }
0x127: {  	_ =	swait.ge [sflag:s0], $0x1400  }
0x128: {  	[sflag:s0] =	ssyncset.done $0x0  }
0x129: {  	[sflag:s0] =	ssyncadd.s32 $0xFFFFEC00  }
0x12a: {  	_ =	swait.ge [sflag:s5], $0x1400  }
0x12b: {  	s10 =	sshra.s32 s12, $0x2;
	[sflag:s5] =	ssyncset.done $0x0  }
0x12c: {  	s10 =	sadd.s32 $0x2850, s10;
	[sflag:s5] =	ssyncadd.s32 $0xFFFFEC00  }
0x12d: {  	[spmem:s3] =	stream.indirect.scatter.add.f32 [tilespmem:s21], [sflag:$0x5], $0x40, s10, s19, $0xb8;
	[tilespmem:$0x18880] =	vst v63  }
0x12e: {  	_ =	swait.ge [sflag:s6], $0x1400  }
0x12f: {  	[sflag:s6] =	ssyncset.done $0x0  }
0x130: {  	[sflag:s6] =	ssyncadd.s32 $0xFFFFEC00  }
0x131: {  	_ =	swait.ge [sflag:s31], $0x1400  }
0x132: {  	[sflag:s31] =	ssyncset.done $0x0  }
0x133: {  	[sflag:s31] =	ssyncadd.s32 $0xFFFFEC00  }
0x134: {  	s12 =	simm.s32 @p0 $0x10;
	s14 =	simm.s32 @p0 $0x8;
	[bflag:$0x0] =	sbarrier.arrive $0xFFFF  }
0x135: {  	s15 =	simm.s32 @p0 $0x1FC9;
	s10 =	simm.s32 @p0 $0x1;
	s22 =	rddreg [dreg:$0xb]  }
0x136: {  	[hbm:s22@s12], [sflag:s15] =	dma.strided @p0 [spmem:s18@s14], $0x1040, s10, $0x8   }
0x137: {  	s10 =	simm.s32 @p0 $0x9  }
0x138: {  	_ =	swait.ge @p0 [sflag:s10], $0x1040  }
0x139: {  	s12 =	simm.s32 @!p0 $0x10;
	s14 =	simm.s32 @!p0 $0x8;
	[sflag:s10] =	ssyncset.done @p0 $0x0  }
0x13a: {  	s15 =	rddreg [dreg:$0xa];
	[sflag:s10] =	ssyncadd.s32 @p0 $0xFFFFEFC0;
	s10 =	simm.s32 @!p0 $0x1  }
0x13b: {  	[hbm:s15@s12], [sflag:s11] =	dma.strided @!p0 [spmem:s13@s14], $0x13C0, s10, $0x8   }
0x13c: {  	s10 =	simm.s32 @!p0 $0x9  }
0x13d: {  	_ =	swait.ge @!p0 [sflag:s10], $0x13C0  }
0x13e: {  	s7 =	sadd.s32 $0x1, s7;
	s30 =	rddreg [dreg:$0xc]  }
0x13f: {  	p1 =	sne.s32 s7, s30  }
.Ltmp3:
0x140: {  	_ = 	snop;
	(pc) =	sbr.rel @p1 .LBB2_1-.Ltmp3, $3  }
0x141: {  	_ =	sdelay $0x1  }
0x142: {  	[sflag:s10] =	ssyncset.done @!p0 $0x0  }
0x143: {  	[sflag:s10] =	ssyncadd.s32 @!p0 $0xFFFFEC40  }
0x144: {  	_ =	sfence.sel $0x180000  }
0x145: {  	[bflag:$0x0] =	sbarrier.arrive $0xFFFF  }
0x146: {  	_ =	strace $0x9000004D  }
0x147: {  	s0 =	stileid.u32;
	[bflag:$0x2] =	sbarrier.arrive $0xFFFF  }
0x148: {  	p0 =	sne.s32 s0, $0x0;
	s0 =	rddreg [dreg:$0x3]  }
0x149: {  	s0 =	sadd.s32 @!p0 $0x100000, s0  }
0x14a: {  	[sflag:s0] =	ssyncadd.tile.s32 @!p0 $0x1;
	_ =	shalt  }
.Lfunc_end2:
_tile_overlayer_lowered:
.L_overlay_start_2:
0x14b: {  	(tag) =	ssettag $0x2  }
0x14c: {  	s0 =	rddreg [dreg:$0x0];
	s2 =	stileid.u32  }
0x14d: {  	s1 =	rddreg [dreg:$0x1];
	p0 =	sne.s32 s2, $0x0  }
0x14e: {  	s3 =	rddreg [dreg:$0x2];
	[bflag:$0x3] =	sbarrier.arrive $0xFFFF;
	s2 =	simm.s32 @!p0 $0x1C09  }
0x14f: {  	[timem:s3], [sflag:s2] =	dma.local @!p0 [hbm:s0], s1  }
0x150: {  	s0 =	simm.s32 @!p0 $0x9  }
0x151: {  	_ =	swait.ge @!p0 [sflag:s0], s1  }
0x152: {  	s1 =	ssub.s32 @!p0 $0x0, s1;
	[sflag:s0] =	ssyncset.done @!p0 $0x0  }
0x153: {  	[sflag:s0] =	ssyncadd.s32 @!p0 s1  }
0x154: {  	[bflag:$0x3] =	sbarrier.arrive $0xFFFF  }
0x155: {  	_ =	shalt  }

// kernel: kernel.8.cloned.1.call-start
scs
__scs_entry_jumppad:
0x0: {  	(pc) =	sbr.rel $0x88, $3  }
0x1: {  	(tag) =	ssettag $0x0;
	lr =	simm.s32 $0x1  }
0x2: {  	[smem:$0x3F9B] =	sst lr;
	_ =	strace $0xD0000000  }
0x3: {  	_ = 	snop  }
0x4: {  	_ = 	snop  }
0x5: {  	_ = 	snop  }
0x6: {  	_ = 	snop  }
0x7: {  	_ = 	snop  }
__scs_overlays_trampoline_lowered:
0x8: {  	[smem:$0x3FAA] =	sst s0  }
0x9: {  	[smem:$0x3FAB] =	sst s1  }
0xa: {  	[smem:$0x3FAC] =	sst s2  }
0xb: {  	[smem:$0x3FAD] =	sst s3  }
0xc: {  	[smem:$0x3FAE] =	sst s4  }
0xd: {  	[smem:$0x3FAF] =	sst s5  }
0xe: {  	[smem:$0x3FB0] =	sst s6  }
0xf: {  	[smem:$0x3FB1] =	sst s7  }
0x10: {  	[smem:$0x3FB2] =	sst s8  }
0x11: {  	[smem:$0x3FB3] =	sst s9;
	s0 =	simm.s32 @!p0 $0x0  }
0x12: {  	s1 =	sld [smem:$0x3F99];
	s0 =	simm.s32 @p0 $0x1  }
0x13: {  	[smem:$0x3FB4] =	sst s0;
	s0 =	simm.s32 @!p1 $0x0  }
0x14: {  	s2 =	sld [smem:$0x3F98];
	s0 =	simm.s32 @p1 $0x1  }
0x15: {  	[smem:$0x3FB5] =	sst s0;
	s0 =	simm.s32 @!p2 $0x0  }
0x16: {  	s3 =	sld [smem:$0x3FDB];
	s0 =	simm.s32 @p2 $0x1  }
0x17: {  	s4 =	simm.s32 $0x1BF5;
	[smem:$0x3FB7] =	sst s0  }
0x18: {  	s0 =	sld [smem:$0x3F9A];
	_ =	swait.ge [sflag:s4], $0x0  }
0x19: {  	s7 =	sld [smem:$0x3F9B]  }
0x1a: {  	s8 =	sadd.s32 $0xFFFFE003, lr  }
0x1b: {  	s9 =	sadd.s32 $0xFFFFFEF7, lr;
	s5 =	simm.s32 $0xFFFFFFFF;
	p2 =	slt.u32 s8, $0xFFFFF086  }
0x1c: {  	p1 =	slt.u32 s9, $0xF7A;
	s5 =	simm.s32 @!p2 $0x0  }
0x1d: {  	s5 =	simm.s32 @p1 $0x1;
	p0 =	seq.s32 s7, s2  }
0x1e: {  	s7 =	smul.u32 @!p0 $0xF7A, s2;
	p2 =	seq.s32 @!p0 s5, $0x0  }
0x1f: {  	s9 =	smul.u32 $0xF7A, s1;
	s8 =	simm.s32 @!p0 $0x1BF5;
	p2 =	por !p2, p0  }
0x20: {  	[sflag:s8] =	ssyncset.s32 @!p0 $0xFFFFF086;
	s6 =	sadd.s32 @!p0 s3, s7;
	s7 =	simm.s32 @!p0 $0x108  }
0x21: {  	s3 =	sadd.s32 s3, s9;
	s6 =	sadd.s32 @!p0 $0x88, s6;
	s7 =	simm.s32 @p2 $0x1082  }
0x22: {  	[simem:s7], [sflag:s8] =	dma.local @!p0 [hbm:s6], $0xF7A  }
0x23: {  	s9 =	sor.u32 $0xD0000000, s2;
	s6 =	simm.s32 $0x108;
	_ =	swait.ge @!p0 [sflag:s8], $0x0  }
0x24: {  	s3 =	sadd.s32 $0x88, s3;
	s6 =	simm.s32 @!p1 $0x1082;
	[sflag:s4] =	ssyncset.s32 $0xFFFFF086  }
0x25: {  	[simem:s6], [sflag:s4] =	dma.local [hbm:s3], $0xF7A  }
0x26: {  	[smem:$0x3F9B] =	sst s1;
	(tag) =	ssettag s2;
	_ =	strace s9  }
0x27: {  	s1 =	sld [smem:$0x3FAB]  }
0x28: {  	s2 =	sld [smem:$0x3FAC]  }
0x29: {  	s4 =	sld [smem:$0x3FAE]  }
0x2a: {  	p0 =	seq.s32 s5, $0x0;
	s5 =	sld [smem:$0x3FAF]  }
0x2b: {  	s6 =	sld [smem:$0x3FB0]  }
0x2c: {  	s7 =	sld [smem:$0x3FB1]  }
0x2d: {  	s3 =	simm.s32 $0x108;
	s8 =	sld [smem:$0x3FB2]  }
0x2e: {  	s3 =	simm.s32 @!p0 $0x1082;
	s9 =	sld [smem:$0x3FB3]  }
0x2f: {  	lr =	sadd.s32 s0, s3;
	s0 =	sld [smem:$0x3FAA]  }
0x30: {  	s3 =	sld [smem:$0x3FAD]  }
0x31: {  	[smem:$0x3FB6] =	sst s10  }
0x32: {  	s10 =	sld [smem:$0x3FB4];
	_ =	sdelay $0x3  }
0x33: {  	p0 =	seq.s32 s10, $0x1;
	s10 =	sld [smem:$0x3FB6];
	_ =	sdelay $0x3  }
0x34: {  	[smem:$0x3FB6] =	sst s10  }
0x35: {  	s10 =	sld [smem:$0x3FB5];
	_ =	sdelay $0x3  }
0x36: {  	p1 =	seq.s32 s10, $0x1;
	s10 =	sld [smem:$0x3FB6];
	_ =	sdelay $0x3  }
0x37: {  	[smem:$0x3FB6] =	sst s10  }
0x38: {  	s10 =	sld [smem:$0x3FB7]  }
0x39: {  	_ = 	snop;
	(pc) =	sbr.ind lr, $3  }
0x3a: {  	_ = 	snop  }
0x3b: {  	_ = 	snop  }
0x3c: {  	p2 =	seq.s32 s10, $0x1;
	s10 =	sld [smem:$0x3FB6]  }
0x3d: {  	_ =	shalt  }
0x3e: {  	_ =	shalt  }
0x3f: {  	_ =	shalt  }
0x40: {  	_ =	shalt  }
0x41: {  	_ =	shalt  }
0x42: {  	_ =	shalt  }
0x43: {  	_ =	shalt  }
0x44: {  	_ =	shalt  }
0x45: {  	_ =	shalt  }
0x46: {  	_ =	shalt  }
0x47: {  	_ =	shalt  }
0x48: {  	_ =	shalt  }
0x49: {  	_ =	shalt  }
0x4a: {  	_ =	shalt  }
0x4b: {  	_ =	shalt  }
0x4c: {  	_ =	shalt  }
0x4d: {  	_ =	shalt  }
0x4e: {  	_ =	shalt  }
0x4f: {  	_ =	shalt  }
0x50: {  	_ =	shalt  }
0x51: {  	_ =	shalt  }
0x52: {  	_ =	shalt  }
0x53: {  	_ =	shalt  }
0x54: {  	_ =	shalt  }
0x55: {  	_ =	shalt  }
0x56: {  	_ =	shalt  }
0x57: {  	_ =	shalt  }
0x58: {  	_ =	shalt  }
0x59: {  	_ =	shalt  }
0x5a: {  	_ =	shalt  }
0x5b: {  	_ =	shalt  }
0x5c: {  	_ =	shalt  }
0x5d: {  	_ =	shalt  }
0x5e: {  	_ =	shalt  }
0x5f: {  	_ =	shalt  }
0x60: {  	_ =	shalt  }
0x61: {  	_ =	shalt  }
0x62: {  	_ =	shalt  }
0x63: {  	_ =	shalt  }
0x64: {  	_ =	shalt  }
0x65: {  	_ =	shalt  }
0x66: {  	_ =	shalt  }
0x67: {  	_ =	shalt  }
0x68: {  	_ =	shalt  }
0x69: {  	_ =	shalt  }
0x6a: {  	_ =	shalt  }
0x6b: {  	_ =	shalt  }
0x6c: {  	_ =	shalt  }
0x6d: {  	_ =	shalt  }
0x6e: {  	_ =	shalt  }
0x6f: {  	_ =	shalt  }
0x70: {  	_ =	shalt  }
0x71: {  	_ =	shalt  }
0x72: {  	_ =	shalt  }
0x73: {  	_ =	shalt  }
0x74: {  	_ =	shalt  }
0x75: {  	_ =	shalt  }
0x76: {  	_ =	shalt  }
0x77: {  	_ =	shalt  }
0x78: {  	_ =	shalt  }
0x79: {  	_ =	shalt  }
0x7a: {  	_ =	shalt  }
0x7b: {  	_ =	shalt  }
0x7c: {  	_ =	shalt  }
0x7d: {  	_ =	shalt  }
0x7e: {  	_ =	shalt  }
0x7f: {  	_ =	shalt  }
0x80: {  	_ =	shalt  }
0x81: {  	_ =	shalt  }
0x82: {  	_ =	shalt  }
0x83: {  	_ =	shalt  }
0x84: {  	_ =	shalt  }
0x85: {  	_ =	shalt  }
0x86: {  	_ =	shalt  }
0x87: {  	_ =	shalt  }
.Lfunc_end0:
.L_simem_size_0:
called_computation_lowered:
.L_overlay_start_0:
0x88: {  	s2 =	sld [smem:$0x3FD9]  }
0x89: {  	s3 =	sld [smem:$0x3FFE];
	_ =	sdelay $0x1  }
0x8a: {  	s1 =	srdreg.scid  }
0x8b: {  	s0 =	sand.u32 $0x1, s1  }
0x8c: {  	s17 =	sshll.u32 s0, $0xA;
	s2 =	sadd.s32 s3, s2  }
0x8d: {  	s2 =	sadd.s32 s2, s17  }
0x8e: {  	[smem:$0x3FC2] =	sst s2  }
0x8f: {  	_ = 	snop  }
0x90: {  	s2 =	sld [smem:$0x3FD0];
	(tm) =	ssettm $0x1  }
0x91: {  	s18 =	sld [smem:$0x3FFB];
	_ =	sdelay $0x3  }
0x92: {  	_ =	strace s18  }
0x93: {  	s3 =	sld [smem:$0x3FFC];
	_ =	sdelay $0x3  }
0x94: {  	_ =	strace s3  }
0x95: {  	s3 =	sld [smem:$0x3FFD];
	_ =	sdelay $0x3  }
0x96: {  	_ =	strace s3  }
0x97: {  	_ =	strace $0x8FFFFFFF  }
0x98: {  	s19 =	sld [smem:$0x3FDB];
	_ =	sdelay $0x1  }
0x99: {  	s4 =	simm.s32 $_scs_section_size  }
0x9a: {  	s5 =	simm.s32 $_size__tile_overlayer_lowered;
	s6 =	simm.s32 $_tile_overlayer_lowered  }
0x9b: {  	s22 =	simm.s32 $0x1BFF;
	s21 =	sshll.u32 s6, $0x1;
	s3 =	sadd.s32 s4, s19  }
0x9c: {  	s7 =	simm.s32 $0x0;
	s20 =	sshll.u32 s5, $0x1;
	s5 =	sadd.s32 s21, s3  }
0x9d: {  	[timem:s7], [sflag:s22] =	dma.local [hbm:s5], s20  }
0x9e: {  	_ =	swait.ge [sflag:s22], s20  }
0x9f: {  	s4 =	ssub.s32 $0x0, s20;
	[sflag:s22] =	ssyncset.done $0x0  }
0xa0: {  	[sflag:s22] =	ssyncadd.s32 s4;
	_ =	sdelay $0x1  }
0xa1: {  	s23 =	simm.s32 $0x1B8B  }
0xa2: {  	_ =	swait.ge [sflag:s23], $0x1  }
0xa3: {  	[sflag:s23] =	ssyncset.done $0x0  }
0xa4: {  	s25 =	simm.s32 $0x1B8E;
	s24 =	sld [smem:$0x3FFE];
	[sflag:s23] =	ssyncadd.s32 $0xFFFFFFFF  }
0xa5: {  	s26 =	simm.s32 $execute0_lowered;
	[smem:$0x3FD2] =	sst s25  }
0xa6: {  	s5 =	sshll.u32 s26, $0x1;
	_ =	strace $0x80000046;
	[dreg:$0x1] =	wrdreg $0xFFFFFFFF  }
0xa7: {  	s28 =	simm.s32 $_size_execute0_lowered;
	s3 =	sadd.s32 s3, s5;
	[dreg:$0x0] =	wrdreg $0x0  }
0xa8: {  	s5 =	sshll.u32 s28, $0x1;
	[dreg:$0x2] =	wrdreg s3  }
0xa9: {  	[dreg:$0x3] =	wrdreg s5  }
0xaa: {  	[dreg:$0x4] =	wrdreg $0xC0  }
0xab: {  	_ =	task [dreg:s7], $0x5FFFF  }
0xac: {  	[dreg:$0x1] =	wrdreg $0xFFFFFFFF  }
0xad: {  	[dreg:$0x0] =	wrdreg $0x60  }
0xae: {  	[dreg:$0x2] =	wrdreg s2  }
0xaf: {  	[dreg:$0x3] =	wrdreg s24  }
0xb0: {  	[dreg:$0x4] =	wrdreg $0x40800  }
0xb1: {  	[dreg:$0x5] =	wrdreg $0x9  }
0xb2: {  	_ =	task.clear_ibuf [dreg:s7], $0x6FFFF;
	_ =	strace $0x90000046  }
0xb3: {  	s29 =	simm.s32 $0x9;
	_ =	strace $0x80000048  }
0xb4: {  	_ =	swait.ge [sflag:s29], $0x1  }
0xb5: {  	[sflag:s29] =	ssyncadd.s32 $0xFFFFFFFF  }
0xb6: {  	_ =	strace $0x90000048  }
0xb7: {  	_ =	sfence  }
0xb8: {  	s30 =	sld [smem:$0x0];
	_ =	sdelay $0x2  }
0xb9: {  	s31 =	sshll.u32 s1, $0xD;
	s1 =	sshrl.u32 s1, $0x2  }
0xba: {  	s3 =	sand.u32 $0x4000, s31;
	s1 =	sadd.s32 s1, s30  }
0xbb: {  	s0 =	sor.u32 s3, s0;
	s1 =	sshll.u32 s1, $0x11  }
0xbc: {  	s0 =	sor.u32 s1, s0  }
0xbd: {  	s0 =	sadd.s32 $0x8F2B, s0  }
0xbe: {  	[sflag:s0] =	ssyncadd.remote.s32 $0x1  }
0xbf: {  	_ =	sfence.sel $0xFFFF  }
0xc0: {  	[dreg:$0x0] =	wrdreg $0xFFFFFFFF;
	(pc) =	sbr.abs _section_cstart, $3  }
0xc1: {  	[dreg:$0x1] =	wrdreg $0xFFFFFFFF  }
0xc2: {  	_ =	task.clear_ibuf [dreg:s7], $0x2FFFF;
	_ =	strace $0x9FFFFFFF  }
0xc3: {  	(tm) =	ssettm $0x7FFFFFFF  }
tec
execute0_lowered:
.L_overlay_start_1:
0x0: {  	(tag) =	ssettag $0x1  }
0x1: {  	s4 =	rddreg [dreg:$0x0]  }
0x2: {  	s5 =	rddreg [dreg:$0x1]  }
0x3: {  	s1 =	rddreg [dreg:$0x2]  }
0x4: {  	s0 =	rddreg [dreg:$0x3];
	s2 =	simm.s32 $0x0  }
0x5: {  	s6 =	srdreg.scid;
	s7 =	stileid.u32;
	s12 =	simm.s32 $0x0  }
0x6: {  	[smem:$0x7FF] =	sst s2;
	s3 =	sadd.s32 $0x16A00, s5;
	s6 =	sand.u32 $0x1, s6  }
0x7: {  	s10 =	sshll.u32 s7, $0xB;
	p0 =	sne.s32 s7, $0x0;
	_ =	strace $0x80000047  }
0x8: {  	s8 =	smul.u32 $0x4F0, s6;
	s9 =	ssub.s32 $0x2, s6;
	s6 =	sshll.u32 s6, $0xF  }
0x9: {  	s4 =	sadd.s32 s4, s10;
	s7 =	sshrl.u32 @!p0 s1, $0x3;
	s10 =	simm.s32 $0x4000  }
0xa: {  	s11 =	sshrl.u32 s9, $0x1;
	s4 =	sadd.s32 s6, s4;
	s5 =	sadd.s32 s8, s5  }
0xb: {  	s31 =	ssub.s32 s9, s11;
	s8 =	simm.s32 $0x2;
	s9 =	simm.s32 $0x50  }
0xc: {  	v0 =	vimm.f32 $1.000000000e+00;
	s11 =	simm.s32 $0x1;
	s5 =	sadd.s32 $0x17000, s5;
	s6 =	smax.u32 s31, $0x1  }
.LBB2_1:
0xd: {  	s13 =	simm.s32 @!p0 $0x1C02  }
0xe: {  	[spmem:s7], [sflag:s13] =	dma.local @!p0 [hbm:s3], $0x4F0  }
0xf: {  	s13 =	simm.s32 @!p0 $0x2  }
0x10: {  	_ =	swait.ge @!p0 [sflag:s13], $0x4F0  }
0x11: {  	[sflag:s13] =	ssyncset.done @!p0 $0x0  }
0x12: {  	[sflag:s13] =	ssyncadd.s32 @!p0 $0xFFFFFB10  }
0x13: {  	[tilespmem:$0x4000] =	vst v0  }
0x14: {  	[tilespmem:$0x4010] =	vst v0  }
0x15: {  	[tilespmem:$0x4020] =	vst v0  }
0x16: {  	[tilespmem:$0x4030] =	vst v0  }
0x17: {  	[tilespmem:$0x4040] =	vst v0  }
0x18: {  	[tilespmem:s2], [sflag:$0x2] =	stream.linear.gather [hbm4b:s4+s2], $0x3E80, $0x38;
	[tilespmem:$0x42F8] =	vst v63  }
0x19: {  	_ =	swait.ge [sflag:s8], $0x3E80  }
0x1a: {  	[sflag:s8] =	ssyncset.done $0x0  }
0x1b: {  	[sflag:s8] =	ssyncadd.s32 $0xFFFFC180  }
0x1c: {  	s13 =	simm.s32 $0x0;
	[bflag:$0x0] =	sbarrier.arrive $0xFFFF  }
.LBB2_2:
0x1d: {  	p1 =	sne.s32 s13, $0xF800  }
.Ltmp0:
0x1e: {  	_ = 	snop;
	(pc) =	sbr.rel @p1 .LBB2_2-.Ltmp0, $3  }
0x1f: {  	_ =	sdelay $0x1  }
0x20: {  	s14 =	sshra.s32 s13, $0x2;
	s13 =	sadd.s32 $0x200, s13  }
0x21: {  	[spmem:s1] =	stream.indirect.scatter.add.f32 [tilespmem:s10], [sflag:$0x1], $0x1, s14, s9, $0xb8;
	[tilespmem:$0x42F8] =	vst v63  }
0x22: {  	_ =	swait.ge [sflag:s11], $0x50  }
0x23: {  	s13 =	simm.s32 $0x7C;
	[sflag:s11] =	ssyncset.done $0x0  }
.LBB2_4:
0x24: {  	p1 =	sne.s32 s13, $0x1;
	s13 =	sadd.s32 $0xFFFFFFFF, s13;
	[sflag:s11] =	ssyncadd.s32 $0xFFFFFFB0  }
.Ltmp1:
0x25: {  	(pc) =	sbr.rel @p1 .LBB2_4-.Ltmp1, $3  }
0x26: {  	_ =	sdelay $0x1  }
0x27: {  	_ =	swait.ge [sflag:s11], $0x50  }
0x28: {  	[sflag:s11] =	ssyncset.done $0x0  }
0x29: {  	[sflag:s11] =	ssyncadd.s32 $0xFFFFFFB0;
	s12 =	sadd.s32 $0x1, s12  }
0x2a: {  	s13 =	simm.s32 @!p0 $0x1C02;
	[bflag:$0x0] =	sbarrier.arrive $0xFFFF;
	p1 =	sne.s32 s12, s6  }
0x2b: {  	[hbm:s5], [sflag:s13] =	dma.local @!p0 [spmem:s7], $0x4F0  }
.Ltmp2:
0x2c: {  	_ = 	snop;
	(pc) =	sbr.rel @p1 .LBB2_1-.Ltmp2, $4  }
0x2d: {  	s13 =	simm.s32 @!p0 $0x2  }
0x2e: {  	_ =	swait.ge @!p0 [sflag:s13], $0x4F0  }
0x2f: {  	[sflag:s13] =	ssyncset.done @!p0 $0x0  }
0x30: {  	[sflag:s13] =	ssyncadd.s32 @!p0 $0xFFFFFB10  }
0x31: {  	_ =	sfence.sel $0x180000  }
0x32: {  	[bflag:$0x0] =	sbarrier.arrive $0xFFFF  }
0x33: {  	_ =	strace $0x90000047  }
0x34: {  	s0 =	sadd.s32 @!p0 $0x100000, s0;
	[bflag:$0x2] =	sbarrier.arrive $0xFFFF  }
0x35: {  	[sflag:s0] =	ssyncadd.tile.s32 @!p0 $0x1;
	_ =	shalt  }
.Lfunc_end2:
_tile_overlayer_lowered:
.L_overlay_start_2:
0x36: {  	(tag) =	ssettag $0x2  }
0x37: {  	s0 =	rddreg [dreg:$0x0];
	s2 =	stileid.u32  }
0x38: {  	s1 =	rddreg [dreg:$0x1];
	p0 =	sne.s32 s2, $0x0  }
0x39: {  	s3 =	rddreg [dreg:$0x2];
	[bflag:$0x3] =	sbarrier.arrive $0xFFFF;
	s2 =	simm.s32 @!p0 $0x1C02  }
0x3a: {  	[timem:s3], [sflag:s2] =	dma.local @!p0 [hbm:s0], s1  }
0x3b: {  	s0 =	simm.s32 @!p0 $0x2  }
0x3c: {  	_ =	swait.ge @!p0 [sflag:s0], s1  }
0x3d: {  	s1 =	ssub.s32 @!p0 $0x0, s1;
	[sflag:s0] =	ssyncset.done @!p0 $0x0  }
0x3e: {  	[sflag:s0] =	ssyncadd.s32 @!p0 s1  }
0x3f: {  	[bflag:$0x3] =	sbarrier.arrive $0xFFFF  }
0x40: {  	_ =	shalt  }

</sc_bundles>
